<compile_context>
chip_gen: v7x
topology: tpu7x:2x2x1
jax: 0.10.2.dev20260603
libtpu: 0.0.44.dev20260713+nightly
codegen_flags: <defaults>
</compile_context>

<pallas_src>
import functools

import jax
import jax.numpy as jnp
import numpy as np
from jax import lax
from jax.experimental import pallas as pl
from jax.experimental.pallas import tpu as pltpu
from jax.experimental.pallas import tpu_sc as plsc

_D = 64
_SCALE = 8.0
_NW = 32
_CHUNK = 200
_SEQ = 200


def _positional_encoding(length, depth):
    half = depth / 2
    positions = np.arange(length)[:, None]
    depths = np.arange(half)[None, :] / half
    angle_rates = 1 / 10000**depths
    angle_rads = positions * angle_rates
    return np.concatenate(
        [np.sin(angle_rads), np.cos(angle_rads)], axis=-1
    ).astype(np.float32)


def _sc_gather_fused(table_r, idx_flat, pos):
    n = idx_flat.shape[0]
    per_w = n // _NW
    n_chunks = per_w // _CHUNK
    mesh = plsc.VectorSubcoreMesh(core_axis_name="c", subcore_axis_name="s")

    @functools.partial(
        pl.kernel,
        out_type=jax.ShapeDtypeStruct((n, _D), jnp.float32),
        mesh=mesh,
        scratch_types=[
            pltpu.VMEM((_CHUNK,), jnp.int32),
            pltpu.VMEM((_CHUNK,), jnp.int32),
            pltpu.VMEM((_CHUNK, _D), jnp.float32),
            pltpu.VMEM((_CHUNK, _D), jnp.float32),
            pltpu.VMEM((_SEQ, _D), jnp.float32),
            pltpu.SemaphoreType.DMA,
            pltpu.SemaphoreType.DMA,
            pltpu.SemaphoreType.DMA,
            pltpu.SemaphoreType.DMA,
            pltpu.SemaphoreType.DMA,
            pltpu.SemaphoreType.DMA,
            pltpu.SemaphoreType.DMA,
        ],
    )
    def k(
        table_hbm, idx_hbm, pos_hbm, out_hbm,
        idx0, idx1, rows0, rows1, pos_v,
        psem, isem0, isem1, gsem0, gsem1, osem0, osem1,
    ):
        wid = lax.axis_index("s") * 2 + lax.axis_index("c")
        base = wid * per_w
        idx_b = (idx0, idx1)
        rows_b = (rows0, rows1)
        isem_b = (isem0, isem1)
        gsem_b = (gsem0, gsem1)
        osem_b = (osem0, osem1)

        pltpu.async_copy(pos_hbm, pos_v, psem).wait()
        pltpu.async_copy(idx_hbm.at[pl.ds(base, _CHUNK)], idx0, isem0)
        pltpu.async_copy(
            idx_hbm.at[pl.ds(base + _CHUNK, _CHUNK)], idx1, isem1
        )

        def wait_idx(b):
            pltpu.make_async_copy(
                idx_hbm.at[pl.ds(0, _CHUNK)], idx_b[b], isem_b[b]
            ).wait()

        def drain_rows(b):
            pltpu.make_async_copy(
                out_hbm.at[pl.ds(0, _CHUNK)], rows_b[b], gsem_b[b]
            ).wait()

        def wait_out(b):
            pltpu.make_async_copy(
                rows_b[b], out_hbm.at[pl.ds(0, _CHUNK)], osem_b[b]
            ).wait()

        def enqueue_gathers(b):
            @pl.loop(0, _CHUNK // 16)
            def _(g):
                vec = idx_b[b][pl.ds(g * 16, 16)]
                for kk in range(16):
                    i = vec[kk]
                    pltpu.async_copy(
                        table_hbm.at[i >> 3, pl.ds(i & 7, 1), :],
                        rows_b[b].at[pl.ds(g * 16 + kk, 1), :],
                        gsem_b[b],
                    )

            vec = idx_b[b][pl.ds(_CHUNK - 16, 16)]
            for kk in range(8, 16):
                i = vec[kk]
                pltpu.async_copy(
                    table_hbm.at[i >> 3, pl.ds(i & 7, 1), :],
                    rows_b[b].at[pl.ds(_CHUNK - 16 + kk, 1), :],
                    gsem_b[b],
                )

        def fma_and_writeback(b, c):
            @pl.loop(0, _CHUNK)
            def _(j):
                r = rows_b[b].at[j]
                p = pos_v.at[j]
                for t in range(_D // 16):
                    sl = pl.ds(t * 16, 16)
                    r[sl] = r[sl] * _SCALE + p[sl]

            pltpu.async_copy(
                rows_b[b],
                out_hbm.at[pl.ds(base + c * _CHUNK, _CHUNK)],
                osem_b[b],
            )

        @pl.loop(0, n_chunks // 2)
        def _(co):
            for b in range(2):
                c = co * 2 + b

                @pl.when(c >= 2)
                def _():
                    wait_out(b)

                wait_idx(b)
                enqueue_gathers(b)

                @pl.when(c + 2 < n_chunks)
                def _():
                    pltpu.async_copy(
                        idx_hbm.at[pl.ds(base + (c + 2) * _CHUNK, _CHUNK)],
                        idx_b[b], isem_b[b],
                    )

                @pl.when(c >= 1)
                def _():
                    drain_rows(1 - b)
                    fma_and_writeback(1 - b, c - 1)

        drain_rows(1)
        fma_and_writeback(1, n_chunks - 1)
        wait_out(0)
        wait_out(1)

    return k(table_r, idx_flat, pos)


def kernel(x, table):
    batch, seq = x.shape
    pos = jnp.asarray(_positional_encoding(seq, _D))
    idx_flat = x.reshape(batch * seq)
    table_r = table.reshape(table.shape[0] // 8, 8, _D)
    g = _sc_gather_fused(table_r, idx_flat, pos)
    return g.reshape(batch, seq, _D)

# --- scband reference (transcript-rebuilt; emitter-appended) ---
"""Pipeline reference for scband-positional-embedding-18829136626409 (READ-ONLY COPY).

The authoritative reference and input builder live on the scoring server;
editing this copy changes nothing except your own understanding.
"""

import jax, jax.numpy as jnp
import numpy as np

VOCAB = 1000000
D_MODEL = 64
BATCH = 1024
SEQ = 200

def positional_encoding(length, depth):
    depth = depth / 2
    positions = np.arange(length)[:, np.newaxis]
    depths = np.arange(depth)[np.newaxis, :] / depth
    angle_rates = 1 / 10000 ** depths
    angle_rads = positions * angle_rates
    pos_encoding = np.concatenate([np.sin(angle_rads), np.cos(angle_rads)], axis=-1)
    return jnp.asarray(pos_encoding, dtype=jnp.float32)


def setup_inputs(seed: int = 0) -> dict:
    key = jax.random.key(seed)
    k1, k2 = jax.random.split(key)
    x = jax.random.randint(k1, (BATCH, SEQ), 0, VOCAB, dtype=jnp.int32)
    table = jax.random.normal(k2, (VOCAB, D_MODEL), dtype=jnp.float32) * 0.02
    return {"x": x, "table": table}


def reference(x, table):
    length = x.shape[1]
    emb = jnp.take(table, x, axis=0)
    emb = emb * jnp.sqrt(jnp.asarray(D_MODEL, dtype=jnp.float32))
    pos_enc = positional_encoding(length=2048, depth=D_MODEL)
    out = emb + pos_enc[jnp.newaxis, :length, :]
    return out

if __name__ == "__main__":
    import jax
    _d = setup_inputs()
    print(jax.jit(kernel)(*tuple(_d.values())))

</pallas_src>

<mosaic_0001>
#map = affine_map<(d0, d1) -> (0, 0, 0)>
#map1 = affine_map<(d0, d1) -> (0)>
#map2 = affine_map<(d0, d1) -> (0, 0)>
module attributes {stable_mosaic.version = 14 : i64} {
  func.func @k(%arg0: i32, %arg1: i32, %arg2: memref<125000x8x64xf32, #tpu.memory_space<hbm>>, %arg3: memref<204800xi32, #tpu.memory_space<hbm>>, %arg4: memref<200x64xf32, #tpu.memory_space<hbm>>, %arg5: memref<204800x64xf32, #tpu.memory_space<hbm>>, %arg6: memref<200xi32, #tpu.memory_space<vmem>>, %arg7: memref<200xi32, #tpu.memory_space<vmem>>, %arg8: memref<200x64xf32, #tpu.memory_space<vmem>>, %arg9: memref<200x64xf32, #tpu.memory_space<vmem>>, %arg10: memref<200x64xf32, #tpu.memory_space<vmem>>, %arg11: memref<!tpu.dma_semaphore, #tpu.memory_space<semaphore_mem>>, %arg12: memref<!tpu.dma_semaphore, #tpu.memory_space<semaphore_mem>>, %arg13: memref<!tpu.dma_semaphore, #tpu.memory_space<semaphore_mem>>, %arg14: memref<!tpu.dma_semaphore, #tpu.memory_space<semaphore_mem>>, %arg15: memref<!tpu.dma_semaphore, #tpu.memory_space<semaphore_mem>>, %arg16: memref<!tpu.dma_semaphore, #tpu.memory_space<semaphore_mem>>, %arg17: memref<!tpu.dma_semaphore, #tpu.memory_space<semaphore_mem>>) attributes {dimension_semantics = [#tpu.dimension_semantics<core_parallel>, #tpu.dimension_semantics<subcore_parallel>], iteration_bounds = array<i64: 2, 16>, scalar_prefetch = 0 : i64, scratch_operands = 12 : i64, tpu.core_type = #tpu.core_type<sc_vector_subcore>, window_params = [{transform_indices = #map}, {transform_indices = #map1}, {transform_indices = #map2}, {transform_indices = #map2}]} {
    %mul3A = arith.constant 2 : i32
    %mul3A_0 = arith.muli %arg1, %mul3A : i32
    %add3A = arith.addi %mul3A_0, %arg0 : i32
    %mul3A_1 = arith.constant 6400 : i32
    %mul3A_2 = arith.muli %add3A, %mul3A_1 : i32
    tpu.enqueue_dma source(%arg4 : memref<200x64xf32, #tpu.memory_space<hbm>>) target(%arg10 : memref<200x64xf32, #tpu.memory_space<vmem>>) target_semaphore(%arg11 : memref<!tpu.dma_semaphore, #tpu.memory_space<semaphore_mem>>)
    tpu.wait_dma2 semaphore(%arg11 : memref<!tpu.dma_semaphore, #tpu.memory_space<semaphore_mem>>) src(%arg4 : memref<200x64xf32, #tpu.memory_space<hbm>>) dst(%arg10 : memref<200x64xf32, #tpu.memory_space<vmem>>)
    %dma_start3A = tpu.memref_slice %arg3[%mul3A_2] : memref<204800xi32, #tpu.memory_space<hbm>> -> memref<200xi32, #tpu.memory_space<hbm>>
    %dma_start3A_3 = tpu.memref_slice %arg3[%mul3A_2] : memref<204800xi32, #tpu.memory_space<hbm>> -> memref<200xi32, #tpu.memory_space<hbm>>
    tpu.enqueue_dma source(%dma_start3A_3 : memref<200xi32, #tpu.memory_space<hbm>>) target(%arg6 : memref<200xi32, #tpu.memory_space<vmem>>) target_semaphore(%arg12 : memref<!tpu.dma_semaphore, #tpu.memory_space<semaphore_mem>>)
    %add3A_4 = arith.constant 200 : i32
    %add3A_5 = arith.addi %mul3A_2, %add3A_4 : i32
    %dma_start3A_6 = tpu.memref_slice %arg3[%add3A_5] : memref<204800xi32, #tpu.memory_space<hbm>> -> memref<200xi32, #tpu.memory_space<hbm>>
    %dma_start3A_7 = tpu.memref_slice %arg3[%add3A_5] : memref<204800xi32, #tpu.memory_space<hbm>> -> memref<200xi32, #tpu.memory_space<hbm>>
    tpu.enqueue_dma source(%dma_start3A_7 : memref<200xi32, #tpu.memory_space<hbm>>) target(%arg7 : memref<200xi32, #tpu.memory_space<vmem>>) target_semaphore(%arg13 : memref<!tpu.dma_semaphore, #tpu.memory_space<semaphore_mem>>)
    %scan3A = arith.constant 0 : i32
    %scan3A_8 = arith.constant 16 : i32
    %scan3A_9 = arith.addi %scan3A, %scan3A_8 : i32
    %scan3A_10 = arith.constant 1 : i32
    scf.for %scan3A_40 = %scan3A to %scan3A_9 step %scan3A_10  : i32 {
      %mul3A_41 = arith.constant 1 : i32
      %mul3A_42 = arith.muli %scan3A_40, %mul3A_41 : i32
      %add3A_43 = arith.constant 0 : i32
      %add3A_44 = arith.addi %add3A_43, %mul3A_42 : i32
      %mul3A_45 = arith.constant 2 : i32
      %mul3A_46 = arith.muli %add3A_44, %mul3A_45 : i32
      %add3A_47 = arith.constant 0 : i32
      %add3A_48 = arith.addi %mul3A_46, %add3A_47 : i32
      %ge3A = arith.constant 2 : i32
      %ge3A_49 = arith.cmpi sge, %add3A_48, %ge3A : i32
      %convert_element_type3A = arith.extui %ge3A_49 : i1 to i32
      %cond3A = arith.constant 0 : i32
      %cond3A_50 = arith.cmpi ne, %convert_element_type3A, %cond3A : i32
      scf.if %cond3A_50 {
        %dma_wait3A_390 = arith.constant 0 : i32
        %dma_wait3A_391 = arith.constant 0 : i32
        %dma_wait3A_392 = tpu.memref_slice %arg5[%dma_wait3A_390, %dma_wait3A_391] : memref<204800x64xf32, #tpu.memory_space<hbm>> -> memref<200x64xf32, #tpu.memory_space<hbm>>
        %dma_wait3A_393 = arith.constant 0 : i32
        %dma_wait3A_394 = arith.constant 0 : i32
        %dma_wait3A_395 = tpu.memref_slice %arg5[%dma_wait3A_393, %dma_wait3A_394] : memref<204800x64xf32, #tpu.memory_space<hbm>> -> memref<200x64xf32, #tpu.memory_space<hbm>>
        tpu.wait_dma2 semaphore(%arg16 : memref<!tpu.dma_semaphore, #tpu.memory_space<semaphore_mem>>) src(%arg8 : memref<200x64xf32, #tpu.memory_space<vmem>>) dst(%dma_wait3A_395 : memref<200x64xf32, #tpu.memory_space<hbm>>)
      } else {
      }
      %dma_wait3A_51 = arith.constant 0 : i32
      %dma_wait3A_52 = tpu.memref_slice %arg3[%dma_wait3A_51] : memref<204800xi32, #tpu.memory_space<hbm>> -> memref<200xi32, #tpu.memory_space<hbm>>
      %dma_wait3A_53 = arith.constant 0 : i32
      %dma_wait3A_54 = tpu.memref_slice %arg3[%dma_wait3A_53] : memref<204800xi32, #tpu.memory_space<hbm>> -> memref<200xi32, #tpu.memory_space<hbm>>
      tpu.wait_dma2 semaphore(%arg12 : memref<!tpu.dma_semaphore, #tpu.memory_space<semaphore_mem>>) src(%dma_wait3A_54 : memref<200xi32, #tpu.memory_space<hbm>>) dst(%arg6 : memref<200xi32, #tpu.memory_space<vmem>>)
      %scan3A_55 = arith.constant 0 : i32
      %scan3A_56 = arith.constant 12 : i32
      %scan3A_57 = arith.addi %scan3A_55, %scan3A_56 : i32
      %scan3A_58 = arith.constant 1 : i32
      scf.for %scan3A_390 = %scan3A_55 to %scan3A_57 step %scan3A_58  : i32 {
        %mul3A_391 = arith.constant 1 : i32
        %mul3A_392 = arith.muli %scan3A_390, %mul3A_391 : i32
        %add3A_393 = arith.constant 0 : i32
        %add3A_394 = arith.addi %add3A_393, %mul3A_392 : i32
        %mul3A_395 = arith.constant 16 : i32
        %mul3A_396 = arith.muli %add3A_394, %mul3A_395 : i32
        %get3A_397 = arith.index_cast %mul3A_396 : i32 to index
        %get3A_398 = tpu.vector_load %arg6[%get3A_397] {strides = array<i32>} : memref<200xi32, #tpu.memory_space<vmem>>, vector<16xi32>,
        %get3A_399 = vector.shape_cast %get3A_398 : vector<16xi32> to vector<16xi32>
        %slice3A_400 = vector.extract_strided_slice %get3A_399 {offsets = [0], sizes = [1], strides = [1]} : vector<16xi32> to vector<1xi32>
        %squeeze3A_401 = vector.extract %slice3A_400[0] : i32 from vector<1xi32>
        %shift_right_arithmetic3A_402 = arith.constant 3 : i32
        %shift_right_arithmetic3A_403 = arith.shrsi %squeeze3A_401, %shift_right_arithmetic3A_402 : i32
        %and3A_404 = arith.constant 7 : i32
        %and3A_405 = arith.andi %squeeze3A_401, %and3A_404 : i32
        %mul3A_406 = arith.constant 16 : i32
        %mul3A_407 = arith.muli %add3A_394, %mul3A_406 : i32
        %add3A_408 = arith.constant 0 : i32
        %add3A_409 = arith.addi %mul3A_407, %add3A_408 : i32
        %dma_start3A_410 = arith.constant 0 : i32
        %dma_start3A_411 = tpu.memref_slice %arg8[%add3A_409, %dma_start3A_410] : memref<200x64xf32, #tpu.memory_space<vmem>> -> memref<1x64xf32, #tpu.memory_space<vmem>>
        %dma_start3A_412 = arith.constant 0 : i32
        %dma_start3A_413 = tpu.memref_slice %arg2[%shift_right_arithmetic3A_403, %and3A_405, %dma_start3A_412] : memref<125000x8x64xf32, #tpu.memory_space<hbm>> -> memref<1x1x64xf32, #tpu.memory_space<hbm>>
        %dma_start3A_414 = tpu.memref_squeeze %dma_start3A_413 : memref<1x1x64xf32, #tpu.memory_space<hbm>> -> memref<1x64xf32, #tpu.memory_space<hbm>>
        %dma_start3A_415 = arith.constant 0 : i32
        %dma_start3A_416 = tpu.memref_slice %arg8[%add3A_409, %dma_start3A_415] : memref<200x64xf32, #tpu.memory_space<vmem>> -> memref<1x64xf32, #tpu.memory_space<vmem>>
        %dma_start3A_417 = arith.constant 0 : i32
        %dma_start3A_418 = tpu.memref_slice %arg2[%shift_right_arithmetic3A_403, %and3A_405, %dma_start3A_417] : memref<125000x8x64xf32, #tpu.memory_space<hbm>> -> memref<1x1x64xf32, #tpu.memory_space<hbm>>
        %dma_start3A_419 = tpu.memref_squeeze %dma_start3A_418 : memref<1x1x64xf32, #tpu.memory_space<hbm>> -> memref<1x64xf32, #tpu.memory_space<hbm>>
        tpu.enqueue_dma source(%dma_start3A_419 : memref<1x64xf32, #tpu.memory_space<hbm>>) target(%dma_start3A_416 : memref<1x64xf32, #tpu.memory_space<vmem>>) target_semaphore(%arg14 : memref<!tpu.dma_semaphore, #tpu.memory_space<semaphore_mem>>)
        %slice3A_420 = vector.extract_strided_slice %get3A_399 {offsets = [1], sizes = [1], strides = [1]} : vector<16xi32> to vector<1xi32>
        %squeeze3A_421 = vector.extract %slice3A_420[0] : i32 from vector<1xi32>
        %shift_right_arithmetic3A_422 = arith.constant 3 : i32
        %shift_right_arithmetic3A_423 = arith.shrsi %squeeze3A_421, %shift_right_arithmetic3A_422 : i32
        %and3A_424 = arith.constant 7 : i32
        %and3A_425 = arith.andi %squeeze3A_421, %and3A_424 : i32
        %mul3A_426 = arith.constant 16 : i32
        %mul3A_427 = arith.muli %add3A_394, %mul3A_426 : i32
        %add3A_428 = arith.constant 1 : i32
        %add3A_429 = arith.addi %mul3A_427, %add3A_428 : i32
        %dma_start3A_430 = arith.constant 0 : i32
        %dma_start3A_431 = tpu.memref_slice %arg8[%add3A_429, %dma_start3A_430] : memref<200x64xf32, #tpu.memory_space<vmem>> -> memref<1x64xf32, #tpu.memory_space<vmem>>
        %dma_start3A_432 = arith.constant 0 : i32
        %dma_start3A_433 = tpu.memref_slice %arg2[%shift_right_arithmetic3A_423, %and3A_425, %dma_start3A_432] : memref<125000x8x64xf32, #tpu.memory_space<hbm>> -> memref<1x1x64xf32, #tpu.memory_space<hbm>>
        %dma_start3A_434 = tpu.memref_squeeze %dma_start3A_433 : memref<1x1x64xf32, #tpu.memory_space<hbm>> -> memref<1x64xf32, #tpu.memory_space<hbm>>
        %dma_start3A_435 = arith.constant 0 : i32
        %dma_start3A_436 = tpu.memref_slice %arg8[%add3A_429, %dma_start3A_435] : memref<200x64xf32, #tpu.memory_space<vmem>> -> memref<1x64xf32, #tpu.memory_space<vmem>>
        %dma_start3A_437 = arith.constant 0 : i32
        %dma_start3A_438 = tpu.memref_slice %arg2[%shift_right_arithmetic3A_423, %and3A_425, %dma_start3A_437] : memref<125000x8x64xf32, #tpu.memory_space<hbm>> -> memref<1x1x64xf32, #tpu.memory_space<hbm>>
        %dma_start3A_439 = tpu.memref_squeeze %dma_start3A_438 : memref<1x1x64xf32, #tpu.memory_space<hbm>> -> memref<1x64xf32, #tpu.memory_space<hbm>>
        tpu.enqueue_dma source(%dma_start3A_439 : memref<1x64xf32, #tpu.memory_space<hbm>>) target(%dma_start3A_436 : memref<1x64xf32, #tpu.memory_space<vmem>>) target_semaphore(%arg14 : memref<!tpu.dma_semaphore, #tpu.memory_space<semaphore_mem>>)
        %slice3A_440 = vector.extract_strided_slice %get3A_399 {offsets = [2], sizes = [1], strides = [1]} : vector<16xi32> to vector<1xi32>
        %squeeze3A_441 = vector.extract %slice3A_440[0] : i32 from vector<1xi32>
        %shift_right_arithmetic3A_442 = arith.constant 3 : i32
        %shift_right_arithmetic3A_443 = arith.shrsi %squeeze3A_441, %shift_right_arithmetic3A_442 : i32
        %and3A_444 = arith.constant 7 : i32
        %and3A_445 = arith.andi %squeeze3A_441, %and3A_444 : i32
        %mul3A_446 = arith.constant 16 : i32
        %mul3A_447 = arith.muli %add3A_394, %mul3A_446 : i32
        %add3A_448 = arith.constant 2 : i32
        %add3A_449 = arith.addi %mul3A_447, %add3A_448 : i32
        %dma_start3A_450 = arith.constant 0 : i32
        %dma_start3A_451 = tpu.memref_slice %arg8[%add3A_449, %dma_start3A_450] : memref<200x64xf32, #tpu.memory_space<vmem>> -> memref<1x64xf32, #tpu.memory_space<vmem>>
        %dma_start3A_452 = arith.constant 0 : i32
        %dma_start3A_453 = tpu.memref_slice %arg2[%shift_right_arithmetic3A_443, %and3A_445, %dma_start3A_452] : memref<125000x8x64xf32, #tpu.memory_space<hbm>> -> memref<1x1x64xf32, #tpu.memory_space<hbm>>
        %dma_start3A_454 = tpu.memref_squeeze %dma_start3A_453 : memref<1x1x64xf32, #tpu.memory_space<hbm>> -> memref<1x64xf32, #tpu.memory_space<hbm>>
        %dma_start3A_455 = arith.constant 0 : i32
        %dma_start3A_456 = tpu.memref_slice %arg8[%add3A_449, %dma_start3A_455] : memref<200x64xf32, #tpu.memory_space<vmem>> -> memref<1x64xf32, #tpu.memory_space<vmem>>
        %dma_start3A_457 = arith.constant 0 : i32
        %dma_start3A_458 = tpu.memref_slice %arg2[%shift_right_arithmetic3A_443, %and3A_445, %dma_start3A_457] : memref<125000x8x64xf32, #tpu.memory_space<hbm>> -> memref<1x1x64xf32, #tpu.memory_space<hbm>>
        %dma_start3A_459 = tpu.memref_squeeze %dma_start3A_458 : memref<1x1x64xf32, #tpu.memory_space<hbm>> -> memref<1x64xf32, #tpu.memory_space<hbm>>
        tpu.enqueue_dma source(%dma_start3A_459 : memref<1x64xf32, #tpu.memory_space<hbm>>) target(%dma_start3A_456 : memref<1x64xf32, #tpu.memory_space<vmem>>) target_semaphore(%arg14 : memref<!tpu.dma_semaphore, #tpu.memory_space<semaphore_mem>>)
        %slice3A_460 = vector.extract_strided_slice %get3A_399 {offsets = [3], sizes = [1], strides = [1]} : vector<16xi32> to vector<1xi32>
        %squeeze3A_461 = vector.extract %slice3A_460[0] : i32 from vector<1xi32>
        %shift_right_arithmetic3A_462 = arith.constant 3 : i32
        %shift_right_arithmetic3A_463 = arith.shrsi %squeeze3A_461, %shift_right_arithmetic3A_462 : i32
        %and3A_464 = arith.constant 7 : i32
        %and3A_465 = arith.andi %squeeze3A_461, %and3A_464 : i32
        %mul3A_466 = arith.constant 16 : i32
        %mul3A_467 = arith.muli %add3A_394, %mul3A_466 : i32
        %add3A_468 = arith.constant 3 : i32
        %add3A_469 = arith.addi %mul3A_467, %add3A_468 : i32
        %dma_start3A_470 = arith.constant 0 : i32
        %dma_start3A_471 = tpu.memref_slice %arg8[%add3A_469, %dma_start3A_470] : memref<200x64xf32, #tpu.memory_space<vmem>> -> memref<1x64xf32, #tpu.memory_space<vmem>>
        %dma_start3A_472 = arith.constant 0 : i32
        %dma_start3A_473 = tpu.memref_slice %arg2[%shift_right_arithmetic3A_463, %and3A_465, %dma_start3A_472] : memref<125000x8x64xf32, #tpu.memory_space<hbm>> -> memref<1x1x64xf32, #tpu.memory_space<hbm>>
        %dma_start3A_474 = tpu.memref_squeeze %dma_start3A_473 : memref<1x1x64xf32, #tpu.memory_space<hbm>> -> memref<1x64xf32, #tpu.memory_space<hbm>>
        %dma_start3A_475 = arith.constant 0 : i32
        %dma_start3A_476 = tpu.memref_slice %arg8[%add3A_469, %dma_start3A_475] : memref<200x64xf32, #tpu.memory_space<vmem>> -> memref<1x64xf32, #tpu.memory_space<vmem>>
        %dma_start3A_477 = arith.constant 0 : i32
        %dma_start3A_478 = tpu.memref_slice %arg2[%shift_right_arithmetic3A_463, %and3A_465, %dma_start3A_477] : memref<125000x8x64xf32, #tpu.memory_space<hbm>> -> memref<1x1x64xf32, #tpu.memory_space<hbm>>
        %dma_start3A_479 = tpu.memref_squeeze %dma_start3A_478 : memref<1x1x64xf32, #tpu.memory_space<hbm>> -> memref<1x64xf32, #tpu.memory_space<hbm>>
        tpu.enqueue_dma source(%dma_start3A_479 : memref<1x64xf32, #tpu.memory_space<hbm>>) target(%dma_start3A_476 : memref<1x64xf32, #tpu.memory_space<vmem>>) target_semaphore(%arg14 : memref<!tpu.dma_semaphore, #tpu.memory_space<semaphore_mem>>)
        %slice3A_480 = vector.extract_strided_slice %get3A_399 {offsets = [4], sizes = [1], strides = [1]} : vector<16xi32> to vector<1xi32>
        %squeeze3A_481 = vector.extract %slice3A_480[0] : i32 from vector<1xi32>
        %shift_right_arithmetic3A_482 = arith.constant 3 : i32
        %shift_right_arithmetic3A_483 = arith.shrsi %squeeze3A_481, %shift_right_arithmetic3A_482 : i32
        %and3A_484 = arith.constant 7 : i32
        %and3A_485 = arith.andi %squeeze3A_481, %and3A_484 : i32
        %mul3A_486 = arith.constant 16 : i32
        %mul3A_487 = arith.muli %add3A_394, %mul3A_486 : i32
        %add3A_488 = arith.constant 4 : i32
        %add3A_489 = arith.addi %mul3A_487, %add3A_488 : i32
        %dma_start3A_490 = arith.constant 0 : i32
        %dma_start3A_491 = tpu.memref_slice %arg8[%add3A_489, %dma_start3A_490] : memref<200x64xf32, #tpu.memory_space<vmem>> -> memref<1x64xf32, #tpu.memory_space<vmem>>
        %dma_start3A_492 = arith.constant 0 : i32
        %dma_start3A_493 = tpu.memref_slice %arg2[%shift_right_arithmetic3A_483, %and3A_485, %dma_start3A_492] : memref<125000x8x64xf32, #tpu.memory_space<hbm>> -> memref<1x1x64xf32, #tpu.memory_space<hbm>>
        %dma_start3A_494 = tpu.memref_squeeze %dma_start3A_493 : memref<1x1x64xf32, #tpu.memory_space<hbm>> -> memref<1x64xf32, #tpu.memory_space<hbm>>
        %dma_start3A_495 = arith.constant 0 : i32
        %dma_start3A_496 = tpu.memref_slice %arg8[%add3A_489, %dma_start3A_495] : memref<200x64xf32, #tpu.memory_space<vmem>> -> memref<1x64xf32, #tpu.memory_space<vmem>>
        %dma_start3A_497 = arith.constant 0 : i32
        %dma_start3A_498 = tpu.memref_slice %arg2[%shift_right_arithmetic3A_483, %and3A_485, %dma_start3A_497] : memref<125000x8x64xf32, #tpu.memory_space<hbm>> -> memref<1x1x64xf32, #tpu.memory_space<hbm>>
        %dma_start3A_499 = tpu.memref_squeeze %dma_start3A_498 : memref<1x1x64xf32, #tpu.memory_space<hbm>> -> memref<1x64xf32, #tpu.memory_space<hbm>>
        tpu.enqueue_dma source(%dma_start3A_499 : memref<1x64xf32, #tpu.memory_space<hbm>>) target(%dma_start3A_496 : memref<1x64xf32, #tpu.memory_space<vmem>>) target_semaphore(%arg14 : memref<!tpu.dma_semaphore, #tpu.memory_space<semaphore_mem>>)
        %slice3A_500 = vector.extract_strided_slice %get3A_399 {offsets = [5], sizes = [1], strides = [1]} : vector<16xi32> to vector<1xi32>
        %squeeze3A_501 = vector.extract %slice3A_500[0] : i32 from vector<1xi32>
        %shift_right_arithmetic3A_502 = arith.constant 3 : i32
        %shift_right_arithmetic3A_503 = arith.shrsi %squeeze3A_501, %shift_right_arithmetic3A_502 : i32
        %and3A_504 = arith.constant 7 : i32
        %and3A_505 = arith.andi %squeeze3A_501, %and3A_504 : i32
        %mul3A_506 = arith.constant 16 : i32
        %mul3A_507 = arith.muli %add3A_394, %mul3A_506 : i32
        %add3A_508 = arith.constant 5 : i32
        %add3A_509 = arith.addi %mul3A_507, %add3A_508 : i32
        %dma_start3A_510 = arith.constant 0 : i32
        %dma_start3A_511 = tpu.memref_slice %arg8[%add3A_509, %dma_start3A_510] : memref<200x64xf32, #tpu.memory_space<vmem>> -> memref<1x64xf32, #tpu.memory_space<vmem>>
        %dma_start3A_512 = arith.constant 0 : i32
        %dma_start3A_513 = tpu.memref_slice %arg2[%shift_right_arithmetic3A_503, %and3A_505, %dma_start3A_512] : memref<125000x8x64xf32, #tpu.memory_space<hbm>> -> memref<1x1x64xf32, #tpu.memory_space<hbm>>
        %dma_start3A_514 = tpu.memref_squeeze %dma_start3A_513 : memref<1x1x64xf32, #tpu.memory_space<hbm>> -> memref<1x64xf32, #tpu.memory_space<hbm>>
        %dma_start3A_515 = arith.constant 0 : i32
        %dma_start3A_516 = tpu.memref_slice %arg8[%add3A_509, %dma_start3A_515] : memref<200x64xf32, #tpu.memory_space<vmem>> -> memref<1x64xf32, #tpu.memory_space<vmem>>
        %dma_start3A_517 = arith.constant 0 : i32
        %dma_start3A_518 = tpu.memref_slice %arg2[%shift_right_arithmetic3A_503, %and3A_505, %dma_start3A_517] : memref<125000x8x64xf32, #tpu.memory_space<hbm>> -> memref<1x1x64xf32, #tpu.memory_space<hbm>>
        %dma_start3A_519 = tpu.memref_squeeze %dma_start3A_518 : memref<1x1x64xf32, #tpu.memory_space<hbm>> -> memref<1x64xf32, #tpu.memory_space<hbm>>
        tpu.enqueue_dma source(%dma_start3A_519 : memref<1x64xf32, #tpu.memory_space<hbm>>) target(%dma_start3A_516 : memref<1x64xf32, #tpu.memory_space<vmem>>) target_semaphore(%arg14 : memref<!tpu.dma_semaphore, #tpu.memory_space<semaphore_mem>>)
        %slice3A_520 = vector.extract_strided_slice %get3A_399 {offsets = [6], sizes = [1], strides = [1]} : vector<16xi32> to vector<1xi32>
        %squeeze3A_521 = vector.extract %slice3A_520[0] : i32 from vector<1xi32>
        %shift_right_arithmetic3A_522 = arith.constant 3 : i32
        %shift_right_arithmetic3A_523 = arith.shrsi %squeeze3A_521, %shift_right_arithmetic3A_522 : i32
        %and3A_524 = arith.constant 7 : i32
        %and3A_525 = arith.andi %squeeze3A_521, %and3A_524 : i32
        %mul3A_526 = arith.constant 16 : i32
        %mul3A_527 = arith.muli %add3A_394, %mul3A_526 : i32
        %add3A_528 = arith.constant 6 : i32
        %add3A_529 = arith.addi %mul3A_527, %add3A_528 : i32
        %dma_start3A_530 = arith.constant 0 : i32
        %dma_start3A_531 = tpu.memref_slice %arg8[%add3A_529, %dma_start3A_530] : memref<200x64xf32, #tpu.memory_space<vmem>> -> memref<1x64xf32, #tpu.memory_space<vmem>>
        %dma_start3A_532 = arith.constant 0 : i32
        %dma_start3A_533 = tpu.memref_slice %arg2[%shift_right_arithmetic3A_523, %and3A_525, %dma_start3A_532] : memref<125000x8x64xf32, #tpu.memory_space<hbm>> -> memref<1x1x64xf32, #tpu.memory_space<hbm>>
        %dma_start3A_534 = tpu.memref_squeeze %dma_start3A_533 : memref<1x1x64xf32, #tpu.memory_space<hbm>> -> memref<1x64xf32, #tpu.memory_space<hbm>>
        %dma_start3A_535 = arith.constant 0 : i32
        %dma_start3A_536 = tpu.memref_slice %arg8[%add3A_529, %dma_start3A_535] : memref<200x64xf32, #tpu.memory_space<vmem>> -> memref<1x64xf32, #tpu.memory_space<vmem>>
        %dma_start3A_537 = arith.constant 0 : i32
        %dma_start3A_538 = tpu.memref_slice %arg2[%shift_right_arithmetic3A_523, %and3A_525, %dma_start3A_537] : memref<125000x8x64xf32, #tpu.memory_space<hbm>> -> memref<1x1x64xf32, #tpu.memory_space<hbm>>
        %dma_start3A_539 = tpu.memref_squeeze %dma_start3A_538 : memref<1x1x64xf32, #tpu.memory_space<hbm>> -> memref<1x64xf32, #tpu.memory_space<hbm>>
        tpu.enqueue_dma source(%dma_start3A_539 : memref<1x64xf32, #tpu.memory_space<hbm>>) target(%dma_start3A_536 : memref<1x64xf32, #tpu.memory_space<vmem>>) target_semaphore(%arg14 : memref<!tpu.dma_semaphore, #tpu.memory_space<semaphore_mem>>)
        %slice3A_540 = vector.extract_strided_slice %get3A_399 {offsets = [7], sizes = [1], strides = [1]} : vector<16xi32> to vector<1xi32>
        %squeeze3A_541 = vector.extract %slice3A_540[0] : i32 from vector<1xi32>
        %shift_right_arithmetic3A_542 = arith.constant 3 : i32
        %shift_right_arithmetic3A_543 = arith.shrsi %squeeze3A_541, %shift_right_arithmetic3A_542 : i32
        %and3A_544 = arith.constant 7 : i32
        %and3A_545 = arith.andi %squeeze3A_541, %and3A_544 : i32
        %mul3A_546 = arith.constant 16 : i32
        %mul3A_547 = arith.muli %add3A_394, %mul3A_546 : i32
        %add3A_548 = arith.constant 7 : i32
        %add3A_549 = arith.addi %mul3A_547, %add3A_548 : i32
        %dma_start3A_550 = arith.constant 0 : i32
        %dma_start3A_551 = tpu.memref_slice %arg8[%add3A_549, %dma_start3A_550] : memref<200x64xf32, #tpu.memory_space<vmem>> -> memref<1x64xf32, #tpu.memory_space<vmem>>
        %dma_start3A_552 = arith.constant 0 : i32
        %dma_start3A_553 = tpu.memref_slice %arg2[%shift_right_arithmetic3A_543, %and3A_545, %dma_start3A_552] : memref<125000x8x64xf32, #tpu.memory_space<hbm>> -> memref<1x1x64xf32, #tpu.memory_space<hbm>>
        %dma_start3A_554 = tpu.memref_squeeze %dma_start3A_553 : memref<1x1x64xf32, #tpu.memory_space<hbm>> -> memref<1x64xf32, #tpu.memory_space<hbm>>
        %dma_start3A_555 = arith.constant 0 : i32
        %dma_start3A_556 = tpu.memref_slice %arg8[%add3A_549, %dma_start3A_555] : memref<200x64xf32, #tpu.memory_space<vmem>> -> memref<1x64xf32, #tpu.memory_space<vmem>>
        %dma_start3A_557 = arith.constant 0 : i32
        %dma_start3A_558 = tpu.memref_slice %arg2[%shift_right_arithmetic3A_543, %and3A_545, %dma_start3A_557] : memref<125000x8x64xf32, #tpu.memory_space<hbm>> -> memref<1x1x64xf32, #tpu.memory_space<hbm>>
        %dma_start3A_559 = tpu.memref_squeeze %dma_start3A_558 : memref<1x1x64xf32, #tpu.memory_space<hbm>> -> memref<1x64xf32, #tpu.memory_space<hbm>>
        tpu.enqueue_dma source(%dma_start3A_559 : memref<1x64xf32, #tpu.memory_space<hbm>>) target(%dma_start3A_556 : memref<1x64xf32, #tpu.memory_space<vmem>>) target_semaphore(%arg14 : memref<!tpu.dma_semaphore, #tpu.memory_space<semaphore_mem>>)
        %slice3A_560 = vector.extract_strided_slice %get3A_399 {offsets = [8], sizes = [1], strides = [1]} : vector<16xi32> to vector<1xi32>
        %squeeze3A_561 = vector.extract %slice3A_560[0] : i32 from vector<1xi32>
        %shift_right_arithmetic3A_562 = arith.constant 3 : i32
        %shift_right_arithmetic3A_563 = arith.shrsi %squeeze3A_561, %shift_right_arithmetic3A_562 : i32
        %and3A_564 = arith.constant 7 : i32
        %and3A_565 = arith.andi %squeeze3A_561, %and3A_564 : i32
        %mul3A_566 = arith.constant 16 : i32
        %mul3A_567 = arith.muli %add3A_394, %mul3A_566 : i32
        %add3A_568 = arith.constant 8 : i32
        %add3A_569 = arith.addi %mul3A_567, %add3A_568 : i32
        %dma_start3A_570 = arith.constant 0 : i32
        %dma_start3A_571 = tpu.memref_slice %arg8[%add3A_569, %dma_start3A_570] : memref<200x64xf32, #tpu.memory_space<vmem>> -> memref<1x64xf32, #tpu.memory_space<vmem>>
        %dma_start3A_572 = arith.constant 0 : i32
        %dma_start3A_573 = tpu.memref_slice %arg2[%shift_right_arithmetic3A_563, %and3A_565, %dma_start3A_572] : memref<125000x8x64xf32, #tpu.memory_space<hbm>> -> memref<1x1x64xf32, #tpu.memory_space<hbm>>
        %dma_start3A_574 = tpu.memref_squeeze %dma_start3A_573 : memref<1x1x64xf32, #tpu.memory_space<hbm>> -> memref<1x64xf32, #tpu.memory_space<hbm>>
        %dma_start3A_575 = arith.constant 0 : i32
        %dma_start3A_576 = tpu.memref_slice %arg8[%add3A_569, %dma_start3A_575] : memref<200x64xf32, #tpu.memory_space<vmem>> -> memref<1x64xf32, #tpu.memory_space<vmem>>
        %dma_start3A_577 = arith.constant 0 : i32
        %dma_start3A_578 = tpu.memref_slice %arg2[%shift_right_arithmetic3A_563, %and3A_565, %dma_start3A_577] : memref<125000x8x64xf32, #tpu.memory_space<hbm>> -> memref<1x1x64xf32, #tpu.memory_space<hbm>>
        %dma_start3A_579 = tpu.memref_squeeze %dma_start3A_578 : memref<1x1x64xf32, #tpu.memory_space<hbm>> -> memref<1x64xf32, #tpu.memory_space<hbm>>
        tpu.enqueue_dma source(%dma_start3A_579 : memref<1x64xf32, #tpu.memory_space<hbm>>) target(%dma_start3A_576 : memref<1x64xf32, #tpu.memory_space<vmem>>) target_semaphore(%arg14 : memref<!tpu.dma_semaphore, #tpu.memory_space<semaphore_mem>>)
        %slice3A_580 = vector.extract_strided_slice %get3A_399 {offsets = [9], sizes = [1], strides = [1]} : vector<16xi32> to vector<1xi32>
        %squeeze3A_581 = vector.extract %slice3A_580[0] : i32 from vector<1xi32>
        %shift_right_arithmetic3A_582 = arith.constant 3 : i32
        %shift_right_arithmetic3A_583 = arith.shrsi %squeeze3A_581, %shift_right_arithmetic3A_582 : i32
        %and3A_584 = arith.constant 7 : i32
        %and3A_585 = arith.andi %squeeze3A_581, %and3A_584 : i32
        %mul3A_586 = arith.constant 16 : i32
        %mul3A_587 = arith.muli %add3A_394, %mul3A_586 : i32
        %add3A_588 = arith.constant 9 : i32
        %add3A_589 = arith.addi %mul3A_587, %add3A_588 : i32
        %dma_start3A_590 = arith.constant 0 : i32
        %dma_start3A_591 = tpu.memref_slice %arg8[%add3A_589, %dma_start3A_590] : memref<200x64xf32, #tpu.memory_space<vmem>> -> memref<1x64xf32, #tpu.memory_space<vmem>>
        %dma_start3A_592 = arith.constant 0 : i32
        %dma_start3A_593 = tpu.memref_slice %arg2[%shift_right_arithmetic3A_583, %and3A_585, %dma_start3A_592] : memref<125000x8x64xf32, #tpu.memory_space<hbm>> -> memref<1x1x64xf32, #tpu.memory_space<hbm>>
        %dma_start3A_594 = tpu.memref_squeeze %dma_start3A_593 : memref<1x1x64xf32, #tpu.memory_space<hbm>> -> memref<1x64xf32, #tpu.memory_space<hbm>>
        %dma_start3A_595 = arith.constant 0 : i32
        %dma_start3A_596 = tpu.memref_slice %arg8[%add3A_589, %dma_start3A_595] : memref<200x64xf32, #tpu.memory_space<vmem>> -> memref<1x64xf32, #tpu.memory_space<vmem>>
        %dma_start3A_597 = arith.constant 0 : i32
        %dma_start3A_598 = tpu.memref_slice %arg2[%shift_right_arithmetic3A_583, %and3A_585, %dma_start3A_597] : memref<125000x8x64xf32, #tpu.memory_space<hbm>> -> memref<1x1x64xf32, #tpu.memory_space<hbm>>
        %dma_start3A_599 = tpu.memref_squeeze %dma_start3A_598 : memref<1x1x64xf32, #tpu.memory_space<hbm>> -> memref<1x64xf32, #tpu.memory_space<hbm>>
        tpu.enqueue_dma source(%dma_start3A_599 : memref<1x64xf32, #tpu.memory_space<hbm>>) target(%dma_start3A_596 : memref<1x64xf32, #tpu.memory_space<vmem>>) target_semaphore(%arg14 : memref<!tpu.dma_semaphore, #tpu.memory_space<semaphore_mem>>)
        %slice3A_600 = vector.extract_strided_slice %get3A_399 {offsets = [10], sizes = [1], strides = [1]} : vector<16xi32> to vector<1xi32>
        %squeeze3A_601 = vector.extract %slice3A_600[0] : i32 from vector<1xi32>
        %shift_right_arithmetic3A_602 = arith.constant 3 : i32
        %shift_right_arithmetic3A_603 = arith.shrsi %squeeze3A_601, %shift_right_arithmetic3A_602 : i32
        %and3A_604 = arith.constant 7 : i32
        %and3A_605 = arith.andi %squeeze3A_601, %and3A_604 : i32
        %mul3A_606 = arith.constant 16 : i32
        %mul3A_607 = arith.muli %add3A_394, %mul3A_606 : i32
        %add3A_608 = arith.constant 10 : i32
        %add3A_609 = arith.addi %mul3A_607, %add3A_608 : i32
        %dma_start3A_610 = arith.constant 0 : i32
        %dma_start3A_611 = tpu.memref_slice %arg8[%add3A_609, %dma_start3A_610] : memref<200x64xf32, #tpu.memory_space<vmem>> -> memref<1x64xf32, #tpu.memory_space<vmem>>
        %dma_start3A_612 = arith.constant 0 : i32
        %dma_start3A_613 = tpu.memref_slice %arg2[%shift_right_arithmetic3A_603, %and3A_605, %dma_start3A_612] : memref<125000x8x64xf32, #tpu.memory_space<hbm>> -> memref<1x1x64xf32, #tpu.memory_space<hbm>>
        %dma_start3A_614 = tpu.memref_squeeze %dma_start3A_613 : memref<1x1x64xf32, #tpu.memory_space<hbm>> -> memref<1x64xf32, #tpu.memory_space<hbm>>
        %dma_start3A_615 = arith.constant 0 : i32
        %dma_start3A_616 = tpu.memref_slice %arg8[%add3A_609, %dma_start3A_615] : memref<200x64xf32, #tpu.memory_space<vmem>> -> memref<1x64xf32, #tpu.memory_space<vmem>>
        %dma_start3A_617 = arith.constant 0 : i32
        %dma_start3A_618 = tpu.memref_slice %arg2[%shift_right_arithmetic3A_603, %and3A_605, %dma_start3A_617] : memref<125000x8x64xf32, #tpu.memory_space<hbm>> -> memref<1x1x64xf32, #tpu.memory_space<hbm>>
        %dma_start3A_619 = tpu.memref_squeeze %dma_start3A_618 : memref<1x1x64xf32, #tpu.memory_space<hbm>> -> memref<1x64xf32, #tpu.memory_space<hbm>>
        tpu.enqueue_dma source(%dma_start3A_619 : memref<1x64xf32, #tpu.memory_space<hbm>>) target(%dma_start3A_616 : memref<1x64xf32, #tpu.memory_space<vmem>>) target_semaphore(%arg14 : memref<!tpu.dma_semaphore, #tpu.memory_space<semaphore_mem>>)
        %slice3A_620 = vector.extract_strided_slice %get3A_399 {offsets = [11], sizes = [1], strides = [1]} : vector<16xi32> to vector<1xi32>
        %squeeze3A_621 = vector.extract %slice3A_620[0] : i32 from vector<1xi32>
        %shift_right_arithmetic3A_622 = arith.constant 3 : i32
        %shift_right_arithmetic3A_623 = arith.shrsi %squeeze3A_621, %shift_right_arithmetic3A_622 : i32
        %and3A_624 = arith.constant 7 : i32
        %and3A_625 = arith.andi %squeeze3A_621, %and3A_624 : i32
        %mul3A_626 = arith.constant 16 : i32
        %mul3A_627 = arith.muli %add3A_394, %mul3A_626 : i32
        %add3A_628 = arith.constant 11 : i32
        %add3A_629 = arith.addi %mul3A_627, %add3A_628 : i32
        %dma_start3A_630 = arith.constant 0 : i32
        %dma_start3A_631 = tpu.memref_slice %arg8[%add3A_629, %dma_start3A_630] : memref<200x64xf32, #tpu.memory_space<vmem>> -> memref<1x64xf32, #tpu.memory_space<vmem>>
        %dma_start3A_632 = arith.constant 0 : i32
        %dma_start3A_633 = tpu.memref_slice %arg2[%shift_right_arithmetic3A_623, %and3A_625, %dma_start3A_632] : memref<125000x8x64xf32, #tpu.memory_space<hbm>> -> memref<1x1x64xf32, #tpu.memory_space<hbm>>
        %dma_start3A_634 = tpu.memref_squeeze %dma_start3A_633 : memref<1x1x64xf32, #tpu.memory_space<hbm>> -> memref<1x64xf32, #tpu.memory_space<hbm>>
        %dma_start3A_635 = arith.constant 0 : i32
        %dma_start3A_636 = tpu.memref_slice %arg8[%add3A_629, %dma_start3A_635] : memref<200x64xf32, #tpu.memory_space<vmem>> -> memref<1x64xf32, #tpu.memory_space<vmem>>
        %dma_start3A_637 = arith.constant 0 : i32
        %dma_start3A_638 = tpu.memref_slice %arg2[%shift_right_arithmetic3A_623, %and3A_625, %dma_start3A_637] : memref<125000x8x64xf32, #tpu.memory_space<hbm>> -> memref<1x1x64xf32, #tpu.memory_space<hbm>>
        %dma_start3A_639 = tpu.memref_squeeze %dma_start3A_638 : memref<1x1x64xf32, #tpu.memory_space<hbm>> -> memref<1x64xf32, #tpu.memory_space<hbm>>
        tpu.enqueue_dma source(%dma_start3A_639 : memref<1x64xf32, #tpu.memory_space<hbm>>) target(%dma_start3A_636 : memref<1x64xf32, #tpu.memory_space<vmem>>) target_semaphore(%arg14 : memref<!tpu.dma_semaphore, #tpu.memory_space<semaphore_mem>>)
        %slice3A_640 = vector.extract_strided_slice %get3A_399 {offsets = [12], sizes = [1], strides = [1]} : vector<16xi32> to vector<1xi32>
        %squeeze3A_641 = vector.extract %slice3A_640[0] : i32 from vector<1xi32>
        %shift_right_arithmetic3A_642 = arith.constant 3 : i32
        %shift_right_arithmetic3A_643 = arith.shrsi %squeeze3A_641, %shift_right_arithmetic3A_642 : i32
        %and3A_644 = arith.constant 7 : i32
        %and3A_645 = arith.andi %squeeze3A_641, %and3A_644 : i32
        %mul3A_646 = arith.constant 16 : i32
        %mul3A_647 = arith.muli %add3A_394, %mul3A_646 : i32
        %add3A_648 = arith.constant 12 : i32
        %add3A_649 = arith.addi %mul3A_647, %add3A_648 : i32
        %dma_start3A_650 = arith.constant 0 : i32
        %dma_start3A_651 = tpu.memref_slice %arg8[%add3A_649, %dma_start3A_650] : memref<200x64xf32, #tpu.memory_space<vmem>> -> memref<1x64xf32, #tpu.memory_space<vmem>>
        %dma_start3A_652 = arith.constant 0 : i32
        %dma_start3A_653 = tpu.memref_slice %arg2[%shift_right_arithmetic3A_643, %and3A_645, %dma_start3A_652] : memref<125000x8x64xf32, #tpu.memory_space<hbm>> -> memref<1x1x64xf32, #tpu.memory_space<hbm>>
        %dma_start3A_654 = tpu.memref_squeeze %dma_start3A_653 : memref<1x1x64xf32, #tpu.memory_space<hbm>> -> memref<1x64xf32, #tpu.memory_space<hbm>>
        %dma_start3A_655 = arith.constant 0 : i32
        %dma_start3A_656 = tpu.memref_slice %arg8[%add3A_649, %dma_start3A_655] : memref<200x64xf32, #tpu.memory_space<vmem>> -> memref<1x64xf32, #tpu.memory_space<vmem>>
        %dma_start3A_657 = arith.constant 0 : i32
        %dma_start3A_658 = tpu.memref_slice %arg2[%shift_right_arithmetic3A_643, %and3A_645, %dma_start3A_657] : memref<125000x8x64xf32, #tpu.memory_space<hbm>> -> memref<1x1x64xf32, #tpu.memory_space<hbm>>
        %dma_start3A_659 = tpu.memref_squeeze %dma_start3A_658 : memref<1x1x64xf32, #tpu.memory_space<hbm>> -> memref<1x64xf32, #tpu.memory_space<hbm>>
        tpu.enqueue_dma source(%dma_start3A_659 : memref<1x64xf32, #tpu.memory_space<hbm>>) target(%dma_start3A_656 : memref<1x64xf32, #tpu.memory_space<vmem>>) target_semaphore(%arg14 : memref<!tpu.dma_semaphore, #tpu.memory_space<semaphore_mem>>)
        %slice3A_660 = vector.extract_strided_slice %get3A_399 {offsets = [13], sizes = [1], strides = [1]} : vector<16xi32> to vector<1xi32>
        %squeeze3A_661 = vector.extract %slice3A_660[0] : i32 from vector<1xi32>
        %shift_right_arithmetic3A_662 = arith.constant 3 : i32
        %shift_right_arithmetic3A_663 = arith.shrsi %squeeze3A_661, %shift_right_arithmetic3A_662 : i32
        %and3A_664 = arith.constant 7 : i32
        %and3A_665 = arith.andi %squeeze3A_661, %and3A_664 : i32
        %mul3A_666 = arith.constant 16 : i32
        %mul3A_667 = arith.muli %add3A_394, %mul3A_666 : i32
        %add3A_668 = arith.constant 13 : i32
        %add3A_669 = arith.addi %mul3A_667, %add3A_668 : i32
        %dma_start3A_670 = arith.constant 0 : i32
        %dma_start3A_671 = tpu.memref_slice %arg8[%add3A_669, %dma_start3A_670] : memref<200x64xf32, #tpu.memory_space<vmem>> -> memref<1x64xf32, #tpu.memory_space<vmem>>
        %dma_start3A_672 = arith.constant 0 : i32
        %dma_start3A_673 = tpu.memref_slice %arg2[%shift_right_arithmetic3A_663, %and3A_665, %dma_start3A_672] : memref<125000x8x64xf32, #tpu.memory_space<hbm>> -> memref<1x1x64xf32, #tpu.memory_space<hbm>>
        %dma_start3A_674 = tpu.memref_squeeze %dma_start3A_673 : memref<1x1x64xf32, #tpu.memory_space<hbm>> -> memref<1x64xf32, #tpu.memory_space<hbm>>
        %dma_start3A_675 = arith.constant 0 : i32
        %dma_start3A_676 = tpu.memref_slice %arg8[%add3A_669, %dma_start3A_675] : memref<200x64xf32, #tpu.memory_space<vmem>> -> memref<1x64xf32, #tpu.memory_space<vmem>>
        %dma_start3A_677 = arith.constant 0 : i32
        %dma_start3A_678 = tpu.memref_slice %arg2[%shift_right_arithmetic3A_663, %and3A_665, %dma_start3A_677] : memref<125000x8x64xf32, #tpu.memory_space<hbm>> -> memref<1x1x64xf32, #tpu.memory_space<hbm>>
        %dma_start3A_679 = tpu.memref_squeeze %dma_start3A_678 : memref<1x1x64xf32, #tpu.memory_space<hbm>> -> memref<1x64xf32, #tpu.memory_space<hbm>>
        tpu.enqueue_dma source(%dma_start3A_679 : memref<1x64xf32, #tpu.memory_space<hbm>>) target(%dma_start3A_676 : memref<1x64xf32, #tpu.memory_space<vmem>>) target_semaphore(%arg14 : memref<!tpu.dma_semaphore, #tpu.memory_space<semaphore_mem>>)
        %slice3A_680 = vector.extract_strided_slice %get3A_399 {offsets = [14], sizes = [1], strides = [1]} : vector<16xi32> to vector<1xi32>
        %squeeze3A_681 = vector.extract %slice3A_680[0] : i32 from vector<1xi32>
        %shift_right_arithmetic3A_682 = arith.constant 3 : i32
        %shift_right_arithmetic3A_683 = arith.shrsi %squeeze3A_681, %shift_right_arithmetic3A_682 : i32
        %and3A_684 = arith.constant 7 : i32
        %and3A_685 = arith.andi %squeeze3A_681, %and3A_684 : i32
        %mul3A_686 = arith.constant 16 : i32
        %mul3A_687 = arith.muli %add3A_394, %mul3A_686 : i32
        %add3A_688 = arith.constant 14 : i32
        %add3A_689 = arith.addi %mul3A_687, %add3A_688 : i32
        %dma_start3A_690 = arith.constant 0 : i32
        %dma_start3A_691 = tpu.memref_slice %arg8[%add3A_689, %dma_start3A_690] : memref<200x64xf32, #tpu.memory_space<vmem>> -> memref<1x64xf32, #tpu.memory_space<vmem>>
        %dma_start3A_692 = arith.constant 0 : i32
        %dma_start3A_693 = tpu.memref_slice %arg2[%shift_right_arithmetic3A_683, %and3A_685, %dma_start3A_692] : memref<125000x8x64xf32, #tpu.memory_space<hbm>> -> memref<1x1x64xf32, #tpu.memory_space<hbm>>
        %dma_start3A_694 = tpu.memref_squeeze %dma_start3A_693 : memref<1x1x64xf32, #tpu.memory_space<hbm>> -> memref<1x64xf32, #tpu.memory_space<hbm>>
        %dma_start3A_695 = arith.constant 0 : i32
        %dma_start3A_696 = tpu.memref_slice %arg8[%add3A_689, %dma_start3A_695] : memref<200x64xf32, #tpu.memory_space<vmem>> -> memref<1x64xf32, #tpu.memory_space<vmem>>
        %dma_start3A_697 = arith.constant 0 : i32
        %dma_start3A_698 = tpu.memref_slice %arg2[%shift_right_arithmetic3A_683, %and3A_685, %dma_start3A_697] : memref<125000x8x64xf32, #tpu.memory_space<hbm>> -> memref<1x1x64xf32, #tpu.memory_space<hbm>>
        %dma_start3A_699 = tpu.memref_squeeze %dma_start3A_698 : memref<1x1x64xf32, #tpu.memory_space<hbm>> -> memref<1x64xf32, #tpu.memory_space<hbm>>
        tpu.enqueue_dma source(%dma_start3A_699 : memref<1x64xf32, #tpu.memory_space<hbm>>) target(%dma_start3A_696 : memref<1x64xf32, #tpu.memory_space<vmem>>) target_semaphore(%arg14 : memref<!tpu.dma_semaphore, #tpu.memory_space<semaphore_mem>>)
        %slice3A_700 = vector.extract_strided_slice %get3A_399 {offsets = [15], sizes = [1], strides = [1]} : vector<16xi32> to vector<1xi32>
        %squeeze3A_701 = vector.extract %slice3A_700[0] : i32 from vector<1xi32>
        %shift_right_arithmetic3A_702 = arith.constant 3 : i32
        %shift_right_arithmetic3A_703 = arith.shrsi %squeeze3A_701, %shift_right_arithmetic3A_702 : i32
        %and3A_704 = arith.constant 7 : i32
        %and3A_705 = arith.andi %squeeze3A_701, %and3A_704 : i32
        %mul3A_706 = arith.constant 16 : i32
        %mul3A_707 = arith.muli %add3A_394, %mul3A_706 : i32
        %add3A_708 = arith.constant 15 : i32
        %add3A_709 = arith.addi %mul3A_707, %add3A_708 : i32
        %dma_start3A_710 = arith.constant 0 : i32
        %dma_start3A_711 = tpu.memref_slice %arg8[%add3A_709, %dma_start3A_710] : memref<200x64xf32, #tpu.memory_space<vmem>> -> memref<1x64xf32, #tpu.memory_space<vmem>>
        %dma_start3A_712 = arith.constant 0 : i32
        %dma_start3A_713 = tpu.memref_slice %arg2[%shift_right_arithmetic3A_703, %and3A_705, %dma_start3A_712] : memref<125000x8x64xf32, #tpu.memory_space<hbm>> -> memref<1x1x64xf32, #tpu.memory_space<hbm>>
        %dma_start3A_714 = tpu.memref_squeeze %dma_start3A_713 : memref<1x1x64xf32, #tpu.memory_space<hbm>> -> memref<1x64xf32, #tpu.memory_space<hbm>>
        %dma_start3A_715 = arith.constant 0 : i32
        %dma_start3A_716 = tpu.memref_slice %arg8[%add3A_709, %dma_start3A_715] : memref<200x64xf32, #tpu.memory_space<vmem>> -> memref<1x64xf32, #tpu.memory_space<vmem>>
        %dma_start3A_717 = arith.constant 0 : i32
        %dma_start3A_718 = tpu.memref_slice %arg2[%shift_right_arithmetic3A_703, %and3A_705, %dma_start3A_717] : memref<125000x8x64xf32, #tpu.memory_space<hbm>> -> memref<1x1x64xf32, #tpu.memory_space<hbm>>
        %dma_start3A_719 = tpu.memref_squeeze %dma_start3A_718 : memref<1x1x64xf32, #tpu.memory_space<hbm>> -> memref<1x64xf32, #tpu.memory_space<hbm>>
        tpu.enqueue_dma source(%dma_start3A_719 : memref<1x64xf32, #tpu.memory_space<hbm>>) target(%dma_start3A_716 : memref<1x64xf32, #tpu.memory_space<vmem>>) target_semaphore(%arg14 : memref<!tpu.dma_semaphore, #tpu.memory_space<semaphore_mem>>)
      }
      %scan3A_59 = arith.constant 12 : i32
      %get3A = arith.constant 184 : index
      %get3A_60 = tpu.vector_load %arg6[%get3A] {strides = array<i32>} : memref<200xi32, #tpu.memory_space<vmem>>, vector<16xi32>,
      %get3A_61 = vector.shape_cast %get3A_60 : vector<16xi32> to vector<16xi32>
      %slice3A = vector.extract_strided_slice %get3A_61 {offsets = [8], sizes = [1], strides = [1]} : vector<16xi32> to vector<1xi32>
      %squeeze3A = vector.extract %slice3A[0] : i32 from vector<1xi32>
      %shift_right_arithmetic3A = arith.constant 3 : i32
      %shift_right_arithmetic3A_62 = arith.shrsi %squeeze3A, %shift_right_arithmetic3A : i32
      %and3A = arith.constant 7 : i32
      %and3A_63 = arith.andi %squeeze3A, %and3A : i32
      %dma_start3A_64 = arith.constant 192 : i32
      %dma_start3A_65 = arith.constant 0 : i32
      %dma_start3A_66 = tpu.memref_slice %arg8[%dma_start3A_64, %dma_start3A_65] : memref<200x64xf32, #tpu.memory_space<vmem>> -> memref<1x64xf32, #tpu.memory_space<vmem>>
      %dma_start3A_67 = arith.constant 0 : i32
      %dma_start3A_68 = tpu.memref_slice %arg2[%shift_right_arithmetic3A_62, %and3A_63, %dma_start3A_67] : memref<125000x8x64xf32, #tpu.memory_space<hbm>> -> memref<1x1x64xf32, #tpu.memory_space<hbm>>
      %dma_start3A_69 = tpu.memref_squeeze %dma_start3A_68 : memref<1x1x64xf32, #tpu.memory_space<hbm>> -> memref<1x64xf32, #tpu.memory_space<hbm>>
      %dma_start3A_70 = arith.constant 192 : i32
      %dma_start3A_71 = arith.constant 0 : i32
      %dma_start3A_72 = tpu.memref_slice %arg8[%dma_start3A_70, %dma_start3A_71] : memref<200x64xf32, #tpu.memory_space<vmem>> -> memref<1x64xf32, #tpu.memory_space<vmem>>
      %dma_start3A_73 = arith.constant 0 : i32
      %dma_start3A_74 = tpu.memref_slice %arg2[%shift_right_arithmetic3A_62, %and3A_63, %dma_start3A_73] : memref<125000x8x64xf32, #tpu.memory_space<hbm>> -> memref<1x1x64xf32, #tpu.memory_space<hbm>>
      %dma_start3A_75 = tpu.memref_squeeze %dma_start3A_74 : memref<1x1x64xf32, #tpu.memory_space<hbm>> -> memref<1x64xf32, #tpu.memory_space<hbm>>
      tpu.enqueue_dma source(%dma_start3A_75 : memref<1x64xf32, #tpu.memory_space<hbm>>) target(%dma_start3A_72 : memref<1x64xf32, #tpu.memory_space<vmem>>) target_semaphore(%arg14 : memref<!tpu.dma_semaphore, #tpu.memory_space<semaphore_mem>>)
      %slice3A_76 = vector.extract_strided_slice %get3A_61 {offsets = [9], sizes = [1], strides = [1]} : vector<16xi32> to vector<1xi32>
      %squeeze3A_77 = vector.extract %slice3A_76[0] : i32 from vector<1xi32>
      %shift_right_arithmetic3A_78 = arith.constant 3 : i32
      %shift_right_arithmetic3A_79 = arith.shrsi %squeeze3A_77, %shift_right_arithmetic3A_78 : i32
      %and3A_80 = arith.constant 7 : i32
      %and3A_81 = arith.andi %squeeze3A_77, %and3A_80 : i32
      %dma_start3A_82 = arith.constant 193 : i32
      %dma_start3A_83 = arith.constant 0 : i32
      %dma_start3A_84 = tpu.memref_slice %arg8[%dma_start3A_82, %dma_start3A_83] : memref<200x64xf32, #tpu.memory_space<vmem>> -> memref<1x64xf32, #tpu.memory_space<vmem>>
      %dma_start3A_85 = arith.constant 0 : i32
      %dma_start3A_86 = tpu.memref_slice %arg2[%shift_right_arithmetic3A_79, %and3A_81, %dma_start3A_85] : memref<125000x8x64xf32, #tpu.memory_space<hbm>> -> memref<1x1x64xf32, #tpu.memory_space<hbm>>
      %dma_start3A_87 = tpu.memref_squeeze %dma_start3A_86 : memref<1x1x64xf32, #tpu.memory_space<hbm>> -> memref<1x64xf32, #tpu.memory_space<hbm>>
      %dma_start3A_88 = arith.constant 193 : i32
      %dma_start3A_89 = arith.constant 0 : i32
      %dma_start3A_90 = tpu.memref_slice %arg8[%dma_start3A_88, %dma_start3A_89] : memref<200x64xf32, #tpu.memory_space<vmem>> -> memref<1x64xf32, #tpu.memory_space<vmem>>
      %dma_start3A_91 = arith.constant 0 : i32
      %dma_start3A_92 = tpu.memref_slice %arg2[%shift_right_arithmetic3A_79, %and3A_81, %dma_start3A_91] : memref<125000x8x64xf32, #tpu.memory_space<hbm>> -> memref<1x1x64xf32, #tpu.memory_space<hbm>>
      %dma_start3A_93 = tpu.memref_squeeze %dma_start3A_92 : memref<1x1x64xf32, #tpu.memory_space<hbm>> -> memref<1x64xf32, #tpu.memory_space<hbm>>
      tpu.enqueue_dma source(%dma_start3A_93 : memref<1x64xf32, #tpu.memory_space<hbm>>) target(%dma_start3A_90 : memref<1x64xf32, #tpu.memory_space<vmem>>) target_semaphore(%arg14 : memref<!tpu.dma_semaphore, #tpu.memory_space<semaphore_mem>>)
      %slice3A_94 = vector.extract_strided_slice %get3A_61 {offsets = [10], sizes = [1], strides = [1]} : vector<16xi32> to vector<1xi32>
      %squeeze3A_95 = vector.extract %slice3A_94[0] : i32 from vector<1xi32>
      %shift_right_arithmetic3A_96 = arith.constant 3 : i32
      %shift_right_arithmetic3A_97 = arith.shrsi %squeeze3A_95, %shift_right_arithmetic3A_96 : i32
      %and3A_98 = arith.constant 7 : i32
      %and3A_99 = arith.andi %squeeze3A_95, %and3A_98 : i32
      %dma_start3A_100 = arith.constant 194 : i32
      %dma_start3A_101 = arith.constant 0 : i32
      %dma_start3A_102 = tpu.memref_slice %arg8[%dma_start3A_100, %dma_start3A_101] : memref<200x64xf32, #tpu.memory_space<vmem>> -> memref<1x64xf32, #tpu.memory_space<vmem>>
      %dma_start3A_103 = arith.constant 0 : i32
      %dma_start3A_104 = tpu.memref_slice %arg2[%shift_right_arithmetic3A_97, %and3A_99, %dma_start3A_103] : memref<125000x8x64xf32, #tpu.memory_space<hbm>> -> memref<1x1x64xf32, #tpu.memory_space<hbm>>
      %dma_start3A_105 = tpu.memref_squeeze %dma_start3A_104 : memref<1x1x64xf32, #tpu.memory_space<hbm>> -> memref<1x64xf32, #tpu.memory_space<hbm>>
      %dma_start3A_106 = arith.constant 194 : i32
      %dma_start3A_107 = arith.constant 0 : i32
      %dma_start3A_108 = tpu.memref_slice %arg8[%dma_start3A_106, %dma_start3A_107] : memref<200x64xf32, #tpu.memory_space<vmem>> -> memref<1x64xf32, #tpu.memory_space<vmem>>
      %dma_start3A_109 = arith.constant 0 : i32
      %dma_start3A_110 = tpu.memref_slice %arg2[%shift_right_arithmetic3A_97, %and3A_99, %dma_start3A_109] : memref<125000x8x64xf32, #tpu.memory_space<hbm>> -> memref<1x1x64xf32, #tpu.memory_space<hbm>>
      %dma_start3A_111 = tpu.memref_squeeze %dma_start3A_110 : memref<1x1x64xf32, #tpu.memory_space<hbm>> -> memref<1x64xf32, #tpu.memory_space<hbm>>
      tpu.enqueue_dma source(%dma_start3A_111 : memref<1x64xf32, #tpu.memory_space<hbm>>) target(%dma_start3A_108 : memref<1x64xf32, #tpu.memory_space<vmem>>) target_semaphore(%arg14 : memref<!tpu.dma_semaphore, #tpu.memory_space<semaphore_mem>>)
      %slice3A_112 = vector.extract_strided_slice %get3A_61 {offsets = [11], sizes = [1], strides = [1]} : vector<16xi32> to vector<1xi32>
      %squeeze3A_113 = vector.extract %slice3A_112[0] : i32 from vector<1xi32>
      %shift_right_arithmetic3A_114 = arith.constant 3 : i32
      %shift_right_arithmetic3A_115 = arith.shrsi %squeeze3A_113, %shift_right_arithmetic3A_114 : i32
      %and3A_116 = arith.constant 7 : i32
      %and3A_117 = arith.andi %squeeze3A_113, %and3A_116 : i32
      %dma_start3A_118 = arith.constant 195 : i32
      %dma_start3A_119 = arith.constant 0 : i32
      %dma_start3A_120 = tpu.memref_slice %arg8[%dma_start3A_118, %dma_start3A_119] : memref<200x64xf32, #tpu.memory_space<vmem>> -> memref<1x64xf32, #tpu.memory_space<vmem>>
      %dma_start3A_121 = arith.constant 0 : i32
      %dma_start3A_122 = tpu.memref_slice %arg2[%shift_right_arithmetic3A_115, %and3A_117, %dma_start3A_121] : memref<125000x8x64xf32, #tpu.memory_space<hbm>> -> memref<1x1x64xf32, #tpu.memory_space<hbm>>
      %dma_start3A_123 = tpu.memref_squeeze %dma_start3A_122 : memref<1x1x64xf32, #tpu.memory_space<hbm>> -> memref<1x64xf32, #tpu.memory_space<hbm>>
      %dma_start3A_124 = arith.constant 195 : i32
      %dma_start3A_125 = arith.constant 0 : i32
      %dma_start3A_126 = tpu.memref_slice %arg8[%dma_start3A_124, %dma_start3A_125] : memref<200x64xf32, #tpu.memory_space<vmem>> -> memref<1x64xf32, #tpu.memory_space<vmem>>
      %dma_start3A_127 = arith.constant 0 : i32
      %dma_start3A_128 = tpu.memref_slice %arg2[%shift_right_arithmetic3A_115, %and3A_117, %dma_start3A_127] : memref<125000x8x64xf32, #tpu.memory_space<hbm>> -> memref<1x1x64xf32, #tpu.memory_space<hbm>>
      %dma_start3A_129 = tpu.memref_squeeze %dma_start3A_128 : memref<1x1x64xf32, #tpu.memory_space<hbm>> -> memref<1x64xf32, #tpu.memory_space<hbm>>
      tpu.enqueue_dma source(%dma_start3A_129 : memref<1x64xf32, #tpu.memory_space<hbm>>) target(%dma_start3A_126 : memref<1x64xf32, #tpu.memory_space<vmem>>) target_semaphore(%arg14 : memref<!tpu.dma_semaphore, #tpu.memory_space<semaphore_mem>>)
      %slice3A_130 = vector.extract_strided_slice %get3A_61 {offsets = [12], sizes = [1], strides = [1]} : vector<16xi32> to vector<1xi32>
      %squeeze3A_131 = vector.extract %slice3A_130[0] : i32 from vector<1xi32>
      %shift_right_arithmetic3A_132 = arith.constant 3 : i32
      %shift_right_arithmetic3A_133 = arith.shrsi %squeeze3A_131, %shift_right_arithmetic3A_132 : i32
      %and3A_134 = arith.constant 7 : i32
      %and3A_135 = arith.andi %squeeze3A_131, %and3A_134 : i32
      %dma_start3A_136 = arith.constant 196 : i32
      %dma_start3A_137 = arith.constant 0 : i32
      %dma_start3A_138 = tpu.memref_slice %arg8[%dma_start3A_136, %dma_start3A_137] : memref<200x64xf32, #tpu.memory_space<vmem>> -> memref<1x64xf32, #tpu.memory_space<vmem>>
      %dma_start3A_139 = arith.constant 0 : i32
      %dma_start3A_140 = tpu.memref_slice %arg2[%shift_right_arithmetic3A_133, %and3A_135, %dma_start3A_139] : memref<125000x8x64xf32, #tpu.memory_space<hbm>> -> memref<1x1x64xf32, #tpu.memory_space<hbm>>
      %dma_start3A_141 = tpu.memref_squeeze %dma_start3A_140 : memref<1x1x64xf32, #tpu.memory_space<hbm>> -> memref<1x64xf32, #tpu.memory_space<hbm>>
      %dma_start3A_142 = arith.constant 196 : i32
      %dma_start3A_143 = arith.constant 0 : i32
      %dma_start3A_144 = tpu.memref_slice %arg8[%dma_start3A_142, %dma_start3A_143] : memref<200x64xf32, #tpu.memory_space<vmem>> -> memref<1x64xf32, #tpu.memory_space<vmem>>
      %dma_start3A_145 = arith.constant 0 : i32
      %dma_start3A_146 = tpu.memref_slice %arg2[%shift_right_arithmetic3A_133, %and3A_135, %dma_start3A_145] : memref<125000x8x64xf32, #tpu.memory_space<hbm>> -> memref<1x1x64xf32, #tpu.memory_space<hbm>>
      %dma_start3A_147 = tpu.memref_squeeze %dma_start3A_146 : memref<1x1x64xf32, #tpu.memory_space<hbm>> -> memref<1x64xf32, #tpu.memory_space<hbm>>
      tpu.enqueue_dma source(%dma_start3A_147 : memref<1x64xf32, #tpu.memory_space<hbm>>) target(%dma_start3A_144 : memref<1x64xf32, #tpu.memory_space<vmem>>) target_semaphore(%arg14 : memref<!tpu.dma_semaphore, #tpu.memory_space<semaphore_mem>>)
      %slice3A_148 = vector.extract_strided_slice %get3A_61 {offsets = [13], sizes = [1], strides = [1]} : vector<16xi32> to vector<1xi32>
      %squeeze3A_149 = vector.extract %slice3A_148[0] : i32 from vector<1xi32>
      %shift_right_arithmetic3A_150 = arith.constant 3 : i32
      %shift_right_arithmetic3A_151 = arith.shrsi %squeeze3A_149, %shift_right_arithmetic3A_150 : i32
      %and3A_152 = arith.constant 7 : i32
      %and3A_153 = arith.andi %squeeze3A_149, %and3A_152 : i32
      %dma_start3A_154 = arith.constant 197 : i32
      %dma_start3A_155 = arith.constant 0 : i32
      %dma_start3A_156 = tpu.memref_slice %arg8[%dma_start3A_154, %dma_start3A_155] : memref<200x64xf32, #tpu.memory_space<vmem>> -> memref<1x64xf32, #tpu.memory_space<vmem>>
      %dma_start3A_157 = arith.constant 0 : i32
      %dma_start3A_158 = tpu.memref_slice %arg2[%shift_right_arithmetic3A_151, %and3A_153, %dma_start3A_157] : memref<125000x8x64xf32, #tpu.memory_space<hbm>> -> memref<1x1x64xf32, #tpu.memory_space<hbm>>
      %dma_start3A_159 = tpu.memref_squeeze %dma_start3A_158 : memref<1x1x64xf32, #tpu.memory_space<hbm>> -> memref<1x64xf32, #tpu.memory_space<hbm>>
      %dma_start3A_160 = arith.constant 197 : i32
      %dma_start3A_161 = arith.constant 0 : i32
      %dma_start3A_162 = tpu.memref_slice %arg8[%dma_start3A_160, %dma_start3A_161] : memref<200x64xf32, #tpu.memory_space<vmem>> -> memref<1x64xf32, #tpu.memory_space<vmem>>
      %dma_start3A_163 = arith.constant 0 : i32
      %dma_start3A_164 = tpu.memref_slice %arg2[%shift_right_arithmetic3A_151, %and3A_153, %dma_start3A_163] : memref<125000x8x64xf32, #tpu.memory_space<hbm>> -> memref<1x1x64xf32, #tpu.memory_space<hbm>>
      %dma_start3A_165 = tpu.memref_squeeze %dma_start3A_164 : memref<1x1x64xf32, #tpu.memory_space<hbm>> -> memref<1x64xf32, #tpu.memory_space<hbm>>
      tpu.enqueue_dma source(%dma_start3A_165 : memref<1x64xf32, #tpu.memory_space<hbm>>) target(%dma_start3A_162 : memref<1x64xf32, #tpu.memory_space<vmem>>) target_semaphore(%arg14 : memref<!tpu.dma_semaphore, #tpu.memory_space<semaphore_mem>>)
      %slice3A_166 = vector.extract_strided_slice %get3A_61 {offsets = [14], sizes = [1], strides = [1]} : vector<16xi32> to vector<1xi32>
      %squeeze3A_167 = vector.extract %slice3A_166[0] : i32 from vector<1xi32>
      %shift_right_arithmetic3A_168 = arith.constant 3 : i32
      %shift_right_arithmetic3A_169 = arith.shrsi %squeeze3A_167, %shift_right_arithmetic3A_168 : i32
      %and3A_170 = arith.constant 7 : i32
      %and3A_171 = arith.andi %squeeze3A_167, %and3A_170 : i32
      %dma_start3A_172 = arith.constant 198 : i32
      %dma_start3A_173 = arith.constant 0 : i32
      %dma_start3A_174 = tpu.memref_slice %arg8[%dma_start3A_172, %dma_start3A_173] : memref<200x64xf32, #tpu.memory_space<vmem>> -> memref<1x64xf32, #tpu.memory_space<vmem>>
      %dma_start3A_175 = arith.constant 0 : i32
      %dma_start3A_176 = tpu.memref_slice %arg2[%shift_right_arithmetic3A_169, %and3A_171, %dma_start3A_175] : memref<125000x8x64xf32, #tpu.memory_space<hbm>> -> memref<1x1x64xf32, #tpu.memory_space<hbm>>
      %dma_start3A_177 = tpu.memref_squeeze %dma_start3A_176 : memref<1x1x64xf32, #tpu.memory_space<hbm>> -> memref<1x64xf32, #tpu.memory_space<hbm>>
      %dma_start3A_178 = arith.constant 198 : i32
      %dma_start3A_179 = arith.constant 0 : i32
      %dma_start3A_180 = tpu.memref_slice %arg8[%dma_start3A_178, %dma_start3A_179] : memref<200x64xf32, #tpu.memory_space<vmem>> -> memref<1x64xf32, #tpu.memory_space<vmem>>
      %dma_start3A_181 = arith.constant 0 : i32
      %dma_start3A_182 = tpu.memref_slice %arg2[%shift_right_arithmetic3A_169, %and3A_171, %dma_start3A_181] : memref<125000x8x64xf32, #tpu.memory_space<hbm>> -> memref<1x1x64xf32, #tpu.memory_space<hbm>>
      %dma_start3A_183 = tpu.memref_squeeze %dma_start3A_182 : memref<1x1x64xf32, #tpu.memory_space<hbm>> -> memref<1x64xf32, #tpu.memory_space<hbm>>
      tpu.enqueue_dma source(%dma_start3A_183 : memref<1x64xf32, #tpu.memory_space<hbm>>) target(%dma_start3A_180 : memref<1x64xf32, #tpu.memory_space<vmem>>) target_semaphore(%arg14 : memref<!tpu.dma_semaphore, #tpu.memory_space<semaphore_mem>>)
      %slice3A_184 = vector.extract_strided_slice %get3A_61 {offsets = [15], sizes = [1], strides = [1]} : vector<16xi32> to vector<1xi32>
      %squeeze3A_185 = vector.extract %slice3A_184[0] : i32 from vector<1xi32>
      %shift_right_arithmetic3A_186 = arith.constant 3 : i32
      %shift_right_arithmetic3A_187 = arith.shrsi %squeeze3A_185, %shift_right_arithmetic3A_186 : i32
      %and3A_188 = arith.constant 7 : i32
      %and3A_189 = arith.andi %squeeze3A_185, %and3A_188 : i32
      %dma_start3A_190 = arith.constant 199 : i32
      %dma_start3A_191 = arith.constant 0 : i32
      %dma_start3A_192 = tpu.memref_slice %arg8[%dma_start3A_190, %dma_start3A_191] : memref<200x64xf32, #tpu.memory_space<vmem>> -> memref<1x64xf32, #tpu.memory_space<vmem>>
      %dma_start3A_193 = arith.constant 0 : i32
      %dma_start3A_194 = tpu.memref_slice %arg2[%shift_right_arithmetic3A_187, %and3A_189, %dma_start3A_193] : memref<125000x8x64xf32, #tpu.memory_space<hbm>> -> memref<1x1x64xf32, #tpu.memory_space<hbm>>
      %dma_start3A_195 = tpu.memref_squeeze %dma_start3A_194 : memref<1x1x64xf32, #tpu.memory_space<hbm>> -> memref<1x64xf32, #tpu.memory_space<hbm>>
      %dma_start3A_196 = arith.constant 199 : i32
      %dma_start3A_197 = arith.constant 0 : i32
      %dma_start3A_198 = tpu.memref_slice %arg8[%dma_start3A_196, %dma_start3A_197] : memref<200x64xf32, #tpu.memory_space<vmem>> -> memref<1x64xf32, #tpu.memory_space<vmem>>
      %dma_start3A_199 = arith.constant 0 : i32
      %dma_start3A_200 = tpu.memref_slice %arg2[%shift_right_arithmetic3A_187, %and3A_189, %dma_start3A_199] : memref<125000x8x64xf32, #tpu.memory_space<hbm>> -> memref<1x1x64xf32, #tpu.memory_space<hbm>>
      %dma_start3A_201 = tpu.memref_squeeze %dma_start3A_200 : memref<1x1x64xf32, #tpu.memory_space<hbm>> -> memref<1x64xf32, #tpu.memory_space<hbm>>
      tpu.enqueue_dma source(%dma_start3A_201 : memref<1x64xf32, #tpu.memory_space<hbm>>) target(%dma_start3A_198 : memref<1x64xf32, #tpu.memory_space<vmem>>) target_semaphore(%arg14 : memref<!tpu.dma_semaphore, #tpu.memory_space<semaphore_mem>>)
      %add3A_202 = arith.constant 2 : i32
      %add3A_203 = arith.addi %add3A_48, %add3A_202 : i32
      %lt3A = arith.constant 32 : i32
      %lt3A_204 = arith.cmpi slt, %add3A_203, %lt3A : i32
      %convert_element_type3A_205 = arith.extui %lt3A_204 : i1 to i32
      %cond3A_206 = arith.constant 0 : i32
      %cond3A_207 = arith.cmpi ne, %convert_element_type3A_205, %cond3A_206 : i32
      scf.if %cond3A_207 {
        %add3A_390 = arith.constant 2 : i32
        %add3A_391 = arith.addi %add3A_48, %add3A_390 : i32
        %mul3A_392 = arith.constant 200 : i32
        %mul3A_393 = arith.muli %add3A_391, %mul3A_392 : i32
        %add3A_394 = arith.addi %mul3A_2, %mul3A_393 : i32
        %dma_start3A_395 = tpu.memref_slice %arg3[%add3A_394] : memref<204800xi32, #tpu.memory_space<hbm>> -> memref<200xi32, #tpu.memory_space<hbm>>
        %dma_start3A_396 = tpu.memref_slice %arg3[%add3A_394] : memref<204800xi32, #tpu.memory_space<hbm>> -> memref<200xi32, #tpu.memory_space<hbm>>
        tpu.enqueue_dma source(%dma_start3A_396 : memref<200xi32, #tpu.memory_space<hbm>>) target(%arg6 : memref<200xi32, #tpu.memory_space<vmem>>) target_semaphore(%arg12 : memref<!tpu.dma_semaphore, #tpu.memory_space<semaphore_mem>>)
      } else {
      }
      %ge3A_208 = arith.constant 1 : i32
      %ge3A_209 = arith.cmpi sge, %add3A_48, %ge3A_208 : i32
      %convert_element_type3A_210 = arith.extui %ge3A_209 : i1 to i32
      %cond3A_211 = arith.constant 0 : i32
      %cond3A_212 = arith.cmpi ne, %convert_element_type3A_210, %cond3A_211 : i32
      scf.if %cond3A_212 {
        %dma_wait3A_390 = arith.constant 0 : i32
        %dma_wait3A_391 = arith.constant 0 : i32
        %dma_wait3A_392 = tpu.memref_slice %arg5[%dma_wait3A_390, %dma_wait3A_391] : memref<204800x64xf32, #tpu.memory_space<hbm>> -> memref<200x64xf32, #tpu.memory_space<hbm>>
        %dma_wait3A_393 = arith.constant 0 : i32
        %dma_wait3A_394 = arith.constant 0 : i32
        %dma_wait3A_395 = tpu.memref_slice %arg5[%dma_wait3A_393, %dma_wait3A_394] : memref<204800x64xf32, #tpu.memory_space<hbm>> -> memref<200x64xf32, #tpu.memory_space<hbm>>
        tpu.wait_dma2 semaphore(%arg15 : memref<!tpu.dma_semaphore, #tpu.memory_space<semaphore_mem>>) src(%dma_wait3A_395 : memref<200x64xf32, #tpu.memory_space<hbm>>) dst(%arg9 : memref<200x64xf32, #tpu.memory_space<vmem>>)
        %sub3A = arith.constant 1 : i32
        %sub3A_396 = arith.subi %add3A_48, %sub3A : i32
        %scan3A_397 = arith.constant 0 : i32
        %scan3A_398 = arith.constant 200 : i32
        %scan3A_399 = arith.addi %scan3A_397, %scan3A_398 : i32
        %scan3A_400 = arith.constant 1 : i32
        scf.for %scan3A_409 = %scan3A_397 to %scan3A_399 step %scan3A_400  : i32 {
          %mul3A_410 = arith.constant 1 : i32
          %mul3A_411 = arith.muli %scan3A_409, %mul3A_410 : i32
          %add3A_412 = arith.constant 0 : i32
          %add3A_413 = arith.addi %add3A_412, %mul3A_411 : i32
          %get3A_414 = arith.constant 0 : i32
          %get3A_415 = tpu.memref_slice %arg9[%add3A_413, %get3A_414] : memref<200x64xf32, #tpu.memory_space<vmem>> -> memref<1x64xf32, #tpu.memory_space<vmem>>
          %get3A_416 = tpu.memref_squeeze %get3A_415 : memref<1x64xf32, #tpu.memory_space<vmem>> -> memref<64xf32, #tpu.memory_space<vmem>>
          %get3A_417 = arith.constant 0 : index
          %get3A_418 = tpu.vector_load %get3A_416[%get3A_417] {strides = array<i32>} : memref<64xf32, #tpu.memory_space<vmem>>, vector<16xf32>,
          %get3A_419 = vector.shape_cast %get3A_418 : vector<16xf32> to vector<16xf32>
          %mul3A_420 = arith.constant 8.000000e+00 : f32
          %mul3A_421 = vector.broadcast %mul3A_420 : f32 to vector<16xf32>
          %mul3A_422 = arith.mulf %get3A_419, %mul3A_421 : vector<16xf32>
          %get3A_423 = arith.constant 0 : i32
          %get3A_424 = tpu.memref_slice %arg10[%add3A_413, %get3A_423] : memref<200x64xf32, #tpu.memory_space<vmem>> -> memref<1x64xf32, #tpu.memory_space<vmem>>
          %get3A_425 = tpu.memref_squeeze %get3A_424 : memref<1x64xf32, #tpu.memory_space<vmem>> -> memref<64xf32, #tpu.memory_space<vmem>>
          %get3A_426 = arith.constant 0 : index
          %get3A_427 = tpu.vector_load %get3A_425[%get3A_426] {strides = array<i32>} : memref<64xf32, #tpu.memory_space<vmem>>, vector<16xf32>,
          %get3A_428 = vector.shape_cast %get3A_427 : vector<16xf32> to vector<16xf32>
          %add3A_429 = arith.addf %mul3A_422, %get3A_428 : vector<16xf32>
          %swap3A = arith.constant 0 : i32
          %swap3A_430 = tpu.memref_slice %arg9[%add3A_413, %swap3A] : memref<200x64xf32, #tpu.memory_space<vmem>> -> memref<1x64xf32, #tpu.memory_space<vmem>>
          %swap3A_431 = tpu.memref_squeeze %swap3A_430 : memref<1x64xf32, #tpu.memory_space<vmem>> -> memref<64xf32, #tpu.memory_space<vmem>>
          %swap3A_432 = arith.constant 0 : index
          %swap3A_433 = tpu.vector_load %swap3A_431[%swap3A_432] {strides = array<i32>} : memref<64xf32, #tpu.memory_space<vmem>>, vector<16xf32>,
          %swap3A_434 = vector.shape_cast %swap3A_433 : vector<16xf32> to vector<16xf32>
          %swap3A_435 = vector.shape_cast %add3A_429 : vector<16xf32> to vector<16xf32>
          tpu.vector_store %swap3A_431[%swap3A_432], %swap3A_435 {strides = array<i32>} : memref<64xf32, #tpu.memory_space<vmem>>, vector<16xf32>,
          %get3A_436 = arith.constant 0 : i32
          %get3A_437 = tpu.memref_slice %arg9[%add3A_413, %get3A_436] : memref<200x64xf32, #tpu.memory_space<vmem>> -> memref<1x64xf32, #tpu.memory_space<vmem>>
          %get3A_438 = tpu.memref_squeeze %get3A_437 : memref<1x64xf32, #tpu.memory_space<vmem>> -> memref<64xf32, #tpu.memory_space<vmem>>
          %get3A_439 = arith.constant 16 : index
          %get3A_440 = tpu.vector_load %get3A_438[%get3A_439] {strides = array<i32>} : memref<64xf32, #tpu.memory_space<vmem>>, vector<16xf32>,
          %get3A_441 = vector.shape_cast %get3A_440 : vector<16xf32> to vector<16xf32>
          %mul3A_442 = arith.constant 8.000000e+00 : f32
          %mul3A_443 = vector.broadcast %mul3A_442 : f32 to vector<16xf32>
          %mul3A_444 = arith.mulf %get3A_441, %mul3A_443 : vector<16xf32>
          %get3A_445 = arith.constant 0 : i32
          %get3A_446 = tpu.memref_slice %arg10[%add3A_413, %get3A_445] : memref<200x64xf32, #tpu.memory_space<vmem>> -> memref<1x64xf32, #tpu.memory_space<vmem>>
          %get3A_447 = tpu.memref_squeeze %get3A_446 : memref<1x64xf32, #tpu.memory_space<vmem>> -> memref<64xf32, #tpu.memory_space<vmem>>
          %get3A_448 = arith.constant 16 : index
          %get3A_449 = tpu.vector_load %get3A_447[%get3A_448] {strides = array<i32>} : memref<64xf32, #tpu.memory_space<vmem>>, vector<16xf32>,
          %get3A_450 = vector.shape_cast %get3A_449 : vector<16xf32> to vector<16xf32>
          %add3A_451 = arith.addf %mul3A_444, %get3A_450 : vector<16xf32>
          %swap3A_452 = arith.constant 0 : i32
          %swap3A_453 = tpu.memref_slice %arg9[%add3A_413, %swap3A_452] : memref<200x64xf32, #tpu.memory_space<vmem>> -> memref<1x64xf32, #tpu.memory_space<vmem>>
          %swap3A_454 = tpu.memref_squeeze %swap3A_453 : memref<1x64xf32, #tpu.memory_space<vmem>> -> memref<64xf32, #tpu.memory_space<vmem>>
          %swap3A_455 = arith.constant 16 : index
          %swap3A_456 = tpu.vector_load %swap3A_454[%swap3A_455] {strides = array<i32>} : memref<64xf32, #tpu.memory_space<vmem>>, vector<16xf32>,
          %swap3A_457 = vector.shape_cast %swap3A_456 : vector<16xf32> to vector<16xf32>
          %swap3A_458 = vector.shape_cast %add3A_451 : vector<16xf32> to vector<16xf32>
          tpu.vector_store %swap3A_454[%swap3A_455], %swap3A_458 {strides = array<i32>} : memref<64xf32, #tpu.memory_space<vmem>>, vector<16xf32>,
          %get3A_459 = arith.constant 0 : i32
          %get3A_460 = tpu.memref_slice %arg9[%add3A_413, %get3A_459] : memref<200x64xf32, #tpu.memory_space<vmem>> -> memref<1x64xf32, #tpu.memory_space<vmem>>
          %get3A_461 = tpu.memref_squeeze %get3A_460 : memref<1x64xf32, #tpu.memory_space<vmem>> -> memref<64xf32, #tpu.memory_space<vmem>>
          %get3A_462 = arith.constant 32 : index
          %get3A_463 = tpu.vector_load %get3A_461[%get3A_462] {strides = array<i32>} : memref<64xf32, #tpu.memory_space<vmem>>, vector<16xf32>,
          %get3A_464 = vector.shape_cast %get3A_463 : vector<16xf32> to vector<16xf32>
          %mul3A_465 = arith.constant 8.000000e+00 : f32
          %mul3A_466 = vector.broadcast %mul3A_465 : f32 to vector<16xf32>
          %mul3A_467 = arith.mulf %get3A_464, %mul3A_466 : vector<16xf32>
          %get3A_468 = arith.constant 0 : i32
          %get3A_469 = tpu.memref_slice %arg10[%add3A_413, %get3A_468] : memref<200x64xf32, #tpu.memory_space<vmem>> -> memref<1x64xf32, #tpu.memory_space<vmem>>
          %get3A_470 = tpu.memref_squeeze %get3A_469 : memref<1x64xf32, #tpu.memory_space<vmem>> -> memref<64xf32, #tpu.memory_space<vmem>>
          %get3A_471 = arith.constant 32 : index
          %get3A_472 = tpu.vector_load %get3A_470[%get3A_471] {strides = array<i32>} : memref<64xf32, #tpu.memory_space<vmem>>, vector<16xf32>,
          %get3A_473 = vector.shape_cast %get3A_472 : vector<16xf32> to vector<16xf32>
          %add3A_474 = arith.addf %mul3A_467, %get3A_473 : vector<16xf32>
          %swap3A_475 = arith.constant 0 : i32
          %swap3A_476 = tpu.memref_slice %arg9[%add3A_413, %swap3A_475] : memref<200x64xf32, #tpu.memory_space<vmem>> -> memref<1x64xf32, #tpu.memory_space<vmem>>
          %swap3A_477 = tpu.memref_squeeze %swap3A_476 : memref<1x64xf32, #tpu.memory_space<vmem>> -> memref<64xf32, #tpu.memory_space<vmem>>
          %swap3A_478 = arith.constant 32 : index
          %swap3A_479 = tpu.vector_load %swap3A_477[%swap3A_478] {strides = array<i32>} : memref<64xf32, #tpu.memory_space<vmem>>, vector<16xf32>,
          %swap3A_480 = vector.shape_cast %swap3A_479 : vector<16xf32> to vector<16xf32>
          %swap3A_481 = vector.shape_cast %add3A_474 : vector<16xf32> to vector<16xf32>
          tpu.vector_store %swap3A_477[%swap3A_478], %swap3A_481 {strides = array<i32>} : memref<64xf32, #tpu.memory_space<vmem>>, vector<16xf32>,
          %get3A_482 = arith.constant 0 : i32
          %get3A_483 = tpu.memref_slice %arg9[%add3A_413, %get3A_482] : memref<200x64xf32, #tpu.memory_space<vmem>> -> memref<1x64xf32, #tpu.memory_space<vmem>>
          %get3A_484 = tpu.memref_squeeze %get3A_483 : memref<1x64xf32, #tpu.memory_space<vmem>> -> memref<64xf32, #tpu.memory_space<vmem>>
          %get3A_485 = arith.constant 48 : index
          %get3A_486 = tpu.vector_load %get3A_484[%get3A_485] {strides = array<i32>} : memref<64xf32, #tpu.memory_space<vmem>>, vector<16xf32>,
          %get3A_487 = vector.shape_cast %get3A_486 : vector<16xf32> to vector<16xf32>
          %mul3A_488 = arith.constant 8.000000e+00 : f32
          %mul3A_489 = vector.broadcast %mul3A_488 : f32 to vector<16xf32>
          %mul3A_490 = arith.mulf %get3A_487, %mul3A_489 : vector<16xf32>
          %get3A_491 = arith.constant 0 : i32
          %get3A_492 = tpu.memref_slice %arg10[%add3A_413, %get3A_491] : memref<200x64xf32, #tpu.memory_space<vmem>> -> memref<1x64xf32, #tpu.memory_space<vmem>>
          %get3A_493 = tpu.memref_squeeze %get3A_492 : memref<1x64xf32, #tpu.memory_space<vmem>> -> memref<64xf32, #tpu.memory_space<vmem>>
          %get3A_494 = arith.constant 48 : index
          %get3A_495 = tpu.vector_load %get3A_493[%get3A_494] {strides = array<i32>} : memref<64xf32, #tpu.memory_space<vmem>>, vector<16xf32>,
          %get3A_496 = vector.shape_cast %get3A_495 : vector<16xf32> to vector<16xf32>
          %add3A_497 = arith.addf %mul3A_490, %get3A_496 : vector<16xf32>
          %swap3A_498 = arith.constant 0 : i32
          %swap3A_499 = tpu.memref_slice %arg9[%add3A_413, %swap3A_498] : memref<200x64xf32, #tpu.memory_space<vmem>> -> memref<1x64xf32, #tpu.memory_space<vmem>>
          %swap3A_500 = tpu.memref_squeeze %swap3A_499 : memref<1x64xf32, #tpu.memory_space<vmem>> -> memref<64xf32, #tpu.memory_space<vmem>>
          %swap3A_501 = arith.constant 48 : index
          %swap3A_502 = tpu.vector_load %swap3A_500[%swap3A_501] {strides = array<i32>} : memref<64xf32, #tpu.memory_space<vmem>>, vector<16xf32>,
          %swap3A_503 = vector.shape_cast %swap3A_502 : vector<16xf32> to vector<16xf32>
          %swap3A_504 = vector.shape_cast %add3A_497 : vector<16xf32> to vector<16xf32>
          tpu.vector_store %swap3A_500[%swap3A_501], %swap3A_504 {strides = array<i32>} : memref<64xf32, #tpu.memory_space<vmem>>, vector<16xf32>,
        }
        %scan3A_401 = arith.constant 200 : i32
        %mul3A_402 = arith.constant 200 : i32
        %mul3A_403 = arith.muli %sub3A_396, %mul3A_402 : i32
        %add3A_404 = arith.addi %mul3A_2, %mul3A_403 : i32
        %dma_start3A_405 = arith.constant 0 : i32
        %dma_start3A_406 = tpu.memref_slice %arg5[%add3A_404, %dma_start3A_405] : memref<204800x64xf32, #tpu.memory_space<hbm>> -> memref<200x64xf32, #tpu.memory_space<hbm>>
        %dma_start3A_407 = arith.constant 0 : i32
        %dma_start3A_408 = tpu.memref_slice %arg5[%add3A_404, %dma_start3A_407] : memref<204800x64xf32, #tpu.memory_space<hbm>> -> memref<200x64xf32, #tpu.memory_space<hbm>>
        tpu.enqueue_dma source(%arg9 : memref<200x64xf32, #tpu.memory_space<vmem>>) target(%dma_start3A_408 : memref<200x64xf32, #tpu.memory_space<hbm>>) target_semaphore(%arg17 : memref<!tpu.dma_semaphore, #tpu.memory_space<semaphore_mem>>)
      } else {
      }
      %mul3A_213 = arith.constant 2 : i32
      %mul3A_214 = arith.muli %add3A_44, %mul3A_213 : i32
      %add3A_215 = arith.constant 1 : i32
      %add3A_216 = arith.addi %mul3A_214, %add3A_215 : i32
      %ge3A_217 = arith.constant 2 : i32
      %ge3A_218 = arith.cmpi sge, %add3A_216, %ge3A_217 : i32
      %convert_element_type3A_219 = arith.extui %ge3A_218 : i1 to i32
      %cond3A_220 = arith.constant 0 : i32
      %cond3A_221 = arith.cmpi ne, %convert_element_type3A_219, %cond3A_220 : i32
      scf.if %cond3A_221 {
        %dma_wait3A_390 = arith.constant 0 : i32
        %dma_wait3A_391 = arith.constant 0 : i32
        %dma_wait3A_392 = tpu.memref_slice %arg5[%dma_wait3A_390, %dma_wait3A_391] : memref<204800x64xf32, #tpu.memory_space<hbm>> -> memref<200x64xf32, #tpu.memory_space<hbm>>
        %dma_wait3A_393 = arith.constant 0 : i32
        %dma_wait3A_394 = arith.constant 0 : i32
        %dma_wait3A_395 = tpu.memref_slice %arg5[%dma_wait3A_393, %dma_wait3A_394] : memref<204800x64xf32, #tpu.memory_space<hbm>> -> memref<200x64xf32, #tpu.memory_space<hbm>>
        tpu.wait_dma2 semaphore(%arg17 : memref<!tpu.dma_semaphore, #tpu.memory_space<semaphore_mem>>) src(%arg9 : memref<200x64xf32, #tpu.memory_space<vmem>>) dst(%dma_wait3A_395 : memref<200x64xf32, #tpu.memory_space<hbm>>)
      } else {
      }
      %dma_wait3A_222 = arith.constant 0 : i32
      %dma_wait3A_223 = tpu.memref_slice %arg3[%dma_wait3A_222] : memref<204800xi32, #tpu.memory_space<hbm>> -> memref<200xi32, #tpu.memory_space<hbm>>
      %dma_wait3A_224 = arith.constant 0 : i32
      %dma_wait3A_225 = tpu.memref_slice %arg3[%dma_wait3A_224] : memref<204800xi32, #tpu.memory_space<hbm>> -> memref<200xi32, #tpu.memory_space<hbm>>
      tpu.wait_dma2 semaphore(%arg13 : memref<!tpu.dma_semaphore, #tpu.memory_space<semaphore_mem>>) src(%dma_wait3A_225 : memref<200xi32, #tpu.memory_space<hbm>>) dst(%arg7 : memref<200xi32, #tpu.memory_space<vmem>>)
      %scan3A_226 = arith.constant 0 : i32
      %scan3A_227 = arith.constant 12 : i32
      %scan3A_228 = arith.addi %scan3A_226, %scan3A_227 : i32
      %scan3A_229 = arith.constant 1 : i32
      scf.for %scan3A_390 = %scan3A_226 to %scan3A_228 step %scan3A_229  : i32 {
        %mul3A_391 = arith.constant 1 : i32
        %mul3A_392 = arith.muli %scan3A_390, %mul3A_391 : i32
        %add3A_393 = arith.constant 0 : i32
        %add3A_394 = arith.addi %add3A_393, %mul3A_392 : i32
        %mul3A_395 = arith.constant 16 : i32
        %mul3A_396 = arith.muli %add3A_394, %mul3A_395 : i32
        %get3A_397 = arith.index_cast %mul3A_396 : i32 to index
        %get3A_398 = tpu.vector_load %arg7[%get3A_397] {strides = array<i32>} : memref<200xi32, #tpu.memory_space<vmem>>, vector<16xi32>,
        %get3A_399 = vector.shape_cast %get3A_398 : vector<16xi32> to vector<16xi32>
        %slice3A_400 = vector.extract_strided_slice %get3A_399 {offsets = [0], sizes = [1], strides = [1]} : vector<16xi32> to vector<1xi32>
        %squeeze3A_401 = vector.extract %slice3A_400[0] : i32 from vector<1xi32>
        %shift_right_arithmetic3A_402 = arith.constant 3 : i32
        %shift_right_arithmetic3A_403 = arith.shrsi %squeeze3A_401, %shift_right_arithmetic3A_402 : i32
        %and3A_404 = arith.constant 7 : i32
        %and3A_405 = arith.andi %squeeze3A_401, %and3A_404 : i32
        %mul3A_406 = arith.constant 16 : i32
        %mul3A_407 = arith.muli %add3A_394, %mul3A_406 : i32
        %add3A_408 = arith.constant 0 : i32
        %add3A_409 = arith.addi %mul3A_407, %add3A_408 : i32
        %dma_start3A_410 = arith.constant 0 : i32
        %dma_start3A_411 = tpu.memref_slice %arg9[%add3A_409, %dma_start3A_410] : memref<200x64xf32, #tpu.memory_space<vmem>> -> memref<1x64xf32, #tpu.memory_space<vmem>>
        %dma_start3A_412 = arith.constant 0 : i32
        %dma_start3A_413 = tpu.memref_slice %arg2[%shift_right_arithmetic3A_403, %and3A_405, %dma_start3A_412] : memref<125000x8x64xf32, #tpu.memory_space<hbm>> -> memref<1x1x64xf32, #tpu.memory_space<hbm>>
        %dma_start3A_414 = tpu.memref_squeeze %dma_start3A_413 : memref<1x1x64xf32, #tpu.memory_space<hbm>> -> memref<1x64xf32, #tpu.memory_space<hbm>>
        %dma_start3A_415 = arith.constant 0 : i32
        %dma_start3A_416 = tpu.memref_slice %arg9[%add3A_409, %dma_start3A_415] : memref<200x64xf32, #tpu.memory_space<vmem>> -> memref<1x64xf32, #tpu.memory_space<vmem>>
        %dma_start3A_417 = arith.constant 0 : i32
        %dma_start3A_418 = tpu.memref_slice %arg2[%shift_right_arithmetic3A_403, %and3A_405, %dma_start3A_417] : memref<125000x8x64xf32, #tpu.memory_space<hbm>> -> memref<1x1x64xf32, #tpu.memory_space<hbm>>
        %dma_start3A_419 = tpu.memref_squeeze %dma_start3A_418 : memref<1x1x64xf32, #tpu.memory_space<hbm>> -> memref<1x64xf32, #tpu.memory_space<hbm>>
        tpu.enqueue_dma source(%dma_start3A_419 : memref<1x64xf32, #tpu.memory_space<hbm>>) target(%dma_start3A_416 : memref<1x64xf32, #tpu.memory_space<vmem>>) target_semaphore(%arg15 : memref<!tpu.dma_semaphore, #tpu.memory_space<semaphore_mem>>)
        %slice3A_420 = vector.extract_strided_slice %get3A_399 {offsets = [1], sizes = [1], strides = [1]} : vector<16xi32> to vector<1xi32>
        %squeeze3A_421 = vector.extract %slice3A_420[0] : i32 from vector<1xi32>
        %shift_right_arithmetic3A_422 = arith.constant 3 : i32
        %shift_right_arithmetic3A_423 = arith.shrsi %squeeze3A_421, %shift_right_arithmetic3A_422 : i32
        %and3A_424 = arith.constant 7 : i32
        %and3A_425 = arith.andi %squeeze3A_421, %and3A_424 : i32
        %mul3A_426 = arith.constant 16 : i32
        %mul3A_427 = arith.muli %add3A_394, %mul3A_426 : i32
        %add3A_428 = arith.constant 1 : i32
        %add3A_429 = arith.addi %mul3A_427, %add3A_428 : i32
        %dma_start3A_430 = arith.constant 0 : i32
        %dma_start3A_431 = tpu.memref_slice %arg9[%add3A_429, %dma_start3A_430] : memref<200x64xf32, #tpu.memory_space<vmem>> -> memref<1x64xf32, #tpu.memory_space<vmem>>
        %dma_start3A_432 = arith.constant 0 : i32
        %dma_start3A_433 = tpu.memref_slice %arg2[%shift_right_arithmetic3A_423, %and3A_425, %dma_start3A_432] : memref<125000x8x64xf32, #tpu.memory_space<hbm>> -> memref<1x1x64xf32, #tpu.memory_space<hbm>>
        %dma_start3A_434 = tpu.memref_squeeze %dma_start3A_433 : memref<1x1x64xf32, #tpu.memory_space<hbm>> -> memref<1x64xf32, #tpu.memory_space<hbm>>
        %dma_start3A_435 = arith.constant 0 : i32
        %dma_start3A_436 = tpu.memref_slice %arg9[%add3A_429, %dma_start3A_435] : memref<200x64xf32, #tpu.memory_space<vmem>> -> memref<1x64xf32, #tpu.memory_space<vmem>>
        %dma_start3A_437 = arith.constant 0 : i32
        %dma_start3A_438 = tpu.memref_slice %arg2[%shift_right_arithmetic3A_423, %and3A_425, %dma_start3A_437] : memref<125000x8x64xf32, #tpu.memory_space<hbm>> -> memref<1x1x64xf32, #tpu.memory_space<hbm>>
        %dma_start3A_439 = tpu.memref_squeeze %dma_start3A_438 : memref<1x1x64xf32, #tpu.memory_space<hbm>> -> memref<1x64xf32, #tpu.memory_space<hbm>>
        tpu.enqueue_dma source(%dma_start3A_439 : memref<1x64xf32, #tpu.memory_space<hbm>>) target(%dma_start3A_436 : memref<1x64xf32, #tpu.memory_space<vmem>>) target_semaphore(%arg15 : memref<!tpu.dma_semaphore, #tpu.memory_space<semaphore_mem>>)
        %slice3A_440 = vector.extract_strided_slice %get3A_399 {offsets = [2], sizes = [1], strides = [1]} : vector<16xi32> to vector<1xi32>
        %squeeze3A_441 = vector.extract %slice3A_440[0] : i32 from vector<1xi32>
        %shift_right_arithmetic3A_442 = arith.constant 3 : i32
        %shift_right_arithmetic3A_443 = arith.shrsi %squeeze3A_441, %shift_right_arithmetic3A_442 : i32
        %and3A_444 = arith.constant 7 : i32
        %and3A_445 = arith.andi %squeeze3A_441, %and3A_444 : i32
        %mul3A_446 = arith.constant 16 : i32
        %mul3A_447 = arith.muli %add3A_394, %mul3A_446 : i32
        %add3A_448 = arith.constant 2 : i32
        %add3A_449 = arith.addi %mul3A_447, %add3A_448 : i32
        %dma_start3A_450 = arith.constant 0 : i32
        %dma_start3A_451 = tpu.memref_slice %arg9[%add3A_449, %dma_start3A_450] : memref<200x64xf32, #tpu.memory_space<vmem>> -> memref<1x64xf32, #tpu.memory_space<vmem>>
        %dma_start3A_452 = arith.constant 0 : i32
        %dma_start3A_453 = tpu.memref_slice %arg2[%shift_right_arithmetic3A_443, %and3A_445, %dma_start3A_452] : memref<125000x8x64xf32, #tpu.memory_space<hbm>> -> memref<1x1x64xf32, #tpu.memory_space<hbm>>
        %dma_start3A_454 = tpu.memref_squeeze %dma_start3A_453 : memref<1x1x64xf32, #tpu.memory_space<hbm>> -> memref<1x64xf32, #tpu.memory_space<hbm>>
        %dma_start3A_455 = arith.constant 0 : i32
        %dma_start3A_456 = tpu.memref_slice %arg9[%add3A_449, %dma_start3A_455] : memref<200x64xf32, #tpu.memory_space<vmem>> -> memref<1x64xf32, #tpu.memory_space<vmem>>
        %dma_start3A_457 = arith.constant 0 : i32
        %dma_start3A_458 = tpu.memref_slice %arg2[%shift_right_arithmetic3A_443, %and3A_445, %dma_start3A_457] : memref<125000x8x64xf32, #tpu.memory_space<hbm>> -> memref<1x1x64xf32, #tpu.memory_space<hbm>>
        %dma_start3A_459 = tpu.memref_squeeze %dma_start3A_458 : memref<1x1x64xf32, #tpu.memory_space<hbm>> -> memref<1x64xf32, #tpu.memory_space<hbm>>
        tpu.enqueue_dma source(%dma_start3A_459 : memref<1x64xf32, #tpu.memory_space<hbm>>) target(%dma_start3A_456 : memref<1x64xf32, #tpu.memory_space<vmem>>) target_semaphore(%arg15 : memref<!tpu.dma_semaphore, #tpu.memory_space<semaphore_mem>>)
        %slice3A_460 = vector.extract_strided_slice %get3A_399 {offsets = [3], sizes = [1], strides = [1]} : vector<16xi32> to vector<1xi32>
        %squeeze3A_461 = vector.extract %slice3A_460[0] : i32 from vector<1xi32>
        %shift_right_arithmetic3A_462 = arith.constant 3 : i32
        %shift_right_arithmetic3A_463 = arith.shrsi %squeeze3A_461, %shift_right_arithmetic3A_462 : i32
        %and3A_464 = arith.constant 7 : i32
        %and3A_465 = arith.andi %squeeze3A_461, %and3A_464 : i32
        %mul3A_466 = arith.constant 16 : i32
        %mul3A_467 = arith.muli %add3A_394, %mul3A_466 : i32
        %add3A_468 = arith.constant 3 : i32
        %add3A_469 = arith.addi %mul3A_467, %add3A_468 : i32
        %dma_start3A_470 = arith.constant 0 : i32
        %dma_start3A_471 = tpu.memref_slice %arg9[%add3A_469, %dma_start3A_470] : memref<200x64xf32, #tpu.memory_space<vmem>> -> memref<1x64xf32, #tpu.memory_space<vmem>>
        %dma_start3A_472 = arith.constant 0 : i32
        %dma_start3A_473 = tpu.memref_slice %arg2[%shift_right_arithmetic3A_463, %and3A_465, %dma_start3A_472] : memref<125000x8x64xf32, #tpu.memory_space<hbm>> -> memref<1x1x64xf32, #tpu.memory_space<hbm>>
        %dma_start3A_474 = tpu.memref_squeeze %dma_start3A_473 : memref<1x1x64xf32, #tpu.memory_space<hbm>> -> memref<1x64xf32, #tpu.memory_space<hbm>>
        %dma_start3A_475 = arith.constant 0 : i32
        %dma_start3A_476 = tpu.memref_slice %arg9[%add3A_469, %dma_start3A_475] : memref<200x64xf32, #tpu.memory_space<vmem>> -> memref<1x64xf32, #tpu.memory_space<vmem>>
        %dma_start3A_477 = arith.constant 0 : i32
        %dma_start3A_478 = tpu.memref_slice %arg2[%shift_right_arithmetic3A_463, %and3A_465, %dma_start3A_477] : memref<125000x8x64xf32, #tpu.memory_space<hbm>> -> memref<1x1x64xf32, #tpu.memory_space<hbm>>
        %dma_start3A_479 = tpu.memref_squeeze %dma_start3A_478 : memref<1x1x64xf32, #tpu.memory_space<hbm>> -> memref<1x64xf32, #tpu.memory_space<hbm>>
        tpu.enqueue_dma source(%dma_start3A_479 : memref<1x64xf32, #tpu.memory_space<hbm>>) target(%dma_start3A_476 : memref<1x64xf32, #tpu.memory_space<vmem>>) target_semaphore(%arg15 : memref<!tpu.dma_semaphore, #tpu.memory_space<semaphore_mem>>)
        %slice3A_480 = vector.extract_strided_slice %get3A_399 {offsets = [4], sizes = [1], strides = [1]} : vector<16xi32> to vector<1xi32>
        %squeeze3A_481 = vector.extract %slice3A_480[0] : i32 from vector<1xi32>
        %shift_right_arithmetic3A_482 = arith.constant 3 : i32
        %shift_right_arithmetic3A_483 = arith.shrsi %squeeze3A_481, %shift_right_arithmetic3A_482 : i32
        %and3A_484 = arith.constant 7 : i32
        %and3A_485 = arith.andi %squeeze3A_481, %and3A_484 : i32
        %mul3A_486 = arith.constant 16 : i32
        %mul3A_487 = arith.muli %add3A_394, %mul3A_486 : i32
        %add3A_488 = arith.constant 4 : i32
        %add3A_489 = arith.addi %mul3A_487, %add3A_488 : i32
        %dma_start3A_490 = arith.constant 0 : i32
        %dma_start3A_491 = tpu.memref_slice %arg9[%add3A_489, %dma_start3A_490] : memref<200x64xf32, #tpu.memory_space<vmem>> -> memref<1x64xf32, #tpu.memory_space<vmem>>
        %dma_start3A_492 = arith.constant 0 : i32
        %dma_start3A_493 = tpu.memref_slice %arg2[%shift_right_arithmetic3A_483, %and3A_485, %dma_start3A_492] : memref<125000x8x64xf32, #tpu.memory_space<hbm>> -> memref<1x1x64xf32, #tpu.memory_space<hbm>>
        %dma_start3A_494 = tpu.memref_squeeze %dma_start3A_493 : memref<1x1x64xf32, #tpu.memory_space<hbm>> -> memref<1x64xf32, #tpu.memory_space<hbm>>
        %dma_start3A_495 = arith.constant 0 : i32
        %dma_start3A_496 = tpu.memref_slice %arg9[%add3A_489, %dma_start3A_495] : memref<200x64xf32, #tpu.memory_space<vmem>> -> memref<1x64xf32, #tpu.memory_space<vmem>>
        %dma_start3A_497 = arith.constant 0 : i32
        %dma_start3A_498 = tpu.memref_slice %arg2[%shift_right_arithmetic3A_483, %and3A_485, %dma_start3A_497] : memref<125000x8x64xf32, #tpu.memory_space<hbm>> -> memref<1x1x64xf32, #tpu.memory_space<hbm>>
        %dma_start3A_499 = tpu.memref_squeeze %dma_start3A_498 : memref<1x1x64xf32, #tpu.memory_space<hbm>> -> memref<1x64xf32, #tpu.memory_space<hbm>>
        tpu.enqueue_dma source(%dma_start3A_499 : memref<1x64xf32, #tpu.memory_space<hbm>>) target(%dma_start3A_496 : memref<1x64xf32, #tpu.memory_space<vmem>>) target_semaphore(%arg15 : memref<!tpu.dma_semaphore, #tpu.memory_space<semaphore_mem>>)
        %slice3A_500 = vector.extract_strided_slice %get3A_399 {offsets = [5], sizes = [1], strides = [1]} : vector<16xi32> to vector<1xi32>
        %squeeze3A_501 = vector.extract %slice3A_500[0] : i32 from vector<1xi32>
        %shift_right_arithmetic3A_502 = arith.constant 3 : i32
        %shift_right_arithmetic3A_503 = arith.shrsi %squeeze3A_501, %shift_right_arithmetic3A_502 : i32
        %and3A_504 = arith.constant 7 : i32
        %and3A_505 = arith.andi %squeeze3A_501, %and3A_504 : i32
        %mul3A_506 = arith.constant 16 : i32
        %mul3A_507 = arith.muli %add3A_394, %mul3A_506 : i32
        %add3A_508 = arith.constant 5 : i32
        %add3A_509 = arith.addi %mul3A_507, %add3A_508 : i32
        %dma_start3A_510 = arith.constant 0 : i32
        %dma_start3A_511 = tpu.memref_slice %arg9[%add3A_509, %dma_start3A_510] : memref<200x64xf32, #tpu.memory_space<vmem>> -> memref<1x64xf32, #tpu.memory_space<vmem>>
        %dma_start3A_512 = arith.constant 0 : i32
        %dma_start3A_513 = tpu.memref_slice %arg2[%shift_right_arithmetic3A_503, %and3A_505, %dma_start3A_512] : memref<125000x8x64xf32, #tpu.memory_space<hbm>> -> memref<1x1x64xf32, #tpu.memory_space<hbm>>
        %dma_start3A_514 = tpu.memref_squeeze %dma_start3A_513 : memref<1x1x64xf32, #tpu.memory_space<hbm>> -> memref<1x64xf32, #tpu.memory_space<hbm>>
        %dma_start3A_515 = arith.constant 0 : i32
        %dma_start3A_516 = tpu.memref_slice %arg9[%add3A_509, %dma_start3A_515] : memref<200x64xf32, #tpu.memory_space<vmem>> -> memref<1x64xf32, #tpu.memory_space<vmem>>
        %dma_start3A_517 = arith.constant 0 : i32
        %dma_start3A_518 = tpu.memref_slice %arg2[%shift_right_arithmetic3A_503, %and3A_505, %dma_start3A_517] : memref<125000x8x64xf32, #tpu.memory_space<hbm>> -> memref<1x1x64xf32, #tpu.memory_space<hbm>>
        %dma_start3A_519 = tpu.memref_squeeze %dma_start3A_518 : memref<1x1x64xf32, #tpu.memory_space<hbm>> -> memref<1x64xf32, #tpu.memory_space<hbm>>
        tpu.enqueue_dma source(%dma_start3A_519 : memref<1x64xf32, #tpu.memory_space<hbm>>) target(%dma_start3A_516 : memref<1x64xf32, #tpu.memory_space<vmem>>) target_semaphore(%arg15 : memref<!tpu.dma_semaphore, #tpu.memory_space<semaphore_mem>>)
        %slice3A_520 = vector.extract_strided_slice %get3A_399 {offsets = [6], sizes = [1], strides = [1]} : vector<16xi32> to vector<1xi32>
        %squeeze3A_521 = vector.extract %slice3A_520[0] : i32 from vector<1xi32>
        %shift_right_arithmetic3A_522 = arith.constant 3 : i32
        %shift_right_arithmetic3A_523 = arith.shrsi %squeeze3A_521, %shift_right_arithmetic3A_522 : i32
        %and3A_524 = arith.constant 7 : i32
        %and3A_525 = arith.andi %squeeze3A_521, %and3A_524 : i32
        %mul3A_526 = arith.constant 16 : i32
        %mul3A_527 = arith.muli %add3A_394, %mul3A_526 : i32
        %add3A_528 = arith.constant 6 : i32
        %add3A_529 = arith.addi %mul3A_527, %add3A_528 : i32
        %dma_start3A_530 = arith.constant 0 : i32
        %dma_start3A_531 = tpu.memref_slice %arg9[%add3A_529, %dma_start3A_530] : memref<200x64xf32, #tpu.memory_space<vmem>> -> memref<1x64xf32, #tpu.memory_space<vmem>>
        %dma_start3A_532 = arith.constant 0 : i32
        %dma_start3A_533 = tpu.memref_slice %arg2[%shift_right_arithmetic3A_523, %and3A_525, %dma_start3A_532] : memref<125000x8x64xf32, #tpu.memory_space<hbm>> -> memref<1x1x64xf32, #tpu.memory_space<hbm>>
        %dma_start3A_534 = tpu.memref_squeeze %dma_start3A_533 : memref<1x1x64xf32, #tpu.memory_space<hbm>> -> memref<1x64xf32, #tpu.memory_space<hbm>>
        %dma_start3A_535 = arith.constant 0 : i32
        %dma_start3A_536 = tpu.memref_slice %arg9[%add3A_529, %dma_start3A_535] : memref<200x64xf32, #tpu.memory_space<vmem>> -> memref<1x64xf32, #tpu.memory_space<vmem>>
        %dma_start3A_537 = arith.constant 0 : i32
        %dma_start3A_538 = tpu.memref_slice %arg2[%shift_right_arithmetic3A_523, %and3A_525, %dma_start3A_537] : memref<125000x8x64xf32, #tpu.memory_space<hbm>> -> memref<1x1x64xf32, #tpu.memory_space<hbm>>
        %dma_start3A_539 = tpu.memref_squeeze %dma_start3A_538 : memref<1x1x64xf32, #tpu.memory_space<hbm>> -> memref<1x64xf32, #tpu.memory_space<hbm>>
        tpu.enqueue_dma source(%dma_start3A_539 : memref<1x64xf32, #tpu.memory_space<hbm>>) target(%dma_start3A_536 : memref<1x64xf32, #tpu.memory_space<vmem>>) target_semaphore(%arg15 : memref<!tpu.dma_semaphore, #tpu.memory_space<semaphore_mem>>)
        %slice3A_540 = vector.extract_strided_slice %get3A_399 {offsets = [7], sizes = [1], strides = [1]} : vector<16xi32> to vector<1xi32>
        %squeeze3A_541 = vector.extract %slice3A_540[0] : i32 from vector<1xi32>
        %shift_right_arithmetic3A_542 = arith.constant 3 : i32
        %shift_right_arithmetic3A_543 = arith.shrsi %squeeze3A_541, %shift_right_arithmetic3A_542 : i32
        %and3A_544 = arith.constant 7 : i32
        %and3A_545 = arith.andi %squeeze3A_541, %and3A_544 : i32
        %mul3A_546 = arith.constant 16 : i32
        %mul3A_547 = arith.muli %add3A_394, %mul3A_546 : i32
        %add3A_548 = arith.constant 7 : i32
        %add3A_549 = arith.addi %mul3A_547, %add3A_548 : i32
        %dma_start3A_550 = arith.constant 0 : i32
        %dma_start3A_551 = tpu.memref_slice %arg9[%add3A_549, %dma_start3A_550] : memref<200x64xf32, #tpu.memory_space<vmem>> -> memref<1x64xf32, #tpu.memory_space<vmem>>
        %dma_start3A_552 = arith.constant 0 : i32
        %dma_start3A_553 = tpu.memref_slice %arg2[%shift_right_arithmetic3A_543, %and3A_545, %dma_start3A_552] : memref<125000x8x64xf32, #tpu.memory_space<hbm>> -> memref<1x1x64xf32, #tpu.memory_space<hbm>>
        %dma_start3A_554 = tpu.memref_squeeze %dma_start3A_553 : memref<1x1x64xf32, #tpu.memory_space<hbm>> -> memref<1x64xf32, #tpu.memory_space<hbm>>
        %dma_start3A_555 = arith.constant 0 : i32
        %dma_start3A_556 = tpu.memref_slice %arg9[%add3A_549, %dma_start3A_555] : memref<200x64xf32, #tpu.memory_space<vmem>> -> memref<1x64xf32, #tpu.memory_space<vmem>>
        %dma_start3A_557 = arith.constant 0 : i32
        %dma_start3A_558 = tpu.memref_slice %arg2[%shift_right_arithmetic3A_543, %and3A_545, %dma_start3A_557] : memref<125000x8x64xf32, #tpu.memory_space<hbm>> -> memref<1x1x64xf32, #tpu.memory_space<hbm>>
        %dma_start3A_559 = tpu.memref_squeeze %dma_start3A_558 : memref<1x1x64xf32, #tpu.memory_space<hbm>> -> memref<1x64xf32, #tpu.memory_space<hbm>>
        tpu.enqueue_dma source(%dma_start3A_559 : memref<1x64xf32, #tpu.memory_space<hbm>>) target(%dma_start3A_556 : memref<1x64xf32, #tpu.memory_space<vmem>>) target_semaphore(%arg15 : memref<!tpu.dma_semaphore, #tpu.memory_space<semaphore_mem>>)
        %slice3A_560 = vector.extract_strided_slice %get3A_399 {offsets = [8], sizes = [1], strides = [1]} : vector<16xi32> to vector<1xi32>
        %squeeze3A_561 = vector.extract %slice3A_560[0] : i32 from vector<1xi32>
        %shift_right_arithmetic3A_562 = arith.constant 3 : i32
        %shift_right_arithmetic3A_563 = arith.shrsi %squeeze3A_561, %shift_right_arithmetic3A_562 : i32
        %and3A_564 = arith.constant 7 : i32
        %and3A_565 = arith.andi %squeeze3A_561, %and3A_564 : i32
        %mul3A_566 = arith.constant 16 : i32
        %mul3A_567 = arith.muli %add3A_394, %mul3A_566 : i32
        %add3A_568 = arith.constant 8 : i32
        %add3A_569 = arith.addi %mul3A_567, %add3A_568 : i32
        %dma_start3A_570 = arith.constant 0 : i32
        %dma_start3A_571 = tpu.memref_slice %arg9[%add3A_569, %dma_start3A_570] : memref<200x64xf32, #tpu.memory_space<vmem>> -> memref<1x64xf32, #tpu.memory_space<vmem>>
        %dma_start3A_572 = arith.constant 0 : i32
        %dma_start3A_573 = tpu.memref_slice %arg2[%shift_right_arithmetic3A_563, %and3A_565, %dma_start3A_572] : memref<125000x8x64xf32, #tpu.memory_space<hbm>> -> memref<1x1x64xf32, #tpu.memory_space<hbm>>
        %dma_start3A_574 = tpu.memref_squeeze %dma_start3A_573 : memref<1x1x64xf32, #tpu.memory_space<hbm>> -> memref<1x64xf32, #tpu.memory_space<hbm>>
        %dma_start3A_575 = arith.constant 0 : i32
        %dma_start3A_576 = tpu.memref_slice %arg9[%add3A_569, %dma_start3A_575] : memref<200x64xf32, #tpu.memory_space<vmem>> -> memref<1x64xf32, #tpu.memory_space<vmem>>
        %dma_start3A_577 = arith.constant 0 : i32
        %dma_start3A_578 = tpu.memref_slice %arg2[%shift_right_arithmetic3A_563, %and3A_565, %dma_start3A_577] : memref<125000x8x64xf32, #tpu.memory_space<hbm>> -> memref<1x1x64xf32, #tpu.memory_space<hbm>>
        %dma_start3A_579 = tpu.memref_squeeze %dma_start3A_578 : memref<1x1x64xf32, #tpu.memory_space<hbm>> -> memref<1x64xf32, #tpu.memory_space<hbm>>
        tpu.enqueue_dma source(%dma_start3A_579 : memref<1x64xf32, #tpu.memory_space<hbm>>) target(%dma_start3A_576 : memref<1x64xf32, #tpu.memory_space<vmem>>) target_semaphore(%arg15 : memref<!tpu.dma_semaphore, #tpu.memory_space<semaphore_mem>>)
        %slice3A_580 = vector.extract_strided_slice %get3A_399 {offsets = [9], sizes = [1], strides = [1]} : vector<16xi32> to vector<1xi32>
        %squeeze3A_581 = vector.extract %slice3A_580[0] : i32 from vector<1xi32>
        %shift_right_arithmetic3A_582 = arith.constant 3 : i32
        %shift_right_arithmetic3A_583 = arith.shrsi %squeeze3A_581, %shift_right_arithmetic3A_582 : i32
        %and3A_584 = arith.constant 7 : i32
        %and3A_585 = arith.andi %squeeze3A_581, %and3A_584 : i32
        %mul3A_586 = arith.constant 16 : i32
        %mul3A_587 = arith.muli %add3A_394, %mul3A_586 : i32
        %add3A_588 = arith.constant 9 : i32
        %add3A_589 = arith.addi %mul3A_587, %add3A_588 : i32
        %dma_start3A_590 = arith.constant 0 : i32
        %dma_start3A_591 = tpu.memref_slice %arg9[%add3A_589, %dma_start3A_590] : memref<200x64xf32, #tpu.memory_space<vmem>> -> memref<1x64xf32, #tpu.memory_space<vmem>>
        %dma_start3A_592 = arith.constant 0 : i32
        %dma_start3A_593 = tpu.memref_slice %arg2[%shift_right_arithmetic3A_583, %and3A_585, %dma_start3A_592] : memref<125000x8x64xf32, #tpu.memory_space<hbm>> -> memref<1x1x64xf32, #tpu.memory_space<hbm>>
        %dma_start3A_594 = tpu.memref_squeeze %dma_start3A_593 : memref<1x1x64xf32, #tpu.memory_space<hbm>> -> memref<1x64xf32, #tpu.memory_space<hbm>>
        %dma_start3A_595 = arith.constant 0 : i32
        %dma_start3A_596 = tpu.memref_slice %arg9[%add3A_589, %dma_start3A_595] : memref<200x64xf32, #tpu.memory_space<vmem>> -> memref<1x64xf32, #tpu.memory_space<vmem>>
        %dma_start3A_597 = arith.constant 0 : i32
        %dma_start3A_598 = tpu.memref_slice %arg2[%shift_right_arithmetic3A_583, %and3A_585, %dma_start3A_597] : memref<125000x8x64xf32, #tpu.memory_space<hbm>> -> memref<1x1x64xf32, #tpu.memory_space<hbm>>
        %dma_start3A_599 = tpu.memref_squeeze %dma_start3A_598 : memref<1x1x64xf32, #tpu.memory_space<hbm>> -> memref<1x64xf32, #tpu.memory_space<hbm>>
        tpu.enqueue_dma source(%dma_start3A_599 : memref<1x64xf32, #tpu.memory_space<hbm>>) target(%dma_start3A_596 : memref<1x64xf32, #tpu.memory_space<vmem>>) target_semaphore(%arg15 : memref<!tpu.dma_semaphore, #tpu.memory_space<semaphore_mem>>)
        %slice3A_600 = vector.extract_strided_slice %get3A_399 {offsets = [10], sizes = [1], strides = [1]} : vector<16xi32> to vector<1xi32>
        %squeeze3A_601 = vector.extract %slice3A_600[0] : i32 from vector<1xi32>
        %shift_right_arithmetic3A_602 = arith.constant 3 : i32
        %shift_right_arithmetic3A_603 = arith.shrsi %squeeze3A_601, %shift_right_arithmetic3A_602 : i32
        %and3A_604 = arith.constant 7 : i32
        %and3A_605 = arith.andi %squeeze3A_601, %and3A_604 : i32
        %mul3A_606 = arith.constant 16 : i32
        %mul3A_607 = arith.muli %add3A_394, %mul3A_606 : i32
        %add3A_608 = arith.constant 10 : i32
        %add3A_609 = arith.addi %mul3A_607, %add3A_608 : i32
        %dma_start3A_610 = arith.constant 0 : i32
        %dma_start3A_611 = tpu.memref_slice %arg9[%add3A_609, %dma_start3A_610] : memref<200x64xf32, #tpu.memory_space<vmem>> -> memref<1x64xf32, #tpu.memory_space<vmem>>
        %dma_start3A_612 = arith.constant 0 : i32
        %dma_start3A_613 = tpu.memref_slice %arg2[%shift_right_arithmetic3A_603, %and3A_605, %dma_start3A_612] : memref<125000x8x64xf32, #tpu.memory_space<hbm>> -> memref<1x1x64xf32, #tpu.memory_space<hbm>>
        %dma_start3A_614 = tpu.memref_squeeze %dma_start3A_613 : memref<1x1x64xf32, #tpu.memory_space<hbm>> -> memref<1x64xf32, #tpu.memory_space<hbm>>
        %dma_start3A_615 = arith.constant 0 : i32
        %dma_start3A_616 = tpu.memref_slice %arg9[%add3A_609, %dma_start3A_615] : memref<200x64xf32, #tpu.memory_space<vmem>> -> memref<1x64xf32, #tpu.memory_space<vmem>>
        %dma_start3A_617 = arith.constant 0 : i32
        %dma_start3A_618 = tpu.memref_slice %arg2[%shift_right_arithmetic3A_603, %and3A_605, %dma_start3A_617] : memref<125000x8x64xf32, #tpu.memory_space<hbm>> -> memref<1x1x64xf32, #tpu.memory_space<hbm>>
        %dma_start3A_619 = tpu.memref_squeeze %dma_start3A_618 : memref<1x1x64xf32, #tpu.memory_space<hbm>> -> memref<1x64xf32, #tpu.memory_space<hbm>>
        tpu.enqueue_dma source(%dma_start3A_619 : memref<1x64xf32, #tpu.memory_space<hbm>>) target(%dma_start3A_616 : memref<1x64xf32, #tpu.memory_space<vmem>>) target_semaphore(%arg15 : memref<!tpu.dma_semaphore, #tpu.memory_space<semaphore_mem>>)
        %slice3A_620 = vector.extract_strided_slice %get3A_399 {offsets = [11], sizes = [1], strides = [1]} : vector<16xi32> to vector<1xi32>
        %squeeze3A_621 = vector.extract %slice3A_620[0] : i32 from vector<1xi32>
        %shift_right_arithmetic3A_622 = arith.constant 3 : i32
        %shift_right_arithmetic3A_623 = arith.shrsi %squeeze3A_621, %shift_right_arithmetic3A_622 : i32
        %and3A_624 = arith.constant 7 : i32
        %and3A_625 = arith.andi %squeeze3A_621, %and3A_624 : i32
        %mul3A_626 = arith.constant 16 : i32
        %mul3A_627 = arith.muli %add3A_394, %mul3A_626 : i32
        %add3A_628 = arith.constant 11 : i32
        %add3A_629 = arith.addi %mul3A_627, %add3A_628 : i32
        %dma_start3A_630 = arith.constant 0 : i32
        %dma_start3A_631 = tpu.memref_slice %arg9[%add3A_629, %dma_start3A_630] : memref<200x64xf32, #tpu.memory_space<vmem>> -> memref<1x64xf32, #tpu.memory_space<vmem>>
        %dma_start3A_632 = arith.constant 0 : i32
        %dma_start3A_633 = tpu.memref_slice %arg2[%shift_right_arithmetic3A_623, %and3A_625, %dma_start3A_632] : memref<125000x8x64xf32, #tpu.memory_space<hbm>> -> memref<1x1x64xf32, #tpu.memory_space<hbm>>
        %dma_start3A_634 = tpu.memref_squeeze %dma_start3A_633 : memref<1x1x64xf32, #tpu.memory_space<hbm>> -> memref<1x64xf32, #tpu.memory_space<hbm>>
        %dma_start3A_635 = arith.constant 0 : i32
        %dma_start3A_636 = tpu.memref_slice %arg9[%add3A_629, %dma_start3A_635] : memref<200x64xf32, #tpu.memory_space<vmem>> -> memref<1x64xf32, #tpu.memory_space<vmem>>
        %dma_start3A_637 = arith.constant 0 : i32
        %dma_start3A_638 = tpu.memref_slice %arg2[%shift_right_arithmetic3A_623, %and3A_625, %dma_start3A_637] : memref<125000x8x64xf32, #tpu.memory_space<hbm>> -> memref<1x1x64xf32, #tpu.memory_space<hbm>>
        %dma_start3A_639 = tpu.memref_squeeze %dma_start3A_638 : memref<1x1x64xf32, #tpu.memory_space<hbm>> -> memref<1x64xf32, #tpu.memory_space<hbm>>
        tpu.enqueue_dma source(%dma_start3A_639 : memref<1x64xf32, #tpu.memory_space<hbm>>) target(%dma_start3A_636 : memref<1x64xf32, #tpu.memory_space<vmem>>) target_semaphore(%arg15 : memref<!tpu.dma_semaphore, #tpu.memory_space<semaphore_mem>>)
        %slice3A_640 = vector.extract_strided_slice %get3A_399 {offsets = [12], sizes = [1], strides = [1]} : vector<16xi32> to vector<1xi32>
        %squeeze3A_641 = vector.extract %slice3A_640[0] : i32 from vector<1xi32>
        %shift_right_arithmetic3A_642 = arith.constant 3 : i32
        %shift_right_arithmetic3A_643 = arith.shrsi %squeeze3A_641, %shift_right_arithmetic3A_642 : i32
        %and3A_644 = arith.constant 7 : i32
        %and3A_645 = arith.andi %squeeze3A_641, %and3A_644 : i32
        %mul3A_646 = arith.constant 16 : i32
        %mul3A_647 = arith.muli %add3A_394, %mul3A_646 : i32
        %add3A_648 = arith.constant 12 : i32
        %add3A_649 = arith.addi %mul3A_647, %add3A_648 : i32
        %dma_start3A_650 = arith.constant 0 : i32
        %dma_start3A_651 = tpu.memref_slice %arg9[%add3A_649, %dma_start3A_650] : memref<200x64xf32, #tpu.memory_space<vmem>> -> memref<1x64xf32, #tpu.memory_space<vmem>>
        %dma_start3A_652 = arith.constant 0 : i32
        %dma_start3A_653 = tpu.memref_slice %arg2[%shift_right_arithmetic3A_643, %and3A_645, %dma_start3A_652] : memref<125000x8x64xf32, #tpu.memory_space<hbm>> -> memref<1x1x64xf32, #tpu.memory_space<hbm>>
        %dma_start3A_654 = tpu.memref_squeeze %dma_start3A_653 : memref<1x1x64xf32, #tpu.memory_space<hbm>> -> memref<1x64xf32, #tpu.memory_space<hbm>>
        %dma_start3A_655 = arith.constant 0 : i32
        %dma_start3A_656 = tpu.memref_slice %arg9[%add3A_649, %dma_start3A_655] : memref<200x64xf32, #tpu.memory_space<vmem>> -> memref<1x64xf32, #tpu.memory_space<vmem>>
        %dma_start3A_657 = arith.constant 0 : i32
        %dma_start3A_658 = tpu.memref_slice %arg2[%shift_right_arithmetic3A_643, %and3A_645, %dma_start3A_657] : memref<125000x8x64xf32, #tpu.memory_space<hbm>> -> memref<1x1x64xf32, #tpu.memory_space<hbm>>
        %dma_start3A_659 = tpu.memref_squeeze %dma_start3A_658 : memref<1x1x64xf32, #tpu.memory_space<hbm>> -> memref<1x64xf32, #tpu.memory_space<hbm>>
        tpu.enqueue_dma source(%dma_start3A_659 : memref<1x64xf32, #tpu.memory_space<hbm>>) target(%dma_start3A_656 : memref<1x64xf32, #tpu.memory_space<vmem>>) target_semaphore(%arg15 : memref<!tpu.dma_semaphore, #tpu.memory_space<semaphore_mem>>)
        %slice3A_660 = vector.extract_strided_slice %get3A_399 {offsets = [13], sizes = [1], strides = [1]} : vector<16xi32> to vector<1xi32>
        %squeeze3A_661 = vector.extract %slice3A_660[0] : i32 from vector<1xi32>
        %shift_right_arithmetic3A_662 = arith.constant 3 : i32
        %shift_right_arithmetic3A_663 = arith.shrsi %squeeze3A_661, %shift_right_arithmetic3A_662 : i32
        %and3A_664 = arith.constant 7 : i32
        %and3A_665 = arith.andi %squeeze3A_661, %and3A_664 : i32
        %mul3A_666 = arith.constant 16 : i32
        %mul3A_667 = arith.muli %add3A_394, %mul3A_666 : i32
        %add3A_668 = arith.constant 13 : i32
        %add3A_669 = arith.addi %mul3A_667, %add3A_668 : i32
        %dma_start3A_670 = arith.constant 0 : i32
        %dma_start3A_671 = tpu.memref_slice %arg9[%add3A_669, %dma_start3A_670] : memref<200x64xf32, #tpu.memory_space<vmem>> -> memref<1x64xf32, #tpu.memory_space<vmem>>
        %dma_start3A_672 = arith.constant 0 : i32
        %dma_start3A_673 = tpu.memref_slice %arg2[%shift_right_arithmetic3A_663, %and3A_665, %dma_start3A_672] : memref<125000x8x64xf32, #tpu.memory_space<hbm>> -> memref<1x1x64xf32, #tpu.memory_space<hbm>>
        %dma_start3A_674 = tpu.memref_squeeze %dma_start3A_673 : memref<1x1x64xf32, #tpu.memory_space<hbm>> -> memref<1x64xf32, #tpu.memory_space<hbm>>
        %dma_start3A_675 = arith.constant 0 : i32
        %dma_start3A_676 = tpu.memref_slice %arg9[%add3A_669, %dma_start3A_675] : memref<200x64xf32, #tpu.memory_space<vmem>> -> memref<1x64xf32, #tpu.memory_space<vmem>>
        %dma_start3A_677 = arith.constant 0 : i32
        %dma_start3A_678 = tpu.memref_slice %arg2[%shift_right_arithmetic3A_663, %and3A_665, %dma_start3A_677] : memref<125000x8x64xf32, #tpu.memory_space<hbm>> -> memref<1x1x64xf32, #tpu.memory_space<hbm>>
        %dma_start3A_679 = tpu.memref_squeeze %dma_start3A_678 : memref<1x1x64xf32, #tpu.memory_space<hbm>> -> memref<1x64xf32, #tpu.memory_space<hbm>>
        tpu.enqueue_dma source(%dma_start3A_679 : memref<1x64xf32, #tpu.memory_space<hbm>>) target(%dma_start3A_676 : memref<1x64xf32, #tpu.memory_space<vmem>>) target_semaphore(%arg15 : memref<!tpu.dma_semaphore, #tpu.memory_space<semaphore_mem>>)
        %slice3A_680 = vector.extract_strided_slice %get3A_399 {offsets = [14], sizes = [1], strides = [1]} : vector<16xi32> to vector<1xi32>
        %squeeze3A_681 = vector.extract %slice3A_680[0] : i32 from vector<1xi32>
        %shift_right_arithmetic3A_682 = arith.constant 3 : i32
        %shift_right_arithmetic3A_683 = arith.shrsi %squeeze3A_681, %shift_right_arithmetic3A_682 : i32
        %and3A_684 = arith.constant 7 : i32
        %and3A_685 = arith.andi %squeeze3A_681, %and3A_684 : i32
        %mul3A_686 = arith.constant 16 : i32
        %mul3A_687 = arith.muli %add3A_394, %mul3A_686 : i32
        %add3A_688 = arith.constant 14 : i32
        %add3A_689 = arith.addi %mul3A_687, %add3A_688 : i32
        %dma_start3A_690 = arith.constant 0 : i32
        %dma_start3A_691 = tpu.memref_slice %arg9[%add3A_689, %dma_start3A_690] : memref<200x64xf32, #tpu.memory_space<vmem>> -> memref<1x64xf32, #tpu.memory_space<vmem>>
        %dma_start3A_692 = arith.constant 0 : i32
        %dma_start3A_693 = tpu.memref_slice %arg2[%shift_right_arithmetic3A_683, %and3A_685, %dma_start3A_692] : memref<125000x8x64xf32, #tpu.memory_space<hbm>> -> memref<1x1x64xf32, #tpu.memory_space<hbm>>
        %dma_start3A_694 = tpu.memref_squeeze %dma_start3A_693 : memref<1x1x64xf32, #tpu.memory_space<hbm>> -> memref<1x64xf32, #tpu.memory_space<hbm>>
        %dma_start3A_695 = arith.constant 0 : i32
        %dma_start3A_696 = tpu.memref_slice %arg9[%add3A_689, %dma_start3A_695] : memref<200x64xf32, #tpu.memory_space<vmem>> -> memref<1x64xf32, #tpu.memory_space<vmem>>
        %dma_start3A_697 = arith.constant 0 : i32
        %dma_start3A_698 = tpu.memref_slice %arg2[%shift_right_arithmetic3A_683, %and3A_685, %dma_start3A_697] : memref<125000x8x64xf32, #tpu.memory_space<hbm>> -> memref<1x1x64xf32, #tpu.memory_space<hbm>>
        %dma_start3A_699 = tpu.memref_squeeze %dma_start3A_698 : memref<1x1x64xf32, #tpu.memory_space<hbm>> -> memref<1x64xf32, #tpu.memory_space<hbm>>
        tpu.enqueue_dma source(%dma_start3A_699 : memref<1x64xf32, #tpu.memory_space<hbm>>) target(%dma_start3A_696 : memref<1x64xf32, #tpu.memory_space<vmem>>) target_semaphore(%arg15 : memref<!tpu.dma_semaphore, #tpu.memory_space<semaphore_mem>>)
        %slice3A_700 = vector.extract_strided_slice %get3A_399 {offsets = [15], sizes = [1], strides = [1]} : vector<16xi32> to vector<1xi32>
        %squeeze3A_701 = vector.extract %slice3A_700[0] : i32 from vector<1xi32>
        %shift_right_arithmetic3A_702 = arith.constant 3 : i32
        %shift_right_arithmetic3A_703 = arith.shrsi %squeeze3A_701, %shift_right_arithmetic3A_702 : i32
        %and3A_704 = arith.constant 7 : i32
        %and3A_705 = arith.andi %squeeze3A_701, %and3A_704 : i32
        %mul3A_706 = arith.constant 16 : i32
        %mul3A_707 = arith.muli %add3A_394, %mul3A_706 : i32
        %add3A_708 = arith.constant 15 : i32
        %add3A_709 = arith.addi %mul3A_707, %add3A_708 : i32
        %dma_start3A_710 = arith.constant 0 : i32
        %dma_start3A_711 = tpu.memref_slice %arg9[%add3A_709, %dma_start3A_710] : memref<200x64xf32, #tpu.memory_space<vmem>> -> memref<1x64xf32, #tpu.memory_space<vmem>>
        %dma_start3A_712 = arith.constant 0 : i32
        %dma_start3A_713 = tpu.memref_slice %arg2[%shift_right_arithmetic3A_703, %and3A_705, %dma_start3A_712] : memref<125000x8x64xf32, #tpu.memory_space<hbm>> -> memref<1x1x64xf32, #tpu.memory_space<hbm>>
        %dma_start3A_714 = tpu.memref_squeeze %dma_start3A_713 : memref<1x1x64xf32, #tpu.memory_space<hbm>> -> memref<1x64xf32, #tpu.memory_space<hbm>>
        %dma_start3A_715 = arith.constant 0 : i32
        %dma_start3A_716 = tpu.memref_slice %arg9[%add3A_709, %dma_start3A_715] : memref<200x64xf32, #tpu.memory_space<vmem>> -> memref<1x64xf32, #tpu.memory_space<vmem>>
        %dma_start3A_717 = arith.constant 0 : i32
        %dma_start3A_718 = tpu.memref_slice %arg2[%shift_right_arithmetic3A_703, %and3A_705, %dma_start3A_717] : memref<125000x8x64xf32, #tpu.memory_space<hbm>> -> memref<1x1x64xf32, #tpu.memory_space<hbm>>
        %dma_start3A_719 = tpu.memref_squeeze %dma_start3A_718 : memref<1x1x64xf32, #tpu.memory_space<hbm>> -> memref<1x64xf32, #tpu.memory_space<hbm>>
        tpu.enqueue_dma source(%dma_start3A_719 : memref<1x64xf32, #tpu.memory_space<hbm>>) target(%dma_start3A_716 : memref<1x64xf32, #tpu.memory_space<vmem>>) target_semaphore(%arg15 : memref<!tpu.dma_semaphore, #tpu.memory_space<semaphore_mem>>)
      }
      %scan3A_230 = arith.constant 12 : i32
      %get3A_231 = arith.constant 184 : index
      %get3A_232 = tpu.vector_load %arg7[%get3A_231] {strides = array<i32>} : memref<200xi32, #tpu.memory_space<vmem>>, vector<16xi32>,
      %get3A_233 = vector.shape_cast %get3A_232 : vector<16xi32> to vector<16xi32>
      %slice3A_234 = vector.extract_strided_slice %get3A_233 {offsets = [8], sizes = [1], strides = [1]} : vector<16xi32> to vector<1xi32>
      %squeeze3A_235 = vector.extract %slice3A_234[0] : i32 from vector<1xi32>
      %shift_right_arithmetic3A_236 = arith.constant 3 : i32
      %shift_right_arithmetic3A_237 = arith.shrsi %squeeze3A_235, %shift_right_arithmetic3A_236 : i32
      %and3A_238 = arith.constant 7 : i32
      %and3A_239 = arith.andi %squeeze3A_235, %and3A_238 : i32
      %dma_start3A_240 = arith.constant 192 : i32
      %dma_start3A_241 = arith.constant 0 : i32
      %dma_start3A_242 = tpu.memref_slice %arg9[%dma_start3A_240, %dma_start3A_241] : memref<200x64xf32, #tpu.memory_space<vmem>> -> memref<1x64xf32, #tpu.memory_space<vmem>>
      %dma_start3A_243 = arith.constant 0 : i32
      %dma_start3A_244 = tpu.memref_slice %arg2[%shift_right_arithmetic3A_237, %and3A_239, %dma_start3A_243] : memref<125000x8x64xf32, #tpu.memory_space<hbm>> -> memref<1x1x64xf32, #tpu.memory_space<hbm>>
      %dma_start3A_245 = tpu.memref_squeeze %dma_start3A_244 : memref<1x1x64xf32, #tpu.memory_space<hbm>> -> memref<1x64xf32, #tpu.memory_space<hbm>>
      %dma_start3A_246 = arith.constant 192 : i32
      %dma_start3A_247 = arith.constant 0 : i32
      %dma_start3A_248 = tpu.memref_slice %arg9[%dma_start3A_246, %dma_start3A_247] : memref<200x64xf32, #tpu.memory_space<vmem>> -> memref<1x64xf32, #tpu.memory_space<vmem>>
      %dma_start3A_249 = arith.constant 0 : i32
      %dma_start3A_250 = tpu.memref_slice %arg2[%shift_right_arithmetic3A_237, %and3A_239, %dma_start3A_249] : memref<125000x8x64xf32, #tpu.memory_space<hbm>> -> memref<1x1x64xf32, #tpu.memory_space<hbm>>
      %dma_start3A_251 = tpu.memref_squeeze %dma_start3A_250 : memref<1x1x64xf32, #tpu.memory_space<hbm>> -> memref<1x64xf32, #tpu.memory_space<hbm>>
      tpu.enqueue_dma source(%dma_start3A_251 : memref<1x64xf32, #tpu.memory_space<hbm>>) target(%dma_start3A_248 : memref<1x64xf32, #tpu.memory_space<vmem>>) target_semaphore(%arg15 : memref<!tpu.dma_semaphore, #tpu.memory_space<semaphore_mem>>)
      %slice3A_252 = vector.extract_strided_slice %get3A_233 {offsets = [9], sizes = [1], strides = [1]} : vector<16xi32> to vector<1xi32>
      %squeeze3A_253 = vector.extract %slice3A_252[0] : i32 from vector<1xi32>
      %shift_right_arithmetic3A_254 = arith.constant 3 : i32
      %shift_right_arithmetic3A_255 = arith.shrsi %squeeze3A_253, %shift_right_arithmetic3A_254 : i32
      %and3A_256 = arith.constant 7 : i32
      %and3A_257 = arith.andi %squeeze3A_253, %and3A_256 : i32
      %dma_start3A_258 = arith.constant 193 : i32
      %dma_start3A_259 = arith.constant 0 : i32
      %dma_start3A_260 = tpu.memref_slice %arg9[%dma_start3A_258, %dma_start3A_259] : memref<200x64xf32, #tpu.memory_space<vmem>> -> memref<1x64xf32, #tpu.memory_space<vmem>>
      %dma_start3A_261 = arith.constant 0 : i32
      %dma_start3A_262 = tpu.memref_slice %arg2[%shift_right_arithmetic3A_255, %and3A_257, %dma_start3A_261] : memref<125000x8x64xf32, #tpu.memory_space<hbm>> -> memref<1x1x64xf32, #tpu.memory_space<hbm>>
      %dma_start3A_263 = tpu.memref_squeeze %dma_start3A_262 : memref<1x1x64xf32, #tpu.memory_space<hbm>> -> memref<1x64xf32, #tpu.memory_space<hbm>>
      %dma_start3A_264 = arith.constant 193 : i32
      %dma_start3A_265 = arith.constant 0 : i32
      %dma_start3A_266 = tpu.memref_slice %arg9[%dma_start3A_264, %dma_start3A_265] : memref<200x64xf32, #tpu.memory_space<vmem>> -> memref<1x64xf32, #tpu.memory_space<vmem>>
      %dma_start3A_267 = arith.constant 0 : i32
      %dma_start3A_268 = tpu.memref_slice %arg2[%shift_right_arithmetic3A_255, %and3A_257, %dma_start3A_267] : memref<125000x8x64xf32, #tpu.memory_space<hbm>> -> memref<1x1x64xf32, #tpu.memory_space<hbm>>
      %dma_start3A_269 = tpu.memref_squeeze %dma_start3A_268 : memref<1x1x64xf32, #tpu.memory_space<hbm>> -> memref<1x64xf32, #tpu.memory_space<hbm>>
      tpu.enqueue_dma source(%dma_start3A_269 : memref<1x64xf32, #tpu.memory_space<hbm>>) target(%dma_start3A_266 : memref<1x64xf32, #tpu.memory_space<vmem>>) target_semaphore(%arg15 : memref<!tpu.dma_semaphore, #tpu.memory_space<semaphore_mem>>)
      %slice3A_270 = vector.extract_strided_slice %get3A_233 {offsets = [10], sizes = [1], strides = [1]} : vector<16xi32> to vector<1xi32>
      %squeeze3A_271 = vector.extract %slice3A_270[0] : i32 from vector<1xi32>
      %shift_right_arithmetic3A_272 = arith.constant 3 : i32
      %shift_right_arithmetic3A_273 = arith.shrsi %squeeze3A_271, %shift_right_arithmetic3A_272 : i32
      %and3A_274 = arith.constant 7 : i32
      %and3A_275 = arith.andi %squeeze3A_271, %and3A_274 : i32
      %dma_start3A_276 = arith.constant 194 : i32
      %dma_start3A_277 = arith.constant 0 : i32
      %dma_start3A_278 = tpu.memref_slice %arg9[%dma_start3A_276, %dma_start3A_277] : memref<200x64xf32, #tpu.memory_space<vmem>> -> memref<1x64xf32, #tpu.memory_space<vmem>>
      %dma_start3A_279 = arith.constant 0 : i32
      %dma_start3A_280 = tpu.memref_slice %arg2[%shift_right_arithmetic3A_273, %and3A_275, %dma_start3A_279] : memref<125000x8x64xf32, #tpu.memory_space<hbm>> -> memref<1x1x64xf32, #tpu.memory_space<hbm>>
      %dma_start3A_281 = tpu.memref_squeeze %dma_start3A_280 : memref<1x1x64xf32, #tpu.memory_space<hbm>> -> memref<1x64xf32, #tpu.memory_space<hbm>>
      %dma_start3A_282 = arith.constant 194 : i32
      %dma_start3A_283 = arith.constant 0 : i32
      %dma_start3A_284 = tpu.memref_slice %arg9[%dma_start3A_282, %dma_start3A_283] : memref<200x64xf32, #tpu.memory_space<vmem>> -> memref<1x64xf32, #tpu.memory_space<vmem>>
      %dma_start3A_285 = arith.constant 0 : i32
      %dma_start3A_286 = tpu.memref_slice %arg2[%shift_right_arithmetic3A_273, %and3A_275, %dma_start3A_285] : memref<125000x8x64xf32, #tpu.memory_space<hbm>> -> memref<1x1x64xf32, #tpu.memory_space<hbm>>
      %dma_start3A_287 = tpu.memref_squeeze %dma_start3A_286 : memref<1x1x64xf32, #tpu.memory_space<hbm>> -> memref<1x64xf32, #tpu.memory_space<hbm>>
      tpu.enqueue_dma source(%dma_start3A_287 : memref<1x64xf32, #tpu.memory_space<hbm>>) target(%dma_start3A_284 : memref<1x64xf32, #tpu.memory_space<vmem>>) target_semaphore(%arg15 : memref<!tpu.dma_semaphore, #tpu.memory_space<semaphore_mem>>)
      %slice3A_288 = vector.extract_strided_slice %get3A_233 {offsets = [11], sizes = [1], strides = [1]} : vector<16xi32> to vector<1xi32>
      %squeeze3A_289 = vector.extract %slice3A_288[0] : i32 from vector<1xi32>
      %shift_right_arithmetic3A_290 = arith.constant 3 : i32
      %shift_right_arithmetic3A_291 = arith.shrsi %squeeze3A_289, %shift_right_arithmetic3A_290 : i32
      %and3A_292 = arith.constant 7 : i32
      %and3A_293 = arith.andi %squeeze3A_289, %and3A_292 : i32
      %dma_start3A_294 = arith.constant 195 : i32
      %dma_start3A_295 = arith.constant 0 : i32
      %dma_start3A_296 = tpu.memref_slice %arg9[%dma_start3A_294, %dma_start3A_295] : memref<200x64xf32, #tpu.memory_space<vmem>> -> memref<1x64xf32, #tpu.memory_space<vmem>>
      %dma_start3A_297 = arith.constant 0 : i32
      %dma_start3A_298 = tpu.memref_slice %arg2[%shift_right_arithmetic3A_291, %and3A_293, %dma_start3A_297] : memref<125000x8x64xf32, #tpu.memory_space<hbm>> -> memref<1x1x64xf32, #tpu.memory_space<hbm>>
      %dma_start3A_299 = tpu.memref_squeeze %dma_start3A_298 : memref<1x1x64xf32, #tpu.memory_space<hbm>> -> memref<1x64xf32, #tpu.memory_space<hbm>>
      %dma_start3A_300 = arith.constant 195 : i32
      %dma_start3A_301 = arith.constant 0 : i32
      %dma_start3A_302 = tpu.memref_slice %arg9[%dma_start3A_300, %dma_start3A_301] : memref<200x64xf32, #tpu.memory_space<vmem>> -> memref<1x64xf32, #tpu.memory_space<vmem>>
      %dma_start3A_303 = arith.constant 0 : i32
      %dma_start3A_304 = tpu.memref_slice %arg2[%shift_right_arithmetic3A_291, %and3A_293, %dma_start3A_303] : memref<125000x8x64xf32, #tpu.memory_space<hbm>> -> memref<1x1x64xf32, #tpu.memory_space<hbm>>
      %dma_start3A_305 = tpu.memref_squeeze %dma_start3A_304 : memref<1x1x64xf32, #tpu.memory_space<hbm>> -> memref<1x64xf32, #tpu.memory_space<hbm>>
      tpu.enqueue_dma source(%dma_start3A_305 : memref<1x64xf32, #tpu.memory_space<hbm>>) target(%dma_start3A_302 : memref<1x64xf32, #tpu.memory_space<vmem>>) target_semaphore(%arg15 : memref<!tpu.dma_semaphore, #tpu.memory_space<semaphore_mem>>)
      %slice3A_306 = vector.extract_strided_slice %get3A_233 {offsets = [12], sizes = [1], strides = [1]} : vector<16xi32> to vector<1xi32>
      %squeeze3A_307 = vector.extract %slice3A_306[0] : i32 from vector<1xi32>
      %shift_right_arithmetic3A_308 = arith.constant 3 : i32
      %shift_right_arithmetic3A_309 = arith.shrsi %squeeze3A_307, %shift_right_arithmetic3A_308 : i32
      %and3A_310 = arith.constant 7 : i32
      %and3A_311 = arith.andi %squeeze3A_307, %and3A_310 : i32
      %dma_start3A_312 = arith.constant 196 : i32
      %dma_start3A_313 = arith.constant 0 : i32
      %dma_start3A_314 = tpu.memref_slice %arg9[%dma_start3A_312, %dma_start3A_313] : memref<200x64xf32, #tpu.memory_space<vmem>> -> memref<1x64xf32, #tpu.memory_space<vmem>>
      %dma_start3A_315 = arith.constant 0 : i32
      %dma_start3A_316 = tpu.memref_slice %arg2[%shift_right_arithmetic3A_309, %and3A_311, %dma_start3A_315] : memref<125000x8x64xf32, #tpu.memory_space<hbm>> -> memref<1x1x64xf32, #tpu.memory_space<hbm>>
      %dma_start3A_317 = tpu.memref_squeeze %dma_start3A_316 : memref<1x1x64xf32, #tpu.memory_space<hbm>> -> memref<1x64xf32, #tpu.memory_space<hbm>>
      %dma_start3A_318 = arith.constant 196 : i32
      %dma_start3A_319 = arith.constant 0 : i32
      %dma_start3A_320 = tpu.memref_slice %arg9[%dma_start3A_318, %dma_start3A_319] : memref<200x64xf32, #tpu.memory_space<vmem>> -> memref<1x64xf32, #tpu.memory_space<vmem>>
      %dma_start3A_321 = arith.constant 0 : i32
      %dma_start3A_322 = tpu.memref_slice %arg2[%shift_right_arithmetic3A_309, %and3A_311, %dma_start3A_321] : memref<125000x8x64xf32, #tpu.memory_space<hbm>> -> memref<1x1x64xf32, #tpu.memory_space<hbm>>
      %dma_start3A_323 = tpu.memref_squeeze %dma_start3A_322 : memref<1x1x64xf32, #tpu.memory_space<hbm>> -> memref<1x64xf32, #tpu.memory_space<hbm>>
      tpu.enqueue_dma source(%dma_start3A_323 : memref<1x64xf32, #tpu.memory_space<hbm>>) target(%dma_start3A_320 : memref<1x64xf32, #tpu.memory_space<vmem>>) target_semaphore(%arg15 : memref<!tpu.dma_semaphore, #tpu.memory_space<semaphore_mem>>)
      %slice3A_324 = vector.extract_strided_slice %get3A_233 {offsets = [13], sizes = [1], strides = [1]} : vector<16xi32> to vector<1xi32>
      %squeeze3A_325 = vector.extract %slice3A_324[0] : i32 from vector<1xi32>
      %shift_right_arithmetic3A_326 = arith.constant 3 : i32
      %shift_right_arithmetic3A_327 = arith.shrsi %squeeze3A_325, %shift_right_arithmetic3A_326 : i32
      %and3A_328 = arith.constant 7 : i32
      %and3A_329 = arith.andi %squeeze3A_325, %and3A_328 : i32
      %dma_start3A_330 = arith.constant 197 : i32
      %dma_start3A_331 = arith.constant 0 : i32
      %dma_start3A_332 = tpu.memref_slice %arg9[%dma_start3A_330, %dma_start3A_331] : memref<200x64xf32, #tpu.memory_space<vmem>> -> memref<1x64xf32, #tpu.memory_space<vmem>>
      %dma_start3A_333 = arith.constant 0 : i32
      %dma_start3A_334 = tpu.memref_slice %arg2[%shift_right_arithmetic3A_327, %and3A_329, %dma_start3A_333] : memref<125000x8x64xf32, #tpu.memory_space<hbm>> -> memref<1x1x64xf32, #tpu.memory_space<hbm>>
      %dma_start3A_335 = tpu.memref_squeeze %dma_start3A_334 : memref<1x1x64xf32, #tpu.memory_space<hbm>> -> memref<1x64xf32, #tpu.memory_space<hbm>>
      %dma_start3A_336 = arith.constant 197 : i32
      %dma_start3A_337 = arith.constant 0 : i32
      %dma_start3A_338 = tpu.memref_slice %arg9[%dma_start3A_336, %dma_start3A_337] : memref<200x64xf32, #tpu.memory_space<vmem>> -> memref<1x64xf32, #tpu.memory_space<vmem>>
      %dma_start3A_339 = arith.constant 0 : i32
      %dma_start3A_340 = tpu.memref_slice %arg2[%shift_right_arithmetic3A_327, %and3A_329, %dma_start3A_339] : memref<125000x8x64xf32, #tpu.memory_space<hbm>> -> memref<1x1x64xf32, #tpu.memory_space<hbm>>
      %dma_start3A_341 = tpu.memref_squeeze %dma_start3A_340 : memref<1x1x64xf32, #tpu.memory_space<hbm>> -> memref<1x64xf32, #tpu.memory_space<hbm>>
      tpu.enqueue_dma source(%dma_start3A_341 : memref<1x64xf32, #tpu.memory_space<hbm>>) target(%dma_start3A_338 : memref<1x64xf32, #tpu.memory_space<vmem>>) target_semaphore(%arg15 : memref<!tpu.dma_semaphore, #tpu.memory_space<semaphore_mem>>)
      %slice3A_342 = vector.extract_strided_slice %get3A_233 {offsets = [14], sizes = [1], strides = [1]} : vector<16xi32> to vector<1xi32>
      %squeeze3A_343 = vector.extract %slice3A_342[0] : i32 from vector<1xi32>
      %shift_right_arithmetic3A_344 = arith.constant 3 : i32
      %shift_right_arithmetic3A_345 = arith.shrsi %squeeze3A_343, %shift_right_arithmetic3A_344 : i32
      %and3A_346 = arith.constant 7 : i32
      %and3A_347 = arith.andi %squeeze3A_343, %and3A_346 : i32
      %dma_start3A_348 = arith.constant 198 : i32
      %dma_start3A_349 = arith.constant 0 : i32
      %dma_start3A_350 = tpu.memref_slice %arg9[%dma_start3A_348, %dma_start3A_349] : memref<200x64xf32, #tpu.memory_space<vmem>> -> memref<1x64xf32, #tpu.memory_space<vmem>>
      %dma_start3A_351 = arith.constant 0 : i32
      %dma_start3A_352 = tpu.memref_slice %arg2[%shift_right_arithmetic3A_345, %and3A_347, %dma_start3A_351] : memref<125000x8x64xf32, #tpu.memory_space<hbm>> -> memref<1x1x64xf32, #tpu.memory_space<hbm>>
      %dma_start3A_353 = tpu.memref_squeeze %dma_start3A_352 : memref<1x1x64xf32, #tpu.memory_space<hbm>> -> memref<1x64xf32, #tpu.memory_space<hbm>>
      %dma_start3A_354 = arith.constant 198 : i32
      %dma_start3A_355 = arith.constant 0 : i32
      %dma_start3A_356 = tpu.memref_slice %arg9[%dma_start3A_354, %dma_start3A_355] : memref<200x64xf32, #tpu.memory_space<vmem>> -> memref<1x64xf32, #tpu.memory_space<vmem>>
      %dma_start3A_357 = arith.constant 0 : i32
      %dma_start3A_358 = tpu.memref_slice %arg2[%shift_right_arithmetic3A_345, %and3A_347, %dma_start3A_357] : memref<125000x8x64xf32, #tpu.memory_space<hbm>> -> memref<1x1x64xf32, #tpu.memory_space<hbm>>
      %dma_start3A_359 = tpu.memref_squeeze %dma_start3A_358 : memref<1x1x64xf32, #tpu.memory_space<hbm>> -> memref<1x64xf32, #tpu.memory_space<hbm>>
      tpu.enqueue_dma source(%dma_start3A_359 : memref<1x64xf32, #tpu.memory_space<hbm>>) target(%dma_start3A_356 : memref<1x64xf32, #tpu.memory_space<vmem>>) target_semaphore(%arg15 : memref<!tpu.dma_semaphore, #tpu.memory_space<semaphore_mem>>)
      %slice3A_360 = vector.extract_strided_slice %get3A_233 {offsets = [15], sizes = [1], strides = [1]} : vector<16xi32> to vector<1xi32>
      %squeeze3A_361 = vector.extract %slice3A_360[0] : i32 from vector<1xi32>
      %shift_right_arithmetic3A_362 = arith.constant 3 : i32
      %shift_right_arithmetic3A_363 = arith.shrsi %squeeze3A_361, %shift_right_arithmetic3A_362 : i32
      %and3A_364 = arith.constant 7 : i32
      %and3A_365 = arith.andi %squeeze3A_361, %and3A_364 : i32
      %dma_start3A_366 = arith.constant 199 : i32
      %dma_start3A_367 = arith.constant 0 : i32
      %dma_start3A_368 = tpu.memref_slice %arg9[%dma_start3A_366, %dma_start3A_367] : memref<200x64xf32, #tpu.memory_space<vmem>> -> memref<1x64xf32, #tpu.memory_space<vmem>>
      %dma_start3A_369 = arith.constant 0 : i32
      %dma_start3A_370 = tpu.memref_slice %arg2[%shift_right_arithmetic3A_363, %and3A_365, %dma_start3A_369] : memref<125000x8x64xf32, #tpu.memory_space<hbm>> -> memref<1x1x64xf32, #tpu.memory_space<hbm>>
      %dma_start3A_371 = tpu.memref_squeeze %dma_start3A_370 : memref<1x1x64xf32, #tpu.memory_space<hbm>> -> memref<1x64xf32, #tpu.memory_space<hbm>>
      %dma_start3A_372 = arith.constant 199 : i32
      %dma_start3A_373 = arith.constant 0 : i32
      %dma_start3A_374 = tpu.memref_slice %arg9[%dma_start3A_372, %dma_start3A_373] : memref<200x64xf32, #tpu.memory_space<vmem>> -> memref<1x64xf32, #tpu.memory_space<vmem>>
      %dma_start3A_375 = arith.constant 0 : i32
      %dma_start3A_376 = tpu.memref_slice %arg2[%shift_right_arithmetic3A_363, %and3A_365, %dma_start3A_375] : memref<125000x8x64xf32, #tpu.memory_space<hbm>> -> memref<1x1x64xf32, #tpu.memory_space<hbm>>
      %dma_start3A_377 = tpu.memref_squeeze %dma_start3A_376 : memref<1x1x64xf32, #tpu.memory_space<hbm>> -> memref<1x64xf32, #tpu.memory_space<hbm>>
      tpu.enqueue_dma source(%dma_start3A_377 : memref<1x64xf32, #tpu.memory_space<hbm>>) target(%dma_start3A_374 : memref<1x64xf32, #tpu.memory_space<vmem>>) target_semaphore(%arg15 : memref<!tpu.dma_semaphore, #tpu.memory_space<semaphore_mem>>)
      %add3A_378 = arith.constant 2 : i32
      %add3A_379 = arith.addi %add3A_216, %add3A_378 : i32
      %lt3A_380 = arith.constant 32 : i32
      %lt3A_381 = arith.cmpi slt, %add3A_379, %lt3A_380 : i32
      %convert_element_type3A_382 = arith.extui %lt3A_381 : i1 to i32
      %cond3A_383 = arith.constant 0 : i32
      %cond3A_384 = arith.cmpi ne, %convert_element_type3A_382, %cond3A_383 : i32
      scf.if %cond3A_384 {
        %add3A_390 = arith.constant 2 : i32
        %add3A_391 = arith.addi %add3A_216, %add3A_390 : i32
        %mul3A_392 = arith.constant 200 : i32
        %mul3A_393 = arith.muli %add3A_391, %mul3A_392 : i32
        %add3A_394 = arith.addi %mul3A_2, %mul3A_393 : i32
        %dma_start3A_395 = tpu.memref_slice %arg3[%add3A_394] : memref<204800xi32, #tpu.memory_space<hbm>> -> memref<200xi32, #tpu.memory_space<hbm>>
        %dma_start3A_396 = tpu.memref_slice %arg3[%add3A_394] : memref<204800xi32, #tpu.memory_space<hbm>> -> memref<200xi32, #tpu.memory_space<hbm>>
        tpu.enqueue_dma source(%dma_start3A_396 : memref<200xi32, #tpu.memory_space<hbm>>) target(%arg7 : memref<200xi32, #tpu.memory_space<vmem>>) target_semaphore(%arg13 : memref<!tpu.dma_semaphore, #tpu.memory_space<semaphore_mem>>)
      } else {
      }
      %ge3A_385 = arith.constant 1 : i32
      %ge3A_386 = arith.cmpi sge, %add3A_216, %ge3A_385 : i32
      %convert_element_type3A_387 = arith.extui %ge3A_386 : i1 to i32
      %cond3A_388 = arith.constant 0 : i32
      %cond3A_389 = arith.cmpi ne, %convert_element_type3A_387, %cond3A_388 : i32
      scf.if %cond3A_389 {
        %dma_wait3A_390 = arith.constant 0 : i32
        %dma_wait3A_391 = arith.constant 0 : i32
        %dma_wait3A_392 = tpu.memref_slice %arg5[%dma_wait3A_390, %dma_wait3A_391] : memref<204800x64xf32, #tpu.memory_space<hbm>> -> memref<200x64xf32, #tpu.memory_space<hbm>>
        %dma_wait3A_393 = arith.constant 0 : i32
        %dma_wait3A_394 = arith.constant 0 : i32
        %dma_wait3A_395 = tpu.memref_slice %arg5[%dma_wait3A_393, %dma_wait3A_394] : memref<204800x64xf32, #tpu.memory_space<hbm>> -> memref<200x64xf32, #tpu.memory_space<hbm>>
        tpu.wait_dma2 semaphore(%arg14 : memref<!tpu.dma_semaphore, #tpu.memory_space<semaphore_mem>>) src(%dma_wait3A_395 : memref<200x64xf32, #tpu.memory_space<hbm>>) dst(%arg8 : memref<200x64xf32, #tpu.memory_space<vmem>>)
        %sub3A = arith.constant 1 : i32
        %sub3A_396 = arith.subi %add3A_216, %sub3A : i32
        %scan3A_397 = arith.constant 0 : i32
        %scan3A_398 = arith.constant 200 : i32
        %scan3A_399 = arith.addi %scan3A_397, %scan3A_398 : i32
        %scan3A_400 = arith.constant 1 : i32
        scf.for %scan3A_409 = %scan3A_397 to %scan3A_399 step %scan3A_400  : i32 {
          %mul3A_410 = arith.constant 1 : i32
          %mul3A_411 = arith.muli %scan3A_409, %mul3A_410 : i32
          %add3A_412 = arith.constant 0 : i32
          %add3A_413 = arith.addi %add3A_412, %mul3A_411 : i32
          %get3A_414 = arith.constant 0 : i32
          %get3A_415 = tpu.memref_slice %arg8[%add3A_413, %get3A_414] : memref<200x64xf32, #tpu.memory_space<vmem>> -> memref<1x64xf32, #tpu.memory_space<vmem>>
          %get3A_416 = tpu.memref_squeeze %get3A_415 : memref<1x64xf32, #tpu.memory_space<vmem>> -> memref<64xf32, #tpu.memory_space<vmem>>
          %get3A_417 = arith.constant 0 : index
          %get3A_418 = tpu.vector_load %get3A_416[%get3A_417] {strides = array<i32>} : memref<64xf32, #tpu.memory_space<vmem>>, vector<16xf32>,
          %get3A_419 = vector.shape_cast %get3A_418 : vector<16xf32> to vector<16xf32>
          %mul3A_420 = arith.constant 8.000000e+00 : f32
          %mul3A_421 = vector.broadcast %mul3A_420 : f32 to vector<16xf32>
          %mul3A_422 = arith.mulf %get3A_419, %mul3A_421 : vector<16xf32>
          %get3A_423 = arith.constant 0 : i32
          %get3A_424 = tpu.memref_slice %arg10[%add3A_413, %get3A_423] : memref<200x64xf32, #tpu.memory_space<vmem>> -> memref<1x64xf32, #tpu.memory_space<vmem>>
          %get3A_425 = tpu.memref_squeeze %get3A_424 : memref<1x64xf32, #tpu.memory_space<vmem>> -> memref<64xf32, #tpu.memory_space<vmem>>
          %get3A_426 = arith.constant 0 : index
          %get3A_427 = tpu.vector_load %get3A_425[%get3A_426] {strides = array<i32>} : memref<64xf32, #tpu.memory_space<vmem>>, vector<16xf32>,
          %get3A_428 = vector.shape_cast %get3A_427 : vector<16xf32> to vector<16xf32>
          %add3A_429 = arith.addf %mul3A_422, %get3A_428 : vector<16xf32>
          %swap3A = arith.constant 0 : i32
          %swap3A_430 = tpu.memref_slice %arg8[%add3A_413, %swap3A] : memref<200x64xf32, #tpu.memory_space<vmem>> -> memref<1x64xf32, #tpu.memory_space<vmem>>
          %swap3A_431 = tpu.memref_squeeze %swap3A_430 : memref<1x64xf32, #tpu.memory_space<vmem>> -> memref<64xf32, #tpu.memory_space<vmem>>
          %swap3A_432 = arith.constant 0 : index
          %swap3A_433 = tpu.vector_load %swap3A_431[%swap3A_432] {strides = array<i32>} : memref<64xf32, #tpu.memory_space<vmem>>, vector<16xf32>,
          %swap3A_434 = vector.shape_cast %swap3A_433 : vector<16xf32> to vector<16xf32>
          %swap3A_435 = vector.shape_cast %add3A_429 : vector<16xf32> to vector<16xf32>
          tpu.vector_store %swap3A_431[%swap3A_432], %swap3A_435 {strides = array<i32>} : memref<64xf32, #tpu.memory_space<vmem>>, vector<16xf32>,
          %get3A_436 = arith.constant 0 : i32
          %get3A_437 = tpu.memref_slice %arg8[%add3A_413, %get3A_436] : memref<200x64xf32, #tpu.memory_space<vmem>> -> memref<1x64xf32, #tpu.memory_space<vmem>>
          %get3A_438 = tpu.memref_squeeze %get3A_437 : memref<1x64xf32, #tpu.memory_space<vmem>> -> memref<64xf32, #tpu.memory_space<vmem>>
          %get3A_439 = arith.constant 16 : index
          %get3A_440 = tpu.vector_load %get3A_438[%get3A_439] {strides = array<i32>} : memref<64xf32, #tpu.memory_space<vmem>>, vector<16xf32>,
          %get3A_441 = vector.shape_cast %get3A_440 : vector<16xf32> to vector<16xf32>
          %mul3A_442 = arith.constant 8.000000e+00 : f32
          %mul3A_443 = vector.broadcast %mul3A_442 : f32 to vector<16xf32>
          %mul3A_444 = arith.mulf %get3A_441, %mul3A_443 : vector<16xf32>
          %get3A_445 = arith.constant 0 : i32
          %get3A_446 = tpu.memref_slice %arg10[%add3A_413, %get3A_445] : memref<200x64xf32, #tpu.memory_space<vmem>> -> memref<1x64xf32, #tpu.memory_space<vmem>>
          %get3A_447 = tpu.memref_squeeze %get3A_446 : memref<1x64xf32, #tpu.memory_space<vmem>> -> memref<64xf32, #tpu.memory_space<vmem>>
          %get3A_448 = arith.constant 16 : index
          %get3A_449 = tpu.vector_load %get3A_447[%get3A_448] {strides = array<i32>} : memref<64xf32, #tpu.memory_space<vmem>>, vector<16xf32>,
          %get3A_450 = vector.shape_cast %get3A_449 : vector<16xf32> to vector<16xf32>
          %add3A_451 = arith.addf %mul3A_444, %get3A_450 : vector<16xf32>
          %swap3A_452 = arith.constant 0 : i32
          %swap3A_453 = tpu.memref_slice %arg8[%add3A_413, %swap3A_452] : memref<200x64xf32, #tpu.memory_space<vmem>> -> memref<1x64xf32, #tpu.memory_space<vmem>>
          %swap3A_454 = tpu.memref_squeeze %swap3A_453 : memref<1x64xf32, #tpu.memory_space<vmem>> -> memref<64xf32, #tpu.memory_space<vmem>>
          %swap3A_455 = arith.constant 16 : index
          %swap3A_456 = tpu.vector_load %swap3A_454[%swap3A_455] {strides = array<i32>} : memref<64xf32, #tpu.memory_space<vmem>>, vector<16xf32>,
          %swap3A_457 = vector.shape_cast %swap3A_456 : vector<16xf32> to vector<16xf32>
          %swap3A_458 = vector.shape_cast %add3A_451 : vector<16xf32> to vector<16xf32>
          tpu.vector_store %swap3A_454[%swap3A_455], %swap3A_458 {strides = array<i32>} : memref<64xf32, #tpu.memory_space<vmem>>, vector<16xf32>,
          %get3A_459 = arith.constant 0 : i32
          %get3A_460 = tpu.memref_slice %arg8[%add3A_413, %get3A_459] : memref<200x64xf32, #tpu.memory_space<vmem>> -> memref<1x64xf32, #tpu.memory_space<vmem>>
          %get3A_461 = tpu.memref_squeeze %get3A_460 : memref<1x64xf32, #tpu.memory_space<vmem>> -> memref<64xf32, #tpu.memory_space<vmem>>
          %get3A_462 = arith.constant 32 : index
          %get3A_463 = tpu.vector_load %get3A_461[%get3A_462] {strides = array<i32>} : memref<64xf32, #tpu.memory_space<vmem>>, vector<16xf32>,
          %get3A_464 = vector.shape_cast %get3A_463 : vector<16xf32> to vector<16xf32>
          %mul3A_465 = arith.constant 8.000000e+00 : f32
          %mul3A_466 = vector.broadcast %mul3A_465 : f32 to vector<16xf32>
          %mul3A_467 = arith.mulf %get3A_464, %mul3A_466 : vector<16xf32>
          %get3A_468 = arith.constant 0 : i32
          %get3A_469 = tpu.memref_slice %arg10[%add3A_413, %get3A_468] : memref<200x64xf32, #tpu.memory_space<vmem>> -> memref<1x64xf32, #tpu.memory_space<vmem>>
          %get3A_470 = tpu.memref_squeeze %get3A_469 : memref<1x64xf32, #tpu.memory_space<vmem>> -> memref<64xf32, #tpu.memory_space<vmem>>
          %get3A_471 = arith.constant 32 : index
          %get3A_472 = tpu.vector_load %get3A_470[%get3A_471] {strides = array<i32>} : memref<64xf32, #tpu.memory_space<vmem>>, vector<16xf32>,
          %get3A_473 = vector.shape_cast %get3A_472 : vector<16xf32> to vector<16xf32>
          %add3A_474 = arith.addf %mul3A_467, %get3A_473 : vector<16xf32>
          %swap3A_475 = arith.constant 0 : i32
          %swap3A_476 = tpu.memref_slice %arg8[%add3A_413, %swap3A_475] : memref<200x64xf32, #tpu.memory_space<vmem>> -> memref<1x64xf32, #tpu.memory_space<vmem>>
          %swap3A_477 = tpu.memref_squeeze %swap3A_476 : memref<1x64xf32, #tpu.memory_space<vmem>> -> memref<64xf32, #tpu.memory_space<vmem>>
          %swap3A_478 = arith.constant 32 : index
          %swap3A_479 = tpu.vector_load %swap3A_477[%swap3A_478] {strides = array<i32>} : memref<64xf32, #tpu.memory_space<vmem>>, vector<16xf32>,
          %swap3A_480 = vector.shape_cast %swap3A_479 : vector<16xf32> to vector<16xf32>
          %swap3A_481 = vector.shape_cast %add3A_474 : vector<16xf32> to vector<16xf32>
          tpu.vector_store %swap3A_477[%swap3A_478], %swap3A_481 {strides = array<i32>} : memref<64xf32, #tpu.memory_space<vmem>>, vector<16xf32>,
          %get3A_482 = arith.constant 0 : i32
          %get3A_483 = tpu.memref_slice %arg8[%add3A_413, %get3A_482] : memref<200x64xf32, #tpu.memory_space<vmem>> -> memref<1x64xf32, #tpu.memory_space<vmem>>
          %get3A_484 = tpu.memref_squeeze %get3A_483 : memref<1x64xf32, #tpu.memory_space<vmem>> -> memref<64xf32, #tpu.memory_space<vmem>>
          %get3A_485 = arith.constant 48 : index
          %get3A_486 = tpu.vector_load %get3A_484[%get3A_485] {strides = array<i32>} : memref<64xf32, #tpu.memory_space<vmem>>, vector<16xf32>,
          %get3A_487 = vector.shape_cast %get3A_486 : vector<16xf32> to vector<16xf32>
          %mul3A_488 = arith.constant 8.000000e+00 : f32
          %mul3A_489 = vector.broadcast %mul3A_488 : f32 to vector<16xf32>
          %mul3A_490 = arith.mulf %get3A_487, %mul3A_489 : vector<16xf32>
          %get3A_491 = arith.constant 0 : i32
          %get3A_492 = tpu.memref_slice %arg10[%add3A_413, %get3A_491] : memref<200x64xf32, #tpu.memory_space<vmem>> -> memref<1x64xf32, #tpu.memory_space<vmem>>
          %get3A_493 = tpu.memref_squeeze %get3A_492 : memref<1x64xf32, #tpu.memory_space<vmem>> -> memref<64xf32, #tpu.memory_space<vmem>>
          %get3A_494 = arith.constant 48 : index
          %get3A_495 = tpu.vector_load %get3A_493[%get3A_494] {strides = array<i32>} : memref<64xf32, #tpu.memory_space<vmem>>, vector<16xf32>,
          %get3A_496 = vector.shape_cast %get3A_495 : vector<16xf32> to vector<16xf32>
          %add3A_497 = arith.addf %mul3A_490, %get3A_496 : vector<16xf32>
          %swap3A_498 = arith.constant 0 : i32
          %swap3A_499 = tpu.memref_slice %arg8[%add3A_413, %swap3A_498] : memref<200x64xf32, #tpu.memory_space<vmem>> -> memref<1x64xf32, #tpu.memory_space<vmem>>
          %swap3A_500 = tpu.memref_squeeze %swap3A_499 : memref<1x64xf32, #tpu.memory_space<vmem>> -> memref<64xf32, #tpu.memory_space<vmem>>
          %swap3A_501 = arith.constant 48 : index
          %swap3A_502 = tpu.vector_load %swap3A_500[%swap3A_501] {strides = array<i32>} : memref<64xf32, #tpu.memory_space<vmem>>, vector<16xf32>,
          %swap3A_503 = vector.shape_cast %swap3A_502 : vector<16xf32> to vector<16xf32>
          %swap3A_504 = vector.shape_cast %add3A_497 : vector<16xf32> to vector<16xf32>
          tpu.vector_store %swap3A_500[%swap3A_501], %swap3A_504 {strides = array<i32>} : memref<64xf32, #tpu.memory_space<vmem>>, vector<16xf32>,
        }
        %scan3A_401 = arith.constant 200 : i32
        %mul3A_402 = arith.constant 200 : i32
        %mul3A_403 = arith.muli %sub3A_396, %mul3A_402 : i32
        %add3A_404 = arith.addi %mul3A_2, %mul3A_403 : i32
        %dma_start3A_405 = arith.constant 0 : i32
        %dma_start3A_406 = tpu.memref_slice %arg5[%add3A_404, %dma_start3A_405] : memref<204800x64xf32, #tpu.memory_space<hbm>> -> memref<200x64xf32, #tpu.memory_space<hbm>>
        %dma_start3A_407 = arith.constant 0 : i32
        %dma_start3A_408 = tpu.memref_slice %arg5[%add3A_404, %dma_start3A_407] : memref<204800x64xf32, #tpu.memory_space<hbm>> -> memref<200x64xf32, #tpu.memory_space<hbm>>
        tpu.enqueue_dma source(%arg8 : memref<200x64xf32, #tpu.memory_space<vmem>>) target(%dma_start3A_408 : memref<200x64xf32, #tpu.memory_space<hbm>>) target_semaphore(%arg16 : memref<!tpu.dma_semaphore, #tpu.memory_space<semaphore_mem>>)
      } else {
      }
    }
    %scan3A_11 = arith.constant 16 : i32
    %dma_wait3A = arith.constant 0 : i32
    %dma_wait3A_12 = arith.constant 0 : i32
    %dma_wait3A_13 = tpu.memref_slice %arg5[%dma_wait3A, %dma_wait3A_12] : memref<204800x64xf32, #tpu.memory_space<hbm>> -> memref<200x64xf32, #tpu.memory_space<hbm>>
    %dma_wait3A_14 = arith.constant 0 : i32
    %dma_wait3A_15 = arith.constant 0 : i32
    %dma_wait3A_16 = tpu.memref_slice %arg5[%dma_wait3A_14, %dma_wait3A_15] : memref<204800x64xf32, #tpu.memory_space<hbm>> -> memref<200x64xf32, #tpu.memory_space<hbm>>
    tpu.wait_dma2 semaphore(%arg15 : memref<!tpu.dma_semaphore, #tpu.memory_space<semaphore_mem>>) src(%dma_wait3A_16 : memref<200x64xf32, #tpu.memory_space<hbm>>) dst(%arg9 : memref<200x64xf32, #tpu.memory_space<vmem>>)
    %scan3A_17 = arith.constant 0 : i32
    %scan3A_18 = arith.constant 200 : i32
    %scan3A_19 = arith.addi %scan3A_17, %scan3A_18 : i32
    %scan3A_20 = arith.constant 1 : i32
    scf.for %scan3A_40 = %scan3A_17 to %scan3A_19 step %scan3A_20  : i32 {
      %mul3A_41 = arith.constant 1 : i32
      %mul3A_42 = arith.muli %scan3A_40, %mul3A_41 : i32
      %add3A_43 = arith.constant 0 : i32
      %add3A_44 = arith.addi %add3A_43, %mul3A_42 : i32
      %get3A = arith.constant 0 : i32
      %get3A_45 = tpu.memref_slice %arg9[%add3A_44, %get3A] : memref<200x64xf32, #tpu.memory_space<vmem>> -> memref<1x64xf32, #tpu.memory_space<vmem>>
      %get3A_46 = tpu.memref_squeeze %get3A_45 : memref<1x64xf32, #tpu.memory_space<vmem>> -> memref<64xf32, #tpu.memory_space<vmem>>
      %get3A_47 = arith.constant 0 : index
      %get3A_48 = tpu.vector_load %get3A_46[%get3A_47] {strides = array<i32>} : memref<64xf32, #tpu.memory_space<vmem>>, vector<16xf32>,
      %get3A_49 = vector.shape_cast %get3A_48 : vector<16xf32> to vector<16xf32>
      %mul3A_50 = arith.constant 8.000000e+00 : f32
      %mul3A_51 = vector.broadcast %mul3A_50 : f32 to vector<16xf32>
      %mul3A_52 = arith.mulf %get3A_49, %mul3A_51 : vector<16xf32>
      %get3A_53 = arith.constant 0 : i32
      %get3A_54 = tpu.memref_slice %arg10[%add3A_44, %get3A_53] : memref<200x64xf32, #tpu.memory_space<vmem>> -> memref<1x64xf32, #tpu.memory_space<vmem>>
      %get3A_55 = tpu.memref_squeeze %get3A_54 : memref<1x64xf32, #tpu.memory_space<vmem>> -> memref<64xf32, #tpu.memory_space<vmem>>
      %get3A_56 = arith.constant 0 : index
      %get3A_57 = tpu.vector_load %get3A_55[%get3A_56] {strides = array<i32>} : memref<64xf32, #tpu.memory_space<vmem>>, vector<16xf32>,
      %get3A_58 = vector.shape_cast %get3A_57 : vector<16xf32> to vector<16xf32>
      %add3A_59 = arith.addf %mul3A_52, %get3A_58 : vector<16xf32>
      %swap3A = arith.constant 0 : i32
      %swap3A_60 = tpu.memref_slice %arg9[%add3A_44, %swap3A] : memref<200x64xf32, #tpu.memory_space<vmem>> -> memref<1x64xf32, #tpu.memory_space<vmem>>
      %swap3A_61 = tpu.memref_squeeze %swap3A_60 : memref<1x64xf32, #tpu.memory_space<vmem>> -> memref<64xf32, #tpu.memory_space<vmem>>
      %swap3A_62 = arith.constant 0 : index
      %swap3A_63 = tpu.vector_load %swap3A_61[%swap3A_62] {strides = array<i32>} : memref<64xf32, #tpu.memory_space<vmem>>, vector<16xf32>,
      %swap3A_64 = vector.shape_cast %swap3A_63 : vector<16xf32> to vector<16xf32>
      %swap3A_65 = vector.shape_cast %add3A_59 : vector<16xf32> to vector<16xf32>
      tpu.vector_store %swap3A_61[%swap3A_62], %swap3A_65 {strides = array<i32>} : memref<64xf32, #tpu.memory_space<vmem>>, vector<16xf32>,
      %get3A_66 = arith.constant 0 : i32
      %get3A_67 = tpu.memref_slice %arg9[%add3A_44, %get3A_66] : memref<200x64xf32, #tpu.memory_space<vmem>> -> memref<1x64xf32, #tpu.memory_space<vmem>>
      %get3A_68 = tpu.memref_squeeze %get3A_67 : memref<1x64xf32, #tpu.memory_space<vmem>> -> memref<64xf32, #tpu.memory_space<vmem>>
      %get3A_69 = arith.constant 16 : index
      %get3A_70 = tpu.vector_load %get3A_68[%get3A_69] {strides = array<i32>} : memref<64xf32, #tpu.memory_space<vmem>>, vector<16xf32>,
      %get3A_71 = vector.shape_cast %get3A_70 : vector<16xf32> to vector<16xf32>
      %mul3A_72 = arith.constant 8.000000e+00 : f32
      %mul3A_73 = vector.broadcast %mul3A_72 : f32 to vector<16xf32>
      %mul3A_74 = arith.mulf %get3A_71, %mul3A_73 : vector<16xf32>
      %get3A_75 = arith.constant 0 : i32
      %get3A_76 = tpu.memref_slice %arg10[%add3A_44, %get3A_75] : memref<200x64xf32, #tpu.memory_space<vmem>> -> memref<1x64xf32, #tpu.memory_space<vmem>>
      %get3A_77 = tpu.memref_squeeze %get3A_76 : memref<1x64xf32, #tpu.memory_space<vmem>> -> memref<64xf32, #tpu.memory_space<vmem>>
      %get3A_78 = arith.constant 16 : index
      %get3A_79 = tpu.vector_load %get3A_77[%get3A_78] {strides = array<i32>} : memref<64xf32, #tpu.memory_space<vmem>>, vector<16xf32>,
      %get3A_80 = vector.shape_cast %get3A_79 : vector<16xf32> to vector<16xf32>
      %add3A_81 = arith.addf %mul3A_74, %get3A_80 : vector<16xf32>
      %swap3A_82 = arith.constant 0 : i32
      %swap3A_83 = tpu.memref_slice %arg9[%add3A_44, %swap3A_82] : memref<200x64xf32, #tpu.memory_space<vmem>> -> memref<1x64xf32, #tpu.memory_space<vmem>>
      %swap3A_84 = tpu.memref_squeeze %swap3A_83 : memref<1x64xf32, #tpu.memory_space<vmem>> -> memref<64xf32, #tpu.memory_space<vmem>>
      %swap3A_85 = arith.constant 16 : index
      %swap3A_86 = tpu.vector_load %swap3A_84[%swap3A_85] {strides = array<i32>} : memref<64xf32, #tpu.memory_space<vmem>>, vector<16xf32>,
      %swap3A_87 = vector.shape_cast %swap3A_86 : vector<16xf32> to vector<16xf32>
      %swap3A_88 = vector.shape_cast %add3A_81 : vector<16xf32> to vector<16xf32>
      tpu.vector_store %swap3A_84[%swap3A_85], %swap3A_88 {strides = array<i32>} : memref<64xf32, #tpu.memory_space<vmem>>, vector<16xf32>,
      %get3A_89 = arith.constant 0 : i32
      %get3A_90 = tpu.memref_slice %arg9[%add3A_44, %get3A_89] : memref<200x64xf32, #tpu.memory_space<vmem>> -> memref<1x64xf32, #tpu.memory_space<vmem>>
      %get3A_91 = tpu.memref_squeeze %get3A_90 : memref<1x64xf32, #tpu.memory_space<vmem>> -> memref<64xf32, #tpu.memory_space<vmem>>
      %get3A_92 = arith.constant 32 : index
      %get3A_93 = tpu.vector_load %get3A_91[%get3A_92] {strides = array<i32>} : memref<64xf32, #tpu.memory_space<vmem>>, vector<16xf32>,
      %get3A_94 = vector.shape_cast %get3A_93 : vector<16xf32> to vector<16xf32>
      %mul3A_95 = arith.constant 8.000000e+00 : f32
      %mul3A_96 = vector.broadcast %mul3A_95 : f32 to vector<16xf32>
      %mul3A_97 = arith.mulf %get3A_94, %mul3A_96 : vector<16xf32>
      %get3A_98 = arith.constant 0 : i32
      %get3A_99 = tpu.memref_slice %arg10[%add3A_44, %get3A_98] : memref<200x64xf32, #tpu.memory_space<vmem>> -> memref<1x64xf32, #tpu.memory_space<vmem>>
      %get3A_100 = tpu.memref_squeeze %get3A_99 : memref<1x64xf32, #tpu.memory_space<vmem>> -> memref<64xf32, #tpu.memory_space<vmem>>
      %get3A_101 = arith.constant 32 : index
      %get3A_102 = tpu.vector_load %get3A_100[%get3A_101] {strides = array<i32>} : memref<64xf32, #tpu.memory_space<vmem>>, vector<16xf32>,
      %get3A_103 = vector.shape_cast %get3A_102 : vector<16xf32> to vector<16xf32>
      %add3A_104 = arith.addf %mul3A_97, %get3A_103 : vector<16xf32>
      %swap3A_105 = arith.constant 0 : i32
      %swap3A_106 = tpu.memref_slice %arg9[%add3A_44, %swap3A_105] : memref<200x64xf32, #tpu.memory_space<vmem>> -> memref<1x64xf32, #tpu.memory_space<vmem>>
      %swap3A_107 = tpu.memref_squeeze %swap3A_106 : memref<1x64xf32, #tpu.memory_space<vmem>> -> memref<64xf32, #tpu.memory_space<vmem>>
      %swap3A_108 = arith.constant 32 : index
      %swap3A_109 = tpu.vector_load %swap3A_107[%swap3A_108] {strides = array<i32>} : memref<64xf32, #tpu.memory_space<vmem>>, vector<16xf32>,
      %swap3A_110 = vector.shape_cast %swap3A_109 : vector<16xf32> to vector<16xf32>
      %swap3A_111 = vector.shape_cast %add3A_104 : vector<16xf32> to vector<16xf32>
      tpu.vector_store %swap3A_107[%swap3A_108], %swap3A_111 {strides = array<i32>} : memref<64xf32, #tpu.memory_space<vmem>>, vector<16xf32>,
      %get3A_112 = arith.constant 0 : i32
      %get3A_113 = tpu.memref_slice %arg9[%add3A_44, %get3A_112] : memref<200x64xf32, #tpu.memory_space<vmem>> -> memref<1x64xf32, #tpu.memory_space<vmem>>
      %get3A_114 = tpu.memref_squeeze %get3A_113 : memref<1x64xf32, #tpu.memory_space<vmem>> -> memref<64xf32, #tpu.memory_space<vmem>>
      %get3A_115 = arith.constant 48 : index
      %get3A_116 = tpu.vector_load %get3A_114[%get3A_115] {strides = array<i32>} : memref<64xf32, #tpu.memory_space<vmem>>, vector<16xf32>,
      %get3A_117 = vector.shape_cast %get3A_116 : vector<16xf32> to vector<16xf32>
      %mul3A_118 = arith.constant 8.000000e+00 : f32
      %mul3A_119 = vector.broadcast %mul3A_118 : f32 to vector<16xf32>
      %mul3A_120 = arith.mulf %get3A_117, %mul3A_119 : vector<16xf32>
      %get3A_121 = arith.constant 0 : i32
      %get3A_122 = tpu.memref_slice %arg10[%add3A_44, %get3A_121] : memref<200x64xf32, #tpu.memory_space<vmem>> -> memref<1x64xf32, #tpu.memory_space<vmem>>
      %get3A_123 = tpu.memref_squeeze %get3A_122 : memref<1x64xf32, #tpu.memory_space<vmem>> -> memref<64xf32, #tpu.memory_space<vmem>>
      %get3A_124 = arith.constant 48 : index
      %get3A_125 = tpu.vector_load %get3A_123[%get3A_124] {strides = array<i32>} : memref<64xf32, #tpu.memory_space<vmem>>, vector<16xf32>,
      %get3A_126 = vector.shape_cast %get3A_125 : vector<16xf32> to vector<16xf32>
      %add3A_127 = arith.addf %mul3A_120, %get3A_126 : vector<16xf32>
      %swap3A_128 = arith.constant 0 : i32
      %swap3A_129 = tpu.memref_slice %arg9[%add3A_44, %swap3A_128] : memref<200x64xf32, #tpu.memory_space<vmem>> -> memref<1x64xf32, #tpu.memory_space<vmem>>
      %swap3A_130 = tpu.memref_squeeze %swap3A_129 : memref<1x64xf32, #tpu.memory_space<vmem>> -> memref<64xf32, #tpu.memory_space<vmem>>
      %swap3A_131 = arith.constant 48 : index
      %swap3A_132 = tpu.vector_load %swap3A_130[%swap3A_131] {strides = array<i32>} : memref<64xf32, #tpu.memory_space<vmem>>, vector<16xf32>,
      %swap3A_133 = vector.shape_cast %swap3A_132 : vector<16xf32> to vector<16xf32>
      %swap3A_134 = vector.shape_cast %add3A_127 : vector<16xf32> to vector<16xf32>
      tpu.vector_store %swap3A_130[%swap3A_131], %swap3A_134 {strides = array<i32>} : memref<64xf32, #tpu.memory_space<vmem>>, vector<16xf32>,
    }
    %scan3A_21 = arith.constant 200 : i32
    %add3A_22 = arith.constant 6200 : i32
    %add3A_23 = arith.addi %mul3A_2, %add3A_22 : i32
    %dma_start3A_24 = arith.constant 0 : i32
    %dma_start3A_25 = tpu.memref_slice %arg5[%add3A_23, %dma_start3A_24] : memref<204800x64xf32, #tpu.memory_space<hbm>> -> memref<200x64xf32, #tpu.memory_space<hbm>>
    %dma_start3A_26 = arith.constant 0 : i32
    %dma_start3A_27 = tpu.memref_slice %arg5[%add3A_23, %dma_start3A_26] : memref<204800x64xf32, #tpu.memory_space<hbm>> -> memref<200x64xf32, #tpu.memory_space<hbm>>
    tpu.enqueue_dma source(%arg9 : memref<200x64xf32, #tpu.memory_space<vmem>>) target(%dma_start3A_27 : memref<200x64xf32, #tpu.memory_space<hbm>>) target_semaphore(%arg17 : memref<!tpu.dma_semaphore, #tpu.memory_space<semaphore_mem>>)
    %dma_wait3A_28 = arith.constant 0 : i32
    %dma_wait3A_29 = arith.constant 0 : i32
    %dma_wait3A_30 = tpu.memref_slice %arg5[%dma_wait3A_28, %dma_wait3A_29] : memref<204800x64xf32, #tpu.memory_space<hbm>> -> memref<200x64xf32, #tpu.memory_space<hbm>>
    %dma_wait3A_31 = arith.constant 0 : i32
    %dma_wait3A_32 = arith.constant 0 : i32
    %dma_wait3A_33 = tpu.memref_slice %arg5[%dma_wait3A_31, %dma_wait3A_32] : memref<204800x64xf32, #tpu.memory_space<hbm>> -> memref<200x64xf32, #tpu.memory_space<hbm>>
    tpu.wait_dma2 semaphore(%arg16 : memref<!tpu.dma_semaphore, #tpu.memory_space<semaphore_mem>>) src(%arg8 : memref<200x64xf32, #tpu.memory_space<vmem>>) dst(%dma_wait3A_33 : memref<200x64xf32, #tpu.memory_space<hbm>>)
    %dma_wait3A_34 = arith.constant 0 : i32
    %dma_wait3A_35 = arith.constant 0 : i32
    %dma_wait3A_36 = tpu.memref_slice %arg5[%dma_wait3A_34, %dma_wait3A_35] : memref<204800x64xf32, #tpu.memory_space<hbm>> -> memref<200x64xf32, #tpu.memory_space<hbm>>
    %dma_wait3A_37 = arith.constant 0 : i32
    %dma_wait3A_38 = arith.constant 0 : i32
    %dma_wait3A_39 = tpu.memref_slice %arg5[%dma_wait3A_37, %dma_wait3A_38] : memref<204800x64xf32, #tpu.memory_space<hbm>> -> memref<200x64xf32, #tpu.memory_space<hbm>>
    tpu.wait_dma2 semaphore(%arg17 : memref<!tpu.dma_semaphore, #tpu.memory_space<semaphore_mem>>) src(%arg9 : memref<200x64xf32, #tpu.memory_space<vmem>>) dst(%dma_wait3A_39 : memref<200x64xf32, #tpu.memory_space<hbm>>)
    return
  }
}

</mosaic_0001>

<sc_bundles>
// kernel: kernel.3.cloned.1.call-start
scs
__scs_entry_jumppad:
0x0: {  	(pc) =	sbr.rel $0x88, $3  }
0x1: {  	(tag) =	ssettag $0x0;
	lr =	simm.s32 $0x1  }
0x2: {  	[smem:$0x3F9F] =	sst lr;
	_ =	strace $0xD0000000  }
0x3: {  	_ = 	snop  }
0x4: {  	_ = 	snop  }
0x5: {  	_ = 	snop  }
0x6: {  	_ = 	snop  }
0x7: {  	_ = 	snop  }
__scs_overlays_trampoline_lowered:
0x8: {  	[smem:$0x3FAE] =	sst s0  }
0x9: {  	[smem:$0x3FAF] =	sst s1  }
0xa: {  	[smem:$0x3FB0] =	sst s2  }
0xb: {  	[smem:$0x3FB1] =	sst s3  }
0xc: {  	[smem:$0x3FB2] =	sst s4  }
0xd: {  	[smem:$0x3FB3] =	sst s5  }
0xe: {  	[smem:$0x3FB4] =	sst s6  }
0xf: {  	[smem:$0x3FB5] =	sst s7  }
0x10: {  	[smem:$0x3FB6] =	sst s8  }
0x11: {  	[smem:$0x3FB7] =	sst s9;
	s0 =	simm.s32 @!p0 $0x0  }
0x12: {  	s1 =	sld [smem:$0x3F9D];
	s0 =	simm.s32 @p0 $0x1  }
0x13: {  	[smem:$0x3FB8] =	sst s0;
	s0 =	simm.s32 @!p1 $0x0  }
0x14: {  	s2 =	sld [smem:$0x3F9C];
	s0 =	simm.s32 @p1 $0x1  }
0x15: {  	[smem:$0x3FB9] =	sst s0;
	s0 =	simm.s32 @!p2 $0x0  }
0x16: {  	s3 =	sld [smem:$0x3FDB];
	s0 =	simm.s32 @p2 $0x1  }
0x17: {  	s4 =	simm.s32 $0x1BF5;
	[smem:$0x3FBB] =	sst s0  }
0x18: {  	s0 =	sld [smem:$0x3F9E];
	_ =	swait.ge [sflag:s4], $0x0  }
0x19: {  	s7 =	sld [smem:$0x3F9F]  }
0x1a: {  	s8 =	sadd.s32 $0xFFFFE003, lr  }
0x1b: {  	s9 =	sadd.s32 $0xFFFFFEF7, lr;
	s5 =	simm.s32 $0xFFFFFFFF;
	p2 =	slt.u32 s8, $0xFFFFF086  }
0x1c: {  	p1 =	slt.u32 s9, $0xF7A;
	s5 =	simm.s32 @!p2 $0x0  }
0x1d: {  	s5 =	simm.s32 @p1 $0x1;
	p0 =	seq.s32 s7, s2  }
0x1e: {  	s7 =	smul.u32 @!p0 $0xF7A, s2;
	p2 =	seq.s32 @!p0 s5, $0x0  }
0x1f: {  	s9 =	smul.u32 $0xF7A, s1;
	s8 =	simm.s32 @!p0 $0x1BF5;
	p2 =	por !p2, p0  }
0x20: {  	[sflag:s8] =	ssyncset.s32 @!p0 $0xFFFFF086;
	s6 =	sadd.s32 @!p0 s3, s7;
	s7 =	simm.s32 @!p0 $0x108  }
0x21: {  	s3 =	sadd.s32 s3, s9;
	s6 =	sadd.s32 @!p0 $0x88, s6;
	s7 =	simm.s32 @p2 $0x1082  }
0x22: {  	[simem:s7], [sflag:s8] =	dma.local @!p0 [hbm:s6], $0xF7A  }
0x23: {  	s9 =	sor.u32 $0xD0000000, s2;
	s6 =	simm.s32 $0x108;
	_ =	swait.ge @!p0 [sflag:s8], $0x0  }
0x24: {  	s3 =	sadd.s32 $0x88, s3;
	s6 =	simm.s32 @!p1 $0x1082;
	[sflag:s4] =	ssyncset.s32 $0xFFFFF086  }
0x25: {  	[simem:s6], [sflag:s4] =	dma.local [hbm:s3], $0xF7A  }
0x26: {  	[smem:$0x3F9F] =	sst s1;
	(tag) =	ssettag s2;
	_ =	strace s9  }
0x27: {  	s1 =	sld [smem:$0x3FAF]  }
0x28: {  	s2 =	sld [smem:$0x3FB0]  }
0x29: {  	s4 =	sld [smem:$0x3FB2]  }
0x2a: {  	p0 =	seq.s32 s5, $0x0;
	s5 =	sld [smem:$0x3FB3]  }
0x2b: {  	s6 =	sld [smem:$0x3FB4]  }
0x2c: {  	s7 =	sld [smem:$0x3FB5]  }
0x2d: {  	s3 =	simm.s32 $0x108;
	s8 =	sld [smem:$0x3FB6]  }
0x2e: {  	s3 =	simm.s32 @!p0 $0x1082;
	s9 =	sld [smem:$0x3FB7]  }
0x2f: {  	lr =	sadd.s32 s0, s3;
	s0 =	sld [smem:$0x3FAE]  }
0x30: {  	s3 =	sld [smem:$0x3FB1]  }
0x31: {  	[smem:$0x3FBA] =	sst s10  }
0x32: {  	s10 =	sld [smem:$0x3FB8];
	_ =	sdelay $0x3  }
0x33: {  	p0 =	seq.s32 s10, $0x1;
	s10 =	sld [smem:$0x3FBA];
	_ =	sdelay $0x3  }
0x34: {  	[smem:$0x3FBA] =	sst s10  }
0x35: {  	s10 =	sld [smem:$0x3FB9];
	_ =	sdelay $0x3  }
0x36: {  	p1 =	seq.s32 s10, $0x1;
	s10 =	sld [smem:$0x3FBA];
	_ =	sdelay $0x3  }
0x37: {  	[smem:$0x3FBA] =	sst s10  }
0x38: {  	s10 =	sld [smem:$0x3FBB]  }
0x39: {  	_ = 	snop;
	(pc) =	sbr.ind lr, $3  }
0x3a: {  	_ = 	snop  }
0x3b: {  	_ = 	snop  }
0x3c: {  	p2 =	seq.s32 s10, $0x1;
	s10 =	sld [smem:$0x3FBA]  }
0x3d: {  	_ =	shalt  }
0x3e: {  	_ =	shalt  }
0x3f: {  	_ =	shalt  }
0x40: {  	_ =	shalt  }
0x41: {  	_ =	shalt  }
0x42: {  	_ =	shalt  }
0x43: {  	_ =	shalt  }
0x44: {  	_ =	shalt  }
0x45: {  	_ =	shalt  }
0x46: {  	_ =	shalt  }
0x47: {  	_ =	shalt  }
0x48: {  	_ =	shalt  }
0x49: {  	_ =	shalt  }
0x4a: {  	_ =	shalt  }
0x4b: {  	_ =	shalt  }
0x4c: {  	_ =	shalt  }
0x4d: {  	_ =	shalt  }
0x4e: {  	_ =	shalt  }
0x4f: {  	_ =	shalt  }
0x50: {  	_ =	shalt  }
0x51: {  	_ =	shalt  }
0x52: {  	_ =	shalt  }
0x53: {  	_ =	shalt  }
0x54: {  	_ =	shalt  }
0x55: {  	_ =	shalt  }
0x56: {  	_ =	shalt  }
0x57: {  	_ =	shalt  }
0x58: {  	_ =	shalt  }
0x59: {  	_ =	shalt  }
0x5a: {  	_ =	shalt  }
0x5b: {  	_ =	shalt  }
0x5c: {  	_ =	shalt  }
0x5d: {  	_ =	shalt  }
0x5e: {  	_ =	shalt  }
0x5f: {  	_ =	shalt  }
0x60: {  	_ =	shalt  }
0x61: {  	_ =	shalt  }
0x62: {  	_ =	shalt  }
0x63: {  	_ =	shalt  }
0x64: {  	_ =	shalt  }
0x65: {  	_ =	shalt  }
0x66: {  	_ =	shalt  }
0x67: {  	_ =	shalt  }
0x68: {  	_ =	shalt  }
0x69: {  	_ =	shalt  }
0x6a: {  	_ =	shalt  }
0x6b: {  	_ =	shalt  }
0x6c: {  	_ =	shalt  }
0x6d: {  	_ =	shalt  }
0x6e: {  	_ =	shalt  }
0x6f: {  	_ =	shalt  }
0x70: {  	_ =	shalt  }
0x71: {  	_ =	shalt  }
0x72: {  	_ =	shalt  }
0x73: {  	_ =	shalt  }
0x74: {  	_ =	shalt  }
0x75: {  	_ =	shalt  }
0x76: {  	_ =	shalt  }
0x77: {  	_ =	shalt  }
0x78: {  	_ =	shalt  }
0x79: {  	_ =	shalt  }
0x7a: {  	_ =	shalt  }
0x7b: {  	_ =	shalt  }
0x7c: {  	_ =	shalt  }
0x7d: {  	_ =	shalt  }
0x7e: {  	_ =	shalt  }
0x7f: {  	_ =	shalt  }
0x80: {  	_ =	shalt  }
0x81: {  	_ =	shalt  }
0x82: {  	_ =	shalt  }
0x83: {  	_ =	shalt  }
0x84: {  	_ =	shalt  }
0x85: {  	_ =	shalt  }
0x86: {  	_ =	shalt  }
0x87: {  	_ =	shalt  }
.Lfunc_end0:
.L_simem_size_0:
called_computation.1_lowered:
.L_overlay_start_0:
0x88: {  	s2 =	sld [smem:$0x3FD9]  }
0x89: {  	s3 =	sld [smem:$0x3FFE];
	_ =	sdelay $0x1  }
0x8a: {  	s1 =	srdreg.scid  }
0x8b: {  	s0 =	sand.u32 $0x1, s1  }
0x8c: {  	s17 =	sshll.u32 s0, $0xA;
	s2 =	sadd.s32 s3, s2  }
0x8d: {  	s2 =	sadd.s32 s2, s17  }
0x8e: {  	[smem:$0x3FC6] =	sst s2  }
0x8f: {  	_ = 	snop  }
0x90: {  	s2 =	sld [smem:$0x3FD0];
	(tm) =	ssettm $0x1  }
0x91: {  	s18 =	sld [smem:$0x3FFB];
	_ =	sdelay $0x3  }
0x92: {  	_ =	strace s18  }
0x93: {  	s3 =	sld [smem:$0x3FFC];
	_ =	sdelay $0x3  }
0x94: {  	_ =	strace s3  }
0x95: {  	s3 =	sld [smem:$0x3FFD];
	_ =	sdelay $0x3  }
0x96: {  	_ =	strace s3  }
0x97: {  	_ =	strace $0x8FFFFFFF  }
0x98: {  	s19 =	sld [smem:$0x3FDB];
	_ =	sdelay $0x1  }
0x99: {  	s4 =	simm.s32 $_scs_section_size  }
0x9a: {  	s5 =	simm.s32 $_size__tile_overlayer_lowered;
	s6 =	simm.s32 $_tile_overlayer_lowered  }
0x9b: {  	s22 =	simm.s32 $0x1BFF;
	s21 =	sshll.u32 s6, $0x1;
	s3 =	sadd.s32 s4, s19  }
0x9c: {  	s7 =	simm.s32 $0x0;
	s20 =	sshll.u32 s5, $0x1;
	s5 =	sadd.s32 s21, s3  }
0x9d: {  	[timem:s7], [sflag:s22] =	dma.local [hbm:s5], s20  }
0x9e: {  	_ =	swait.ge [sflag:s22], s20  }
0x9f: {  	s4 =	ssub.s32 $0x0, s20;
	[sflag:s22] =	ssyncset.done $0x0  }
0xa0: {  	[sflag:s22] =	ssyncadd.s32 s4;
	_ =	sdelay $0x1  }
0xa1: {  	s23 =	simm.s32 $0x1B8B  }
0xa2: {  	_ =	swait.ge [sflag:s23], $0x1  }
0xa3: {  	[sflag:s23] =	ssyncset.done $0x0  }
0xa4: {  	s25 =	simm.s32 $0x1B8E;
	s24 =	sld [smem:$0x3FFE];
	[sflag:s23] =	ssyncadd.s32 $0xFFFFFFFF  }
0xa5: {  	s26 =	simm.s32 $execute0_lowered;
	[smem:$0x3FD2] =	sst s25  }
0xa6: {  	s5 =	sshll.u32 s26, $0x1;
	_ =	strace $0x80000046;
	[dreg:$0x1] =	wrdreg $0xFFFFFFFF  }
0xa7: {  	s28 =	simm.s32 $_size_execute0_lowered;
	s3 =	sadd.s32 s3, s5;
	[dreg:$0x0] =	wrdreg $0x0  }
0xa8: {  	s5 =	sshll.u32 s28, $0x1;
	[dreg:$0x2] =	wrdreg s3  }
0xa9: {  	[dreg:$0x3] =	wrdreg s5  }
0xaa: {  	[dreg:$0x4] =	wrdreg $0xC0  }
0xab: {  	_ =	task [dreg:s7], $0x5FFFF  }
0xac: {  	[dreg:$0x1] =	wrdreg $0xFFFFFFFF  }
0xad: {  	[dreg:$0x0] =	wrdreg $0x60  }
0xae: {  	[dreg:$0x2] =	wrdreg s24  }
0xaf: {  	[dreg:$0x3] =	wrdreg s2  }
0xb0: {  	[dreg:$0x4] =	wrdreg $0x9  }
0xb1: {  	_ =	task.clear_ibuf [dreg:s7], $0x5FFFF;
	_ =	strace $0x90000046  }
0xb2: {  	s29 =	simm.s32 $0x9;
	_ =	strace $0x80000048  }
0xb3: {  	_ =	swait.ge [sflag:s29], $0x1  }
0xb4: {  	[sflag:s29] =	ssyncadd.s32 $0xFFFFFFFF  }
0xb5: {  	_ =	strace $0x90000048  }
0xb6: {  	_ =	sfence  }
0xb7: {  	s30 =	sld [smem:$0x0];
	_ =	sdelay $0x2  }
0xb8: {  	s31 =	sshll.u32 s1, $0xD;
	s1 =	sshrl.u32 s1, $0x2  }
0xb9: {  	s3 =	sand.u32 $0x4000, s31;
	s1 =	sadd.s32 s1, s30  }
0xba: {  	s0 =	sor.u32 s3, s0;
	s1 =	sshll.u32 s1, $0x11  }
0xbb: {  	s0 =	sor.u32 s1, s0  }
0xbc: {  	s0 =	sadd.s32 $0x8F2B, s0  }
0xbd: {  	[sflag:s0] =	ssyncadd.remote.s32 $0x1  }
0xbe: {  	_ =	sfence.sel $0xFFFF  }
0xbf: {  	[dreg:$0x0] =	wrdreg $0xFFFFFFFF;
	(pc) =	sbr.abs _section_cstart, $3  }
0xc0: {  	[dreg:$0x1] =	wrdreg $0xFFFFFFFF  }
0xc1: {  	_ =	task.clear_ibuf [dreg:s7], $0x2FFFF;
	_ =	strace $0x9FFFFFFF  }
0xc2: {  	(tm) =	ssettm $0x7FFFFFFF  }
0xc3: {  	_ =	shalt  }
tec
execute0_lowered:
.L_overlay_start_1:
0x0: {  	(tag) =	ssettag $0x1  }
0x1: {  	s0 =	rddreg [dreg:$0x0]  }
0x2: {  	s11 =	rddreg [dreg:$0x1]  }
0x3: {  	s1 =	srdreg.scid;
	s2 =	stileid.u32  }
0x4: {  	s3 =	simm.s32 $0x0;
	s18 =	simm.s32 $0x2;
	s28 =	simm.s32 $0x3  }
0x5: {  	s14 =	simm.s32 $0x5;
	s1 =	sand.u32 $0x1, s1;
	s4 =	sshll.u32 s2, $0x1  }
0x6: {  	[smem:$0x7FF] =	sst s3;
	s24 =	sadd.s32 $0xF42E00, s0;
	s6 =	sor.u32 s1, s4  }
0x7: {  	s5 =	sadd.s32 $0xA00, s0;
	s7 =	sadd.s32 $0xF43C00, s0;
	s23 =	smul.u32 $0x1900, s6  }
0x8: {  	_ =	strace $0x80000047;
	[dreg:$0x3] =	wrdreg s24;
	s1 =	ssub.s32 $0x2, s1  }
0x9: {  	s8 =	sshrl.u32 s1, $0x1;
	s6 =	smul.u32 $0xC8000, s6;
	s29 =	sadd.s32 $0x190, s23  }
0xa: {  	s25 =	ssub.s32 s1, s8;
	s31 =	sadd.s32 $0xFFFFFF38, s23;
	[dreg:$0x6] =	wrdreg s29  }
0xb: {  	s9 =	sshrl.u32 s23, $0x3;
	s2 =	sadd.s32 $0x258, s23;
	[dreg:$0x7] =	wrdreg s31  }
0xc: {  	s0 =	smax.u32 s25, $0x1;
	s26 =	sadd.s32 s11, s9;
	[dreg:$0x8] =	wrdreg s2  }
0xd: {  	s30 =	sshrl.u32 s6, $0x3;
	[dreg:$0xa] =	wrdreg s0;
	s1 =	sadd.s32 $0x19, s26  }
0xe: {  	s10 =	smov.u32 s11;
	[dreg:$0x5] =	wrdreg s1;
	s1 =	sadd.s32 s7, s30  }
0xf: {  	s12 =	smov.u32 s23;
	[dreg:$0x4] =	wrdreg s26;
	s1 =	sadd.s32 $0x18380, s1  }
0x10: {  	s9 =	simm.s32 $0x4;
	s2 =	simm.s32 $0x0;
	[dreg:$0x9] =	wrdreg s1  }
.LBB2_1:
0x11: {  	[dreg:$0xb] =	wrdreg s2  }
0x12: {  	s0 =	rddreg [dreg:$0x3];
	s1 =	simm.s32 $0xCA00;
	s26 =	simm.s32 $0x1  }
0x13: {  	[tilespmem:s1], [sflag:$0x1] =	stream.linear.gather [hbm4b:s0+s3], $0x6400, $0x38;
	[tilespmem:$0x12E00] =	vst v63  }
0x14: {  	_ =	swait.ge [sflag:s26], $0x6400  }
0x15: {  	[sflag:s26] =	ssyncset.done $0x0  }
0x16: {  	s29 =	rddreg [dreg:$0x4];
	[sflag:s26] =	ssyncadd.s32 $0xFFFF9C00  }
0x17: {  	[tilespmem:s3], [sflag:$0x2] =	stream.linear.gather [hbm4b:s29+s3], $0xC8, $0x38;
	[tilespmem:$0x12E00] =	vst v63  }
0x18: {  	s31 =	simm.s32 $0x100;
	s16 =	simm.s32 $0x0;
	s30 =	rddreg [dreg:$0x5]  }
0x19: {  	[tilespmem:s31], [sflag:$0x3] =	stream.linear.gather [hbm4b:s30+s3], $0xC8, $0x38;
	[tilespmem:$0x12E00] =	vst v63  }
.LBB2_2:
0x1a: {  	p1 =	seq.s32 s16, $0x0  }
0x1b: {  	s0 =	simm.s32 @!p1 $0x6  }
0x1c: {  	_ =	swait.ge @!p1 [sflag:s0], $0x6400  }
0x1d: {  	[sflag:s0] =	ssyncset.done @!p1 $0x0  }
0x1e: {  	[sflag:s0] =	ssyncadd.s32 @!p1 $0xFFFF9C00  }
0x1f: {  	_ =	swait.ge [sflag:s18], $0xC8  }
0x20: {  	[sflag:s18] =	ssyncset.done $0x0  }
0x21: {  	s19 =	simm.s32 $0x0;
	[sflag:s18] =	ssyncadd.s32 $0xFFFFFF38  }
0x22: {  	v0 =	vld [tilespmem:s19+$0x0];
	_ =	sdelay $0x4  }
0x23: {  	v0 =	vshll.u32 v0, $0x4  }
0x24: {  	(v2sf) =	vpush v0, $0x0  }
0x25: {  	(v2sf) =	vpush v0, $0x1  }
0x26: {  	(v2sf) =	vpush v0, $0x2;
	_ =	sdelay $0x1  }
0x27: {  	(v2sf) =	vpush v0, $0x4;
	_ =	sdelay $0x1  }
0x28: {  	(v2sf) =	vpush v0, $0x3  }
0x29: {  	(v2sf) =	vpush v0, $0x5  }
0x2a: {  	s20 =	simm.s32 $0x2000;
	s8 =	simm.s32 $0x0;
	(v2sf) =	vpush v0, $0x6  }
.LBB2_3:
0x2b: {  	p0 =	sne.s32 s20, $0x16000  }
0x2c: {  	s0 =	sadd.s32 $0x280, s8;
	s24 =	sadd.s32 $0x780, s8;
	s21 =	smov.u32 s20  }
0x2d: {  	s20 =	sadd.s32 $0x2000, s20;
	s29 =	sadd.s32 $0x580, s8;
	s22 =	sadd.s32 $0x800, s8;
	(v2sf) =	vpush v0, $0x7  }
0x2e: {  	s31 =	sadd.s32 $0x480, s8;
	s26 =	sadd.s32 $0x600, s8;
	s23 =	sadd.s32 $0x880, s8  }
0x2f: {  	s1 =	sadd.s32 $0x200, s8;
	s15 =	sadd.s32 $0x400, s8;
	(v2sf) =	vpush v0, $0x8  }
0x30: {  	s17 =	sadd.s32 $0x500, s8;
	s19 =	sadd.s32 $0x10, s19  }
0x31: {  	s6 =	sadd.s32 $0x300, s8;
	s25 =	sadd.s32 $0x700, s8;
	s30 =	spop (v2sf);
	(v2sf) =	vpush v0, $0x9  }
0x32: {  	s13 =	sand.u32 $0x1FFFFFF0, s30;
	s30 =	sadd.s32 $0x680, s8;
	s11 =	spop (v2sf)  }
0x33: {  	s13 =	sadd.s32 s5, s13;
	s11 =	sand.u32 $0x1FFFFFF0, s11;
	s2 =	spop (v2sf);
	(v2sf) =	vpush v0, $0xA  }
0x34: {  	[tilespmem:s1], [sflag:$0x4] =	stream.linear.gather [hbm4b:s13+s3], $0x80, $0x38;
	[tilespmem:$0x12E00] =	vst v63  }
0x35: {  	s1 =	sadd.s32 s5, s11;
	s11 =	sadd.s32 $0x380, s8;
	s13 =	spop (v2sf);
	(v2sf) =	vpush v0, $0xB  }
0x36: {  	[tilespmem:s0], [sflag:$0x4] =	stream.linear.gather [hbm4b:s1+s3], $0x80, $0x38;
	[tilespmem:$0x12E00] =	vst v63  }
0x37: {  	s0 =	sand.u32 $0x1FFFFFF0, s2;
	s1 =	sand.u32 $0x1FFFFFF0, s13;
	s2 =	spop (v2sf);
	(v2sf) =	vpush v0, $0xC  }
0x38: {  	s0 =	sadd.s32 s5, s0;
	s2 =	sand.u32 $0x1FFFFFF0, s2;
	s13 =	spop (v2sf)  }
0x39: {  	[tilespmem:s6], [sflag:$0x4] =	stream.linear.gather [hbm4b:s0+s3], $0x80, $0x38;
	(v2sf) =	vpush v0, $0xD;
	[tilespmem:$0x12E00] =	vst v63  }
0x3a: {  	s0 =	sadd.s32 s5, s2;
	s2 =	sand.u32 $0x1FFFFFF0, s13;
	s6 =	spop (v2sf)  }
0x3b: {  	[tilespmem:s11], [sflag:$0x4] =	stream.linear.gather [hbm4b:s0+s3], $0x80, $0x38;
	(v2sf) =	vpush v0, $0xE;
	[tilespmem:$0x12E00] =	vst v63  }
0x3c: {  	s0 =	sadd.s32 s5, s1;
	s1 =	sand.u32 $0x1FFFFFF0, s6;
	s6 =	spop (v2sf)  }
0x3d: {  	[tilespmem:s15], [sflag:$0x4] =	stream.linear.gather [hbm4b:s0+s3], $0x80, $0x38;
	(v2sf) =	vpush v0, $0xF;
	[tilespmem:$0x12E00] =	vst v63  }
0x3e: {  	s0 =	sadd.s32 s5, s2;
	s2 =	sand.u32 $0x1FFFFFF0, s6;
	s6 =	spop (v2sf)  }
0x3f: {  	[tilespmem:s31], [sflag:$0x4] =	stream.linear.gather [hbm4b:s0+s3], $0x80, $0x38;
	[tilespmem:$0x12E00] =	vst v63  }
0x40: {  	s0 =	sadd.s32 s5, s1;
	s1 =	sand.u32 $0x1FFFFFF0, s6;
	s6 =	spop (v2sf)  }
0x41: {  	[tilespmem:s17], [sflag:$0x4] =	stream.linear.gather [hbm4b:s0+s3], $0x80, $0x38;
	[tilespmem:$0x12E00] =	vst v63  }
0x42: {  	s0 =	sadd.s32 s5, s2;
	s2 =	sand.u32 $0x1FFFFFF0, s6;
	s6 =	spop (v2sf)  }
0x43: {  	[tilespmem:s29], [sflag:$0x4] =	stream.linear.gather [hbm4b:s0+s3], $0x80, $0x38;
	[tilespmem:$0x12E00] =	vst v63  }
0x44: {  	s0 =	sadd.s32 s5, s1;
	s1 =	sand.u32 $0x1FFFFFF0, s6;
	s6 =	spop (v2sf)  }
0x45: {  	[tilespmem:s26], [sflag:$0x4] =	stream.linear.gather [hbm4b:s0+s3], $0x80, $0x38;
	[tilespmem:$0x12E00] =	vst v63  }
0x46: {  	s0 =	sadd.s32 s5, s2;
	s2 =	sand.u32 $0x1FFFFFF0, s6;
	s6 =	spop (v2sf)  }
0x47: {  	[tilespmem:s30], [sflag:$0x4] =	stream.linear.gather [hbm4b:s0+s3], $0x80, $0x38;
	[tilespmem:$0x12E00] =	vst v63  }
0x48: {  	s0 =	sadd.s32 s5, s1;
	s1 =	sand.u32 $0x1FFFFFF0, s6;
	s6 =	spop (v2sf)  }
0x49: {  	[tilespmem:s25], [sflag:$0x4] =	stream.linear.gather [hbm4b:s0+s3], $0x80, $0x38;
	[tilespmem:$0x12E00] =	vst v63  }
0x4a: {  	s0 =	sadd.s32 s5, s2;
	s2 =	sand.u32 $0x1FFFFFF0, s6;
	s6 =	spop (v2sf)  }
0x4b: {  	[tilespmem:s24], [sflag:$0x4] =	stream.linear.gather [hbm4b:s0+s3], $0x80, $0x38;
	[tilespmem:$0x12E00] =	vst v63  }
0x4c: {  	s0 =	sadd.s32 s5, s1;
	s1 =	sand.u32 $0x1FFFFFF0, s6;
	s6 =	spop (v2sf)  }
0x4d: {  	[tilespmem:s22], [sflag:$0x4] =	stream.linear.gather [hbm4b:s0+s3], $0x80, $0x38;
	[tilespmem:$0x12E00] =	vst v63  }
0x4e: {  	s0 =	sadd.s32 s5, s2;
	s2 =	sand.u32 $0x1FFFFFF0, s6  }
0x4f: {  	[tilespmem:s23], [sflag:$0x4] =	stream.linear.gather [hbm4b:s0+s3], $0x80, $0x38;
	[tilespmem:$0x12E00] =	vst v63  }
0x50: {  	s1 =	sadd.s32 s5, s1;
	s0 =	sadd.s32 $0x900, s8  }
0x51: {  	[tilespmem:s0], [sflag:$0x4] =	stream.linear.gather [hbm4b:s1+s3], $0x80, $0x38;
	[tilespmem:$0x12E00] =	vst v63  }
0x52: {  	s0 =	sadd.s32 $0x980, s8;
	s1 =	sadd.s32 s5, s2  }
0x53: {  	[tilespmem:s0], [sflag:$0x4] =	stream.linear.gather [hbm4b:s1+s3], $0x80, $0x38;
	[tilespmem:$0x12E00] =	vst v63  }
0x54: {  	v0 =	vld [tilespmem:s19+$0x0];
	_ =	sdelay $0x4  }
0x55: {  	v0 =	vshll.u32 v0, $0x4  }
0x56: {  	(v2sf) =	vpush v0, $0x0  }
0x57: {  	(v2sf) =	vpush v0, $0x1  }
0x58: {  	(v2sf) =	vpush v0, $0x2;
	_ =	sdelay $0x1  }
0x59: {  	(v2sf) =	vpush v0, $0x4  }
.Ltmp0:
0x5a: {  	(pc) =	sbr.rel @p0 .LBB2_3-.Ltmp0, $3  }
0x5b: {  	(v2sf) =	vpush v0, $0x3  }
0x5c: {  	(v2sf) =	vpush v0, $0x5;
	_ =	sdelay $0x1  }
0x5d: {  	s8 =	sshra.s32 s21, $0x2;
	(v2sf) =	vpush v0, $0x6  }
0x5e: {  	_ =	sdelay $0x5  }
0x5f: {  	s0 =	spop (v2sf)  }
0x60: {  	s1 =	spop (v2sf)  }
0x61: {  	s22 =	spop (v2sf)  }
0x62: {  	s25 =	spop (v2sf);
	(v2sf) =	vpush v0, $0x7  }
0x63: {  	s0 =	sand.u32 $0x1FFFFFF0, s0  }
0x64: {  	s2 =	sadd.s32 $0x200, s8;
	s0 =	sadd.s32 s5, s0  }
0x65: {  	[tilespmem:s2], [sflag:$0x4] =	stream.linear.gather [hbm4b:s0+s3], $0x80, $0x38;
	[tilespmem:$0x12E00] =	vst v63  }
0x66: {  	s1 =	sand.u32 $0x1FFFFFF0, s1;
	s26 =	spop (v2sf);
	(v2sf) =	vpush v0, $0x8  }
0x67: {  	s21 =	sadd.s32 $0x280, s8;
	s1 =	sadd.s32 s5, s1  }
0x68: {  	[tilespmem:s21], [sflag:$0x4] =	stream.linear.gather [hbm4b:s1+s3], $0x80, $0x38;
	[tilespmem:$0x12E00] =	vst v63  }
0x69: {  	s23 =	sand.u32 $0x1FFFFFF0, s22;
	s2 =	spop (v2sf);
	(v2sf) =	vpush v0, $0x9  }
0x6a: {  	s24 =	sadd.s32 $0x300, s8;
	s0 =	sadd.s32 s5, s23  }
0x6b: {  	[tilespmem:s24], [sflag:$0x4] =	stream.linear.gather [hbm4b:s0+s3], $0x80, $0x38;
	[tilespmem:$0x12E00] =	vst v63  }
0x6c: {  	s0 =	sand.u32 $0x1FFFFFF0, s26;
	s6 =	spop (v2sf);
	(v2sf) =	vpush v0, $0xA  }
0x6d: {  	s29 =	sadd.s32 $0x380, s8;
	s30 =	sand.u32 $0x1FFFFFF0, s25;
	s0 =	sadd.s32 s5, s0  }
0x6e: {  	[tilespmem:s29], [sflag:$0x4] =	stream.linear.gather [hbm4b:s0+s3], $0x80, $0x38;
	[tilespmem:$0x12E00] =	vst v63  }
0x6f: {  	s31 =	sadd.s32 $0x400, s8;
	s0 =	sadd.s32 s5, s30  }
0x70: {  	[tilespmem:s31], [sflag:$0x4] =	stream.linear.gather [hbm4b:s0+s3], $0x80, $0x38;
	[tilespmem:$0x12E00] =	vst v63  }
0x71: {  	s0 =	sand.u32 $0x1FFFFFF0, s2;
	s13 =	spop (v2sf);
	(v2sf) =	vpush v0, $0xB  }
0x72: {  	s4 =	sadd.s32 $0x480, s8;
	s0 =	sadd.s32 s5, s0  }
0x73: {  	[tilespmem:s4], [sflag:$0x4] =	stream.linear.gather [hbm4b:s0+s3], $0x80, $0x38;
	[tilespmem:$0x12E00] =	vst v63  }
0x74: {  	s0 =	sand.u32 $0x1FFFFFF0, s6  }
0x75: {  	s11 =	sadd.s32 $0x500, s8;
	s0 =	sadd.s32 s5, s0;
	s17 =	spop (v2sf);
	(v2sf) =	vpush v0, $0xC  }
0x76: {  	[tilespmem:s11], [sflag:$0x4] =	stream.linear.gather [hbm4b:s0+s3], $0x80, $0x38;
	[tilespmem:$0x12E00] =	vst v63  }
0x77: {  	s0 =	sand.u32 $0x1FFFFFF0, s13  }
0x78: {  	s15 =	sadd.s32 $0x580, s8;
	s0 =	sadd.s32 s5, s0;
	s20 =	spop (v2sf);
	(v2sf) =	vpush v0, $0xD  }
0x79: {  	[tilespmem:s15], [sflag:$0x4] =	stream.linear.gather [hbm4b:s0+s3], $0x80, $0x38;
	[tilespmem:$0x12E00] =	vst v63  }
0x7a: {  	s0 =	sand.u32 $0x1FFFFFF0, s17  }
0x7b: {  	s19 =	sadd.s32 $0x600, s8;
	s0 =	sadd.s32 s5, s0;
	s22 =	spop (v2sf);
	(v2sf) =	vpush v0, $0xE  }
0x7c: {  	[tilespmem:s19], [sflag:$0x4] =	stream.linear.gather [hbm4b:s0+s3], $0x80, $0x38;
	[tilespmem:$0x12E00] =	vst v63  }
0x7d: {  	s0 =	sand.u32 $0x1FFFFFF0, s20  }
0x7e: {  	s21 =	sadd.s32 $0x680, s8;
	s0 =	sadd.s32 s5, s0  }
0x7f: {  	[tilespmem:s21], [sflag:$0x4] =	stream.linear.gather [hbm4b:s0+s3], $0x80, $0x38;
	[tilespmem:$0x12E00] =	vst v63  }
0x80: {  	s0 =	sand.u32 $0x1FFFFFF0, s22;
	s24 =	spop (v2sf);
	(v2sf) =	vpush v0, $0xF  }
0x81: {  	s23 =	sadd.s32 $0x700, s8;
	s0 =	sadd.s32 s5, s0  }
0x82: {  	[tilespmem:s23], [sflag:$0x4] =	stream.linear.gather [hbm4b:s0+s3], $0x80, $0x38;
	[tilespmem:$0x12E00] =	vst v63  }
0x83: {  	s0 =	sand.u32 $0x1FFFFFF0, s24  }
0x84: {  	s25 =	sadd.s32 $0x780, s8;
	s0 =	sadd.s32 s5, s0;
	s26 =	spop (v2sf)  }
0x85: {  	[tilespmem:s25], [sflag:$0x4] =	stream.linear.gather [hbm4b:s0+s3], $0x80, $0x38;
	[tilespmem:$0x12E00] =	vst v63  }
0x86: {  	s0 =	sand.u32 $0x1FFFFFF0, s26  }
0x87: {  	s29 =	sadd.s32 $0x800, s8;
	s30 =	spop (v2sf);
	s0 =	sadd.s32 s5, s0  }
0x88: {  	[tilespmem:s29], [sflag:$0x4] =	stream.linear.gather [hbm4b:s0+s3], $0x80, $0x38;
	[tilespmem:$0x12E00] =	vst v63  }
0x89: {  	s0 =	sand.u32 $0x1FFFFFF0, s30  }
0x8a: {  	s31 =	sadd.s32 $0x880, s8;
	s1 =	spop (v2sf);
	s0 =	sadd.s32 s5, s0  }
0x8b: {  	[tilespmem:s31], [sflag:$0x4] =	stream.linear.gather [hbm4b:s0+s3], $0x80, $0x38;
	[tilespmem:$0x12E00] =	vst v63  }
0x8c: {  	s0 =	sand.u32 $0x1FFFFFF0, s1  }
0x8d: {  	s2 =	sadd.s32 $0x900, s8;
	s0 =	sadd.s32 s5, s0  }
0x8e: {  	[tilespmem:s2], [sflag:$0x4] =	stream.linear.gather [hbm4b:s0+s3], $0x80, $0x38;
	[tilespmem:$0x12E00] =	vst v63  }
0x8f: {  	s4 =	spop (v2sf)  }
0x90: {  	s0 =	sand.u32 $0x1FFFFFF0, s4  }
0x91: {  	s6 =	sadd.s32 $0x980, s8;
	s0 =	sadd.s32 s5, s0  }
0x92: {  	[tilespmem:s6], [sflag:$0x4] =	stream.linear.gather [hbm4b:s0+s3], $0x80, $0x38;
	[tilespmem:$0x12E00] =	vst v63  }
0x93: {  	v63 =	vld [tilespmem:$0xB8];
	_ =	sdelay $0x4  }
0x94: {  	v0 =	vshll.u32 v63, $0x4  }
0x95: {  	(v2sf) =	vpush v0, $0x8;
	_ =	sdelay $0x1  }
0x96: {  	(v2sf) =	vpush v0, $0x9;
	_ =	sdelay $0x1  }
0x97: {  	(v2sf) =	vpush v0, $0xA;
	_ =	sdelay $0x2  }
0x98: {  	(v2sf) =	vpush v0, $0xB;
	_ =	sdelay $0x7  }
0x99: {  	s8 =	spop (v2sf);
	(v2sf) =	vpush v0, $0xC;
	_ =	sdelay $0x1  }
0x9a: {  	s13 =	spop (v2sf);
	(v2sf) =	vpush v0, $0xD  }
0x9b: {  	s0 =	sand.u32 $0x1FFFFFF0, s8  }
0x9c: {  	s11 =	simm.s32 $0x6200;
	s0 =	sadd.s32 s5, s0;
	s17 =	spop (v2sf)  }
0x9d: {  	(v2sf) =	vpush v0, $0xE;
	[tilespmem:s11], [sflag:$0x4] =	stream.linear.gather [hbm4b:s0+s3], $0x80, $0x38;
	[tilespmem:$0x12E00] =	vst v63  }
0x9e: {  	s0 =	sand.u32 $0x1FFFFFF0, s13  }
0x9f: {  	s15 =	simm.s32 $0x6280;
	s20 =	spop (v2sf);
	s0 =	sadd.s32 s5, s0  }
0xa0: {  	(v2sf) =	vpush v0, $0xF;
	[tilespmem:s15], [sflag:$0x4] =	stream.linear.gather [hbm4b:s0+s3], $0x80, $0x38;
	[tilespmem:$0x12E00] =	vst v63  }
0xa1: {  	s0 =	sand.u32 $0x1FFFFFF0, s17  }
0xa2: {  	s19 =	simm.s32 $0x6300;
	s0 =	sadd.s32 s5, s0  }
0xa3: {  	[tilespmem:s19], [sflag:$0x4] =	stream.linear.gather [hbm4b:s0+s3], $0x80, $0x38;
	[tilespmem:$0x12E00] =	vst v63  }
0xa4: {  	s0 =	sand.u32 $0x1FFFFFF0, s20  }
0xa5: {  	s21 =	simm.s32 $0x6380;
	s0 =	sadd.s32 s5, s0  }
0xa6: {  	[tilespmem:s21], [sflag:$0x4] =	stream.linear.gather [hbm4b:s0+s3], $0x80, $0x38;
	[tilespmem:$0x12E00] =	vst v63  }
0xa7: {  	s22 =	spop (v2sf)  }
0xa8: {  	s0 =	sand.u32 $0x1FFFFFF0, s22  }
0xa9: {  	s23 =	simm.s32 $0x6400;
	s24 =	spop (v2sf);
	s0 =	sadd.s32 s5, s0  }
0xaa: {  	[tilespmem:s23], [sflag:$0x4] =	stream.linear.gather [hbm4b:s0+s3], $0x80, $0x38;
	[tilespmem:$0x12E00] =	vst v63  }
0xab: {  	p0 =	seq.s32 s16, $0xF;
	s0 =	sand.u32 $0x1FFFFFF0, s24  }
0xac: {  	s25 =	simm.s32 $0x6480;
	s26 =	spop (v2sf);
	s0 =	sadd.s32 s5, s0  }
0xad: {  	[tilespmem:s25], [sflag:$0x4] =	stream.linear.gather [hbm4b:s0+s3], $0x80, $0x38;
	[tilespmem:$0x12E00] =	vst v63  }
0xae: {  	p2 =	seq.s32 @!p0 s16, $0x0;
	s0 =	sand.u32 $0x1FFFFFF0, s26  }
0xaf: {  	s29 =	simm.s32 $0x6500;
	s30 =	spop (v2sf);
	s0 =	sadd.s32 s5, s0  }
0xb0: {  	[tilespmem:s29], [sflag:$0x4] =	stream.linear.gather [hbm4b:s0+s3], $0x80, $0x38;
	[tilespmem:$0x12E00] =	vst v63  }
0xb1: {  	p2 =	por p0, !p2;
	s0 =	sand.u32 $0x1FFFFFF0, s30  }
0xb2: {  	s31 =	simm.s32 $0x6580;
	s8 =	smul.u32 @!p0 $0x190, s16;
	s0 =	sadd.s32 s5, s0  }
0xb3: {  	[tilespmem:s31], [sflag:$0x4] =	stream.linear.gather [hbm4b:s0+s3], $0x80, $0x38;
	[tilespmem:$0x12E00] =	vst v63  }
.Ltmp1:
0xb4: {  	s0 =	rddreg [dreg:$0x6];
	(pc) =	sbr.rel @!p2 .LBB2_8-.Ltmp1, $4  }
0xb5: {  	s0 =	sadd.s32 @!p0 s8, s0  }
0xb6: {  	s0 =	sshrl.u32 @!p0 s0, $0x3  }
0xb7: {  	s1 =	simm.s32 @!p0 $0x0;
	s0 =	sadd.s32 @!p0 s10, s0  }
0xb8: {  	[tilespmem:s1], [sflag:$0x2] =	stream.linear.gather @!p0 [hbm4b:s0+s1], $0xC8, $0x38;
	[tilespmem:$0x12E00] =	vst v63  }
0xb9: {  	_ =	swait.ge [sflag:s14], $0x6400  }
0xba: {  	[sflag:s14] =	ssyncset.done $0x0  }
0xbb: {  	s0 =	simm.s32 $0x0;
	[sflag:s14] =	ssyncadd.s32 $0xFFFF9C00  }
0xbc: {  	v1 =	vld [tilespmem:s0+$0xCA00]  }
0xbd: {  	v0 =	vld [tilespmem:s0+$0xCA10]  }
0xbe: {  	v3 =	vld [tilespmem:s0+$0x6600]  }
0xbf: {  	v4 =	vld [tilespmem:s0+$0x6610]  }
0xc0: {  	s19 =	simm.s32 $0x200;
	v2 =	vld [tilespmem:s0+$0x6620]  }
.LBB2_6:
0xc1: {  	p2 =	sne.s32 s19, $0x18E00;
	v5 =	vld [tilespmem:s0+$0x6630]  }
0xc2: {  	v6 =	vld [tilespmem:s0+$0xCA20]  }
0xc3: {  	v3 =	vmul.f32 $8.000000000e+00, v3;
	v7 =	vld [tilespmem:s0+$0xCA30]  }
0xc4: {  	v4 =	vmul.f32 $8.000000000e+00, v4  }
0xc5: {  	s1 =	sshra.s32 s19, $0x2;
	v3 =	vadd.f32 v1, v3;
	v2 =	vmul.f32 $8.000000000e+00, v2  }
.Ltmp2:
0xc6: {  	v1 =	vld [tilespmem:s1+$0xCA00];
	v4 =	vadd.f32 v0, v4;
	v5 =	vmul.f32 $8.000000000e+00, v5;
	(pc) =	sbr.rel @p2 .LBB2_6-.Ltmp2, $4  }
0xc7: {  	v0 =	vld [tilespmem:s1+$0xCA10];
	[tilespmem:s0+$0x6600] =	vst v3;
	v2 =	vadd.f32 v6, v2  }
0xc8: {  	v3 =	vld [tilespmem:s1+$0x6600];
	[tilespmem:s0+$0x6610] =	vst v4;
	v5 =	vadd.f32 v7, v5  }
0xc9: {  	v4 =	vld [tilespmem:s1+$0x6610];
	[tilespmem:s0+$0x6620] =	vst v2  }
0xca: {  	s19 =	sadd.s32 $0x200, s19;
	v2 =	vld [tilespmem:s1+$0x6620];
	[tilespmem:s0+$0x6630] =	vst v5;
	s0 =	smov.u32 s1  }
0xcb: {  	v5 =	vld [tilespmem:s0+$0x6630]  }
0xcc: {  	v6 =	vld [tilespmem:s0+$0xCA20]  }
0xcd: {  	v7 =	vld [tilespmem:s0+$0xCA30];
	v3 =	vmul.f32 $8.000000000e+00, v3  }
0xce: {  	v4 =	vmul.f32 $8.000000000e+00, v4  }
0xcf: {  	v1 =	vadd.f32 v1, v3;
	v2 =	vmul.f32 $8.000000000e+00, v2  }
0xd0: {  	s1 =	smul.u32 $0x190, s16;
	v0 =	vadd.f32 v0, v4;
	v61 =	vmul.f32 $8.000000000e+00, v5  }
0xd1: {  	s2 =	rddreg [dreg:$0x7];
	[tilespmem:s0+$0x6600] =	vst v1;
	v62 =	vadd.f32 v6, v2  }
0xd2: {  	s1 =	sadd.s32 s1, s2;
	[tilespmem:s0+$0x6610] =	vst v0;
	v63 =	vadd.f32 v7, v61  }
0xd3: {  	s1 =	sshll.u32 s1, $0x4;
	[tilespmem:s0+$0x6620] =	vst v62  }
0xd4: {  	s31 =	simm.s32 $0x6600;
	s30 =	sadd.s32 s7, s1;
	[tilespmem:s0+$0x6630] =	vst v63;
	s0 =	simm.s32 @!p1 $0x7  }
0xd5: {  	[hbm4b:s30+s3] =	stream.linear.scatter [tilespmem:s31], [sflag:$0x7], $0x6400, $0x38;
	[tilespmem:$0x12E00] =	vst v63  }
0xd6: {  	_ =	swait.ge @!p1 [sflag:s0], $0x6400  }
0xd7: {  	[sflag:s0] =	ssyncset.done @!p1 $0x0  }
0xd8: {  	[sflag:s0] =	ssyncadd.s32 @!p1 $0xFFFF9C00  }
.LBB2_8:
0xd9: {  	_ =	swait.ge [sflag:s28], $0xC8  }
0xda: {  	[sflag:s28] =	ssyncset.done $0x0  }
0xdb: {  	s20 =	simm.s32 $0x100;
	[sflag:s28] =	ssyncadd.s32 $0xFFFFFF38  }
0xdc: {  	v0 =	vld [tilespmem:s20+$0x0];
	_ =	sdelay $0x4  }
0xdd: {  	v0 =	vshll.u32 v0, $0x4  }
0xde: {  	(v2sf) =	vpush v0, $0x0  }
0xdf: {  	(v2sf) =	vpush v0, $0x1  }
0xe0: {  	(v2sf) =	vpush v0, $0x2;
	_ =	sdelay $0x1  }
0xe1: {  	(v2sf) =	vpush v0, $0x4;
	_ =	sdelay $0x1  }
0xe2: {  	(v2sf) =	vpush v0, $0x3  }
0xe3: {  	(v2sf) =	vpush v0, $0x5  }
0xe4: {  	s21 =	simm.s32 $0x2000;
	s19 =	simm.s32 $0x0;
	(v2sf) =	vpush v0, $0x6  }
.LBB2_9:
0xe5: {  	p1 =	sne.s32 s21, $0x16000  }
0xe6: {  	s1 =	sadd.s32 $0x6680, s19;
	s25 =	sadd.s32 $0x6B80, s19;
	s22 =	smov.u32 s21  }
0xe7: {  	s21 =	sadd.s32 $0x2000, s21;
	s30 =	sadd.s32 $0x6980, s19;
	s23 =	sadd.s32 $0x6C00, s19;
	(v2sf) =	vpush v0, $0x7  }
0xe8: {  	s0 =	sadd.s32 $0x6880, s19;
	s29 =	sadd.s32 $0x6A00, s19;
	s24 =	sadd.s32 $0x6C80, s19  }
0xe9: {  	s2 =	sadd.s32 $0x6600, s19;
	s6 =	sadd.s32 $0x6800, s19;
	(v2sf) =	vpush v0, $0x8  }
0xea: {  	s11 =	sadd.s32 $0x6900, s19;
	s20 =	sadd.s32 $0x10, s20  }
0xeb: {  	s13 =	sadd.s32 $0x6700, s19;
	s26 =	sadd.s32 $0x6B00, s19;
	s15 =	spop (v2sf);
	(v2sf) =	vpush v0, $0x9  }
0xec: {  	s31 =	sadd.s32 $0x6A80, s19;
	s15 =	sand.u32 $0x1FFFFFF0, s15;
	s17 =	spop (v2sf)  }
0xed: {  	s15 =	sadd.s32 s5, s15;
	s17 =	sand.u32 $0x1FFFFFF0, s17;
	s4 =	spop (v2sf);
	(v2sf) =	vpush v0, $0xA  }
0xee: {  	[tilespmem:s2], [sflag:$0x5] =	stream.linear.gather [hbm4b:s15+s3], $0x80, $0x38;
	[tilespmem:$0x12E00] =	vst v63  }
0xef: {  	s2 =	sadd.s32 s5, s17;
	s15 =	sadd.s32 $0x6780, s19;
	s17 =	spop (v2sf);
	(v2sf) =	vpush v0, $0xB  }
0xf0: {  	[tilespmem:s1], [sflag:$0x5] =	stream.linear.gather [hbm4b:s2+s3], $0x80, $0x38;
	[tilespmem:$0x12E00] =	vst v63  }
0xf1: {  	s1 =	sand.u32 $0x1FFFFFF0, s4;
	s2 =	sand.u32 $0x1FFFFFF0, s17;
	s4 =	spop (v2sf);
	(v2sf) =	vpush v0, $0xC  }
0xf2: {  	s1 =	sadd.s32 s5, s1;
	s4 =	sand.u32 $0x1FFFFFF0, s4;
	s17 =	spop (v2sf)  }
0xf3: {  	[tilespmem:s13], [sflag:$0x5] =	stream.linear.gather [hbm4b:s1+s3], $0x80, $0x38;
	(v2sf) =	vpush v0, $0xD;
	[tilespmem:$0x12E00] =	vst v63  }
0xf4: {  	s1 =	sadd.s32 s5, s4;
	s4 =	sand.u32 $0x1FFFFFF0, s17;
	s13 =	spop (v2sf)  }
0xf5: {  	[tilespmem:s15], [sflag:$0x5] =	stream.linear.gather [hbm4b:s1+s3], $0x80, $0x38;
	(v2sf) =	vpush v0, $0xE;
	[tilespmem:$0x12E00] =	vst v63  }
0xf6: {  	s1 =	sadd.s32 s5, s2;
	s2 =	sand.u32 $0x1FFFFFF0, s13;
	s13 =	spop (v2sf)  }
0xf7: {  	[tilespmem:s6], [sflag:$0x5] =	stream.linear.gather [hbm4b:s1+s3], $0x80, $0x38;
	(v2sf) =	vpush v0, $0xF;
	[tilespmem:$0x12E00] =	vst v63  }
0xf8: {  	s1 =	sadd.s32 s5, s4;
	s4 =	sand.u32 $0x1FFFFFF0, s13;
	s6 =	spop (v2sf)  }
0xf9: {  	[tilespmem:s0], [sflag:$0x5] =	stream.linear.gather [hbm4b:s1+s3], $0x80, $0x38;
	[tilespmem:$0x12E00] =	vst v63  }
0xfa: {  	s0 =	sadd.s32 s5, s2;
	s1 =	sand.u32 $0x1FFFFFF0, s6;
	s2 =	spop (v2sf)  }
0xfb: {  	[tilespmem:s11], [sflag:$0x5] =	stream.linear.gather [hbm4b:s0+s3], $0x80, $0x38;
	[tilespmem:$0x12E00] =	vst v63  }
0xfc: {  	s0 =	sadd.s32 s5, s4;
	s2 =	sand.u32 $0x1FFFFFF0, s2;
	s4 =	spop (v2sf)  }
0xfd: {  	[tilespmem:s30], [sflag:$0x5] =	stream.linear.gather [hbm4b:s0+s3], $0x80, $0x38;
	[tilespmem:$0x12E00] =	vst v63  }
0xfe: {  	s0 =	sadd.s32 s5, s1;
	s1 =	sand.u32 $0x1FFFFFF0, s4;
	s4 =	spop (v2sf)  }
0xff: {  	[tilespmem:s29], [sflag:$0x5] =	stream.linear.gather [hbm4b:s0+s3], $0x80, $0x38;
	[tilespmem:$0x12E00] =	vst v63  }
0x100: {  	s0 =	sadd.s32 s5, s2;
	s2 =	sand.u32 $0x1FFFFFF0, s4;
	s4 =	spop (v2sf)  }
0x101: {  	[tilespmem:s31], [sflag:$0x5] =	stream.linear.gather [hbm4b:s0+s3], $0x80, $0x38;
	[tilespmem:$0x12E00] =	vst v63  }
0x102: {  	s0 =	sadd.s32 s5, s1;
	s1 =	sand.u32 $0x1FFFFFF0, s4;
	s4 =	spop (v2sf)  }
0x103: {  	[tilespmem:s26], [sflag:$0x5] =	stream.linear.gather [hbm4b:s0+s3], $0x80, $0x38;
	[tilespmem:$0x12E00] =	vst v63  }
0x104: {  	s0 =	sadd.s32 s5, s2;
	s2 =	sand.u32 $0x1FFFFFF0, s4;
	s4 =	spop (v2sf)  }
0x105: {  	[tilespmem:s25], [sflag:$0x5] =	stream.linear.gather [hbm4b:s0+s3], $0x80, $0x38;
	[tilespmem:$0x12E00] =	vst v63  }
0x106: {  	s0 =	sadd.s32 s5, s1;
	s1 =	sand.u32 $0x1FFFFFF0, s4;
	s4 =	spop (v2sf)  }
0x107: {  	[tilespmem:s23], [sflag:$0x5] =	stream.linear.gather [hbm4b:s0+s3], $0x80, $0x38;
	[tilespmem:$0x12E00] =	vst v63  }
0x108: {  	s0 =	sadd.s32 s5, s2;
	s2 =	sand.u32 $0x1FFFFFF0, s4  }
0x109: {  	[tilespmem:s24], [sflag:$0x5] =	stream.linear.gather [hbm4b:s0+s3], $0x80, $0x38;
	[tilespmem:$0x12E00] =	vst v63  }
0x10a: {  	s1 =	sadd.s32 s5, s1;
	s0 =	sadd.s32 $0x6D00, s19  }
0x10b: {  	[tilespmem:s0], [sflag:$0x5] =	stream.linear.gather [hbm4b:s1+s3], $0x80, $0x38;
	[tilespmem:$0x12E00] =	vst v63  }
0x10c: {  	s0 =	sadd.s32 $0x6D80, s19;
	s1 =	sadd.s32 s5, s2  }
0x10d: {  	[tilespmem:s0], [sflag:$0x5] =	stream.linear.gather [hbm4b:s1+s3], $0x80, $0x38;
	[tilespmem:$0x12E00] =	vst v63  }
0x10e: {  	v0 =	vld [tilespmem:s20+$0x0];
	_ =	sdelay $0x4  }
0x10f: {  	v0 =	vshll.u32 v0, $0x4  }
0x110: {  	(v2sf) =	vpush v0, $0x0  }
0x111: {  	(v2sf) =	vpush v0, $0x1  }
0x112: {  	(v2sf) =	vpush v0, $0x2;
	_ =	sdelay $0x1  }
0x113: {  	(v2sf) =	vpush v0, $0x4  }
.Ltmp3:
0x114: {  	(pc) =	sbr.rel @p1 .LBB2_9-.Ltmp3, $3  }
0x115: {  	(v2sf) =	vpush v0, $0x3  }
0x116: {  	(v2sf) =	vpush v0, $0x5;
	_ =	sdelay $0x1  }
0x117: {  	s19 =	sshra.s32 s22, $0x2;
	(v2sf) =	vpush v0, $0x6  }
0x118: {  	_ =	sdelay $0x5  }
0x119: {  	s0 =	spop (v2sf)  }
0x11a: {  	s1 =	spop (v2sf)  }
0x11b: {  	s20 =	spop (v2sf)  }
0x11c: {  	s23 =	spop (v2sf);
	(v2sf) =	vpush v0, $0x7  }
0x11d: {  	s0 =	sand.u32 $0x1FFFFFF0, s0  }
0x11e: {  	s2 =	sadd.s32 $0x6600, s19;
	s0 =	sadd.s32 s5, s0  }
0x11f: {  	[tilespmem:s2], [sflag:$0x5] =	stream.linear.gather [hbm4b:s0+s3], $0x80, $0x38;
	[tilespmem:$0x12E00] =	vst v63  }
0x120: {  	s1 =	sand.u32 $0x1FFFFFF0, s1;
	s24 =	spop (v2sf);
	(v2sf) =	vpush v0, $0x8  }
0x121: {  	s17 =	sadd.s32 $0x6680, s19;
	s1 =	sadd.s32 s5, s1  }
0x122: {  	[tilespmem:s17], [sflag:$0x5] =	stream.linear.gather [hbm4b:s1+s3], $0x80, $0x38;
	[tilespmem:$0x12E00] =	vst v63  }
0x123: {  	s21 =	sand.u32 $0x1FFFFFF0, s20;
	s30 =	spop (v2sf);
	(v2sf) =	vpush v0, $0x9  }
0x124: {  	s22 =	sadd.s32 $0x6700, s19;
	s0 =	sadd.s32 s5, s21  }
0x125: {  	[tilespmem:s22], [sflag:$0x5] =	stream.linear.gather [hbm4b:s0+s3], $0x80, $0x38;
	[tilespmem:$0x12E00] =	vst v63  }
0x126: {  	s0 =	sand.u32 $0x1FFFFFF0, s24;
	s1 =	spop (v2sf);
	(v2sf) =	vpush v0, $0xA  }
0x127: {  	s25 =	sadd.s32 $0x6780, s19;
	s26 =	sand.u32 $0x1FFFFFF0, s23;
	s0 =	sadd.s32 s5, s0  }
0x128: {  	[tilespmem:s25], [sflag:$0x5] =	stream.linear.gather [hbm4b:s0+s3], $0x80, $0x38;
	[tilespmem:$0x12E00] =	vst v63  }
0x129: {  	s29 =	sadd.s32 $0x6800, s19;
	s0 =	sadd.s32 s5, s26  }
0x12a: {  	[tilespmem:s29], [sflag:$0x5] =	stream.linear.gather [hbm4b:s0+s3], $0x80, $0x38;
	[tilespmem:$0x12E00] =	vst v63  }
0x12b: {  	s0 =	sand.u32 $0x1FFFFFF0, s30;
	s4 =	spop (v2sf);
	(v2sf) =	vpush v0, $0xB  }
0x12c: {  	s31 =	sadd.s32 $0x6880, s19;
	s0 =	sadd.s32 s5, s0  }
0x12d: {  	[tilespmem:s31], [sflag:$0x5] =	stream.linear.gather [hbm4b:s0+s3], $0x80, $0x38;
	[tilespmem:$0x12E00] =	vst v63  }
0x12e: {  	s0 =	sand.u32 $0x1FFFFFF0, s1  }
0x12f: {  	s2 =	sadd.s32 $0x6900, s19;
	s0 =	sadd.s32 s5, s0;
	s11 =	spop (v2sf);
	(v2sf) =	vpush v0, $0xC  }
0x130: {  	[tilespmem:s2], [sflag:$0x5] =	stream.linear.gather [hbm4b:s0+s3], $0x80, $0x38;
	[tilespmem:$0x12E00] =	vst v63  }
0x131: {  	s0 =	sand.u32 $0x1FFFFFF0, s4  }
0x132: {  	s6 =	sadd.s32 $0x6980, s19;
	s0 =	sadd.s32 s5, s0;
	s15 =	spop (v2sf);
	(v2sf) =	vpush v0, $0xD  }
0x133: {  	[tilespmem:s6], [sflag:$0x5] =	stream.linear.gather [hbm4b:s0+s3], $0x80, $0x38;
	[tilespmem:$0x12E00] =	vst v63  }
0x134: {  	s0 =	sand.u32 $0x1FFFFFF0, s11  }
0x135: {  	s13 =	sadd.s32 $0x6A00, s19;
	s0 =	sadd.s32 s5, s0;
	s20 =	spop (v2sf);
	(v2sf) =	vpush v0, $0xE  }
0x136: {  	[tilespmem:s13], [sflag:$0x5] =	stream.linear.gather [hbm4b:s0+s3], $0x80, $0x38;
	[tilespmem:$0x12E00] =	vst v63  }
0x137: {  	s0 =	sand.u32 $0x1FFFFFF0, s15  }
0x138: {  	s17 =	sadd.s32 $0x6A80, s19;
	s0 =	sadd.s32 s5, s0  }
0x139: {  	[tilespmem:s17], [sflag:$0x5] =	stream.linear.gather [hbm4b:s0+s3], $0x80, $0x38;
	[tilespmem:$0x12E00] =	vst v63  }
0x13a: {  	s0 =	sand.u32 $0x1FFFFFF0, s20;
	s22 =	spop (v2sf);
	(v2sf) =	vpush v0, $0xF  }
0x13b: {  	s21 =	sadd.s32 $0x6B00, s19;
	s0 =	sadd.s32 s5, s0  }
0x13c: {  	[tilespmem:s21], [sflag:$0x5] =	stream.linear.gather [hbm4b:s0+s3], $0x80, $0x38;
	[tilespmem:$0x12E00] =	vst v63  }
0x13d: {  	s0 =	sand.u32 $0x1FFFFFF0, s22  }
0x13e: {  	s23 =	sadd.s32 $0x6B80, s19;
	s0 =	sadd.s32 s5, s0;
	s24 =	spop (v2sf)  }
0x13f: {  	[tilespmem:s23], [sflag:$0x5] =	stream.linear.gather [hbm4b:s0+s3], $0x80, $0x38;
	[tilespmem:$0x12E00] =	vst v63  }
0x140: {  	s0 =	sand.u32 $0x1FFFFFF0, s24  }
0x141: {  	s25 =	sadd.s32 $0x6C00, s19;
	s26 =	spop (v2sf);
	s0 =	sadd.s32 s5, s0  }
0x142: {  	[tilespmem:s25], [sflag:$0x5] =	stream.linear.gather [hbm4b:s0+s3], $0x80, $0x38;
	[tilespmem:$0x12E00] =	vst v63  }
0x143: {  	s0 =	sand.u32 $0x1FFFFFF0, s26  }
0x144: {  	s29 =	sadd.s32 $0x6C80, s19;
	s30 =	spop (v2sf);
	s0 =	sadd.s32 s5, s0  }
0x145: {  	[tilespmem:s29], [sflag:$0x5] =	stream.linear.gather [hbm4b:s0+s3], $0x80, $0x38;
	[tilespmem:$0x12E00] =	vst v63  }
0x146: {  	s0 =	sand.u32 $0x1FFFFFF0, s30  }
0x147: {  	s31 =	sadd.s32 $0x6D00, s19;
	s0 =	sadd.s32 s5, s0  }
0x148: {  	[tilespmem:s31], [sflag:$0x5] =	stream.linear.gather [hbm4b:s0+s3], $0x80, $0x38;
	[tilespmem:$0x12E00] =	vst v63  }
0x149: {  	s2 =	spop (v2sf)  }
0x14a: {  	s0 =	sand.u32 $0x1FFFFFF0, s2  }
0x14b: {  	s4 =	sadd.s32 $0x6D80, s19;
	s0 =	sadd.s32 s5, s0  }
0x14c: {  	[tilespmem:s4], [sflag:$0x5] =	stream.linear.gather [hbm4b:s0+s3], $0x80, $0x38;
	[tilespmem:$0x12E00] =	vst v63  }
0x14d: {  	v0 =	vld [tilespmem:$0x1B8];
	_ =	sdelay $0x4  }
0x14e: {  	v0 =	vshll.u32 v0, $0x4  }
0x14f: {  	(v2sf) =	vpush v0, $0x8;
	_ =	sdelay $0x1  }
0x150: {  	(v2sf) =	vpush v0, $0x9;
	_ =	sdelay $0x1  }
0x151: {  	(v2sf) =	vpush v0, $0xA;
	_ =	sdelay $0x2  }
0x152: {  	(v2sf) =	vpush v0, $0xB;
	_ =	sdelay $0x7  }
0x153: {  	s6 =	spop (v2sf);
	(v2sf) =	vpush v0, $0xC;
	_ =	sdelay $0x1  }
0x154: {  	s13 =	spop (v2sf);
	(v2sf) =	vpush v0, $0xD  }
0x155: {  	s0 =	sand.u32 $0x1FFFFFF0, s6  }
0x156: {  	s11 =	simm.s32 $0xC600;
	s0 =	sadd.s32 s5, s0;
	s17 =	spop (v2sf)  }
0x157: {  	(v2sf) =	vpush v0, $0xE;
	[tilespmem:s11], [sflag:$0x5] =	stream.linear.gather [hbm4b:s0+s3], $0x80, $0x38;
	[tilespmem:$0x12E00] =	vst v63  }
0x158: {  	s0 =	sand.u32 $0x1FFFFFF0, s13  }
0x159: {  	s15 =	simm.s32 $0xC680;
	s20 =	spop (v2sf);
	s0 =	sadd.s32 s5, s0  }
0x15a: {  	(v2sf) =	vpush v0, $0xF;
	[tilespmem:s15], [sflag:$0x5] =	stream.linear.gather [hbm4b:s0+s3], $0x80, $0x38;
	[tilespmem:$0x12E00] =	vst v63  }
0x15b: {  	s0 =	sand.u32 $0x1FFFFFF0, s17  }
0x15c: {  	s19 =	simm.s32 $0xC700;
	s0 =	sadd.s32 s5, s0  }
0x15d: {  	[tilespmem:s19], [sflag:$0x5] =	stream.linear.gather [hbm4b:s0+s3], $0x80, $0x38;
	[tilespmem:$0x12E00] =	vst v63  }
0x15e: {  	s0 =	sand.u32 $0x1FFFFFF0, s20  }
0x15f: {  	s21 =	simm.s32 $0xC780;
	s0 =	sadd.s32 s5, s0  }
0x160: {  	[tilespmem:s21], [sflag:$0x5] =	stream.linear.gather [hbm4b:s0+s3], $0x80, $0x38;
	[tilespmem:$0x12E00] =	vst v63  }
0x161: {  	s22 =	spop (v2sf)  }
0x162: {  	s0 =	sand.u32 $0x1FFFFFF0, s22  }
0x163: {  	s23 =	simm.s32 $0xC800;
	s24 =	spop (v2sf);
	s0 =	sadd.s32 s5, s0  }
0x164: {  	[tilespmem:s23], [sflag:$0x5] =	stream.linear.gather [hbm4b:s0+s3], $0x80, $0x38;
	[tilespmem:$0x12E00] =	vst v63  }
0x165: {  	s0 =	sand.u32 $0x1FFFFFF0, s24  }
0x166: {  	s25 =	simm.s32 $0xC880;
	s26 =	spop (v2sf);
	s0 =	sadd.s32 s5, s0  }
0x167: {  	[tilespmem:s25], [sflag:$0x5] =	stream.linear.gather [hbm4b:s0+s3], $0x80, $0x38;
	[tilespmem:$0x12E00] =	vst v63  }
0x168: {  	s0 =	sand.u32 $0x1FFFFFF0, s26  }
0x169: {  	s29 =	simm.s32 $0xC900;
	s30 =	spop (v2sf);
	s0 =	sadd.s32 s5, s0  }
0x16a: {  	[tilespmem:s29], [sflag:$0x5] =	stream.linear.gather [hbm4b:s0+s3], $0x80, $0x38;
	[tilespmem:$0x12E00] =	vst v63  }
0x16b: {  	s0 =	sand.u32 $0x1FFFFFF0, s30  }
0x16c: {  	s31 =	simm.s32 $0xC980;
	s0 =	sadd.s32 s5, s0  }
0x16d: {  	[tilespmem:s31], [sflag:$0x5] =	stream.linear.gather [hbm4b:s0+s3], $0x80, $0x38;
	[tilespmem:$0x12E00] =	vst v63  }
0x16e: {  	s0 =	rddreg [dreg:$0x8]  }
0x16f: {  	s0 =	sadd.s32 @!p0 s8, s0  }
0x170: {  	s0 =	sshrl.u32 @!p0 s0, $0x3  }
0x171: {  	s1 =	simm.s32 @!p0 $0x0;
	s2 =	simm.s32 @!p0 $0x100;
	s0 =	sadd.s32 @!p0 s10, s0  }
0x172: {  	[tilespmem:s2], [sflag:$0x3] =	stream.linear.gather @!p0 [hbm4b:s0+s1], $0xC8, $0x38;
	[tilespmem:$0x12E00] =	vst v63  }
0x173: {  	_ =	swait.ge [sflag:s9], $0x6400  }
0x174: {  	[sflag:s9] =	ssyncset.done $0x0  }
0x175: {  	s0 =	simm.s32 $0x0;
	[sflag:s9] =	ssyncadd.s32 $0xFFFF9C00  }
0x176: {  	v1 =	vld [tilespmem:s0+$0xCA00]  }
0x177: {  	v0 =	vld [tilespmem:s0+$0xCA10]  }
0x178: {  	v3 =	vld [tilespmem:s0+$0x200]  }
0x179: {  	v4 =	vld [tilespmem:s0+$0x210]  }
0x17a: {  	s8 =	simm.s32 $0x200;
	v2 =	vld [tilespmem:s0+$0x220]  }
.LBB2_11:
0x17b: {  	p0 =	sne.s32 s8, $0x18E00;
	v5 =	vld [tilespmem:s0+$0x230]  }
0x17c: {  	v6 =	vld [tilespmem:s0+$0xCA20]  }
0x17d: {  	v3 =	vmul.f32 $8.000000000e+00, v3;
	v7 =	vld [tilespmem:s0+$0xCA30]  }
0x17e: {  	v4 =	vmul.f32 $8.000000000e+00, v4  }
0x17f: {  	s1 =	sshra.s32 s8, $0x2;
	v3 =	vadd.f32 v1, v3;
	v2 =	vmul.f32 $8.000000000e+00, v2  }
.Ltmp4:
0x180: {  	v1 =	vld [tilespmem:s1+$0xCA00];
	v4 =	vadd.f32 v0, v4;
	v5 =	vmul.f32 $8.000000000e+00, v5;
	(pc) =	sbr.rel @p0 .LBB2_11-.Ltmp4, $4  }
0x181: {  	v0 =	vld [tilespmem:s1+$0xCA10];
	[tilespmem:s0+$0x200] =	vst v3;
	v2 =	vadd.f32 v6, v2  }
0x182: {  	v3 =	vld [tilespmem:s1+$0x200];
	[tilespmem:s0+$0x210] =	vst v4;
	v5 =	vadd.f32 v7, v5  }
0x183: {  	v4 =	vld [tilespmem:s1+$0x210];
	[tilespmem:s0+$0x220] =	vst v2  }
0x184: {  	s8 =	sadd.s32 $0x200, s8;
	v2 =	vld [tilespmem:s1+$0x220];
	[tilespmem:s0+$0x230] =	vst v5;
	s0 =	smov.u32 s1  }
0x185: {  	v5 =	vld [tilespmem:s0+$0x230]  }
0x186: {  	v6 =	vld [tilespmem:s0+$0xCA20]  }
0x187: {  	v7 =	vld [tilespmem:s0+$0xCA30];
	v3 =	vmul.f32 $8.000000000e+00, v3  }
0x188: {  	v4 =	vmul.f32 $8.000000000e+00, v4  }
0x189: {  	s1 =	smul.u32 $0x190, s16;
	s16 =	sadd.s32 $0x1, s16;
	v1 =	vadd.f32 v1, v3;
	v2 =	vmul.f32 $8.000000000e+00, v2  }
0x18a: {  	p0 =	sne.s32 s16, $0x10;
	v0 =	vadd.f32 v0, v4;
	v61 =	vmul.f32 $8.000000000e+00, v5  }
.Ltmp5:
0x18b: {  	[tilespmem:s0+$0x200] =	vst v1;
	v62 =	vadd.f32 v6, v2;
	(pc) =	sbr.rel @p0 .LBB2_2-.Ltmp5, $4  }
0x18c: {  	s1 =	sadd.s32 s12, s1;
	[tilespmem:s0+$0x210] =	vst v0;
	v63 =	vadd.f32 v7, v61  }
0x18d: {  	s1 =	sshll.u32 s1, $0x4;
	[tilespmem:s0+$0x220] =	vst v62  }
0x18e: {  	s31 =	simm.s32 $0x200;
	s30 =	sadd.s32 s7, s1;
	[tilespmem:s0+$0x230] =	vst v63  }
0x18f: {  	[hbm4b:s30+s3] =	stream.linear.scatter [tilespmem:s31], [sflag:$0x6], $0x6400, $0x38;
	[tilespmem:$0x12E00] =	vst v63  }
0x190: {  	_ =	swait.ge [sflag:s14], $0x6400  }
0x191: {  	[sflag:s14] =	ssyncset.done $0x0  }
0x192: {  	s0 =	simm.s32 $0x0;
	[sflag:s14] =	ssyncadd.s32 $0xFFFF9C00  }
0x193: {  	v1 =	vld [tilespmem:s0+$0xCA00]  }
0x194: {  	v0 =	vld [tilespmem:s0+$0xCA10]  }
0x195: {  	v3 =	vld [tilespmem:s0+$0x6600]  }
0x196: {  	v4 =	vld [tilespmem:s0+$0x6610]  }
0x197: {  	s8 =	simm.s32 $0x200;
	v2 =	vld [tilespmem:s0+$0x6620]  }
.LBB2_14:
0x198: {  	p0 =	sne.s32 s8, $0x18E00;
	v5 =	vld [tilespmem:s0+$0x6630]  }
0x199: {  	v6 =	vld [tilespmem:s0+$0xCA20]  }
0x19a: {  	v3 =	vmul.f32 $8.000000000e+00, v3;
	v7 =	vld [tilespmem:s0+$0xCA30]  }
0x19b: {  	v4 =	vmul.f32 $8.000000000e+00, v4  }
0x19c: {  	s1 =	sshra.s32 s8, $0x2;
	v3 =	vadd.f32 v1, v3;
	v2 =	vmul.f32 $8.000000000e+00, v2  }
.Ltmp6:
0x19d: {  	v1 =	vld [tilespmem:s1+$0xCA00];
	v4 =	vadd.f32 v0, v4;
	v5 =	vmul.f32 $8.000000000e+00, v5;
	(pc) =	sbr.rel @p0 .LBB2_14-.Ltmp6, $4  }
0x19e: {  	v0 =	vld [tilespmem:s1+$0xCA10];
	[tilespmem:s0+$0x6600] =	vst v3;
	v2 =	vadd.f32 v6, v2  }
0x19f: {  	v3 =	vld [tilespmem:s1+$0x6600];
	[tilespmem:s0+$0x6610] =	vst v4;
	v5 =	vadd.f32 v7, v5  }
0x1a0: {  	v4 =	vld [tilespmem:s1+$0x6610];
	[tilespmem:s0+$0x6620] =	vst v2  }
0x1a1: {  	s8 =	sadd.s32 $0x200, s8;
	v2 =	vld [tilespmem:s1+$0x6620];
	[tilespmem:s0+$0x6630] =	vst v5;
	s0 =	smov.u32 s1  }
0x1a2: {  	v5 =	vld [tilespmem:s0+$0x6630]  }
0x1a3: {  	v6 =	vld [tilespmem:s0+$0xCA20]  }
0x1a4: {  	v7 =	vld [tilespmem:s0+$0xCA30];
	v3 =	vmul.f32 $8.000000000e+00, v3  }
0x1a5: {  	v4 =	vmul.f32 $8.000000000e+00, v4  }
0x1a6: {  	v1 =	vadd.f32 v1, v3;
	v2 =	vmul.f32 $8.000000000e+00, v2  }
0x1a7: {  	v0 =	vadd.f32 v0, v4;
	v61 =	vmul.f32 $8.000000000e+00, v5  }
0x1a8: {  	[tilespmem:s0+$0x6600] =	vst v1;
	v62 =	vadd.f32 v6, v2  }
0x1a9: {  	[tilespmem:s0+$0x6610] =	vst v0;
	v63 =	vadd.f32 v7, v61  }
0x1aa: {  	[tilespmem:s0+$0x6620] =	vst v62  }
0x1ab: {  	s26 =	rddreg [dreg:$0x9];
	s1 =	simm.s32 $0x6600;
	s29 =	simm.s32 $0x6;
	[tilespmem:s0+$0x6630] =	vst v63  }
0x1ac: {  	[hbm4b:s26+s3] =	stream.linear.scatter [tilespmem:s1], [sflag:$0x7], $0x6400, $0x38;
	[tilespmem:$0x12E00] =	vst v63  }
0x1ad: {  	_ =	swait.ge [sflag:s29], $0x6400  }
0x1ae: {  	[sflag:s29] =	ssyncset.done $0x0  }
0x1af: {  	s30 =	simm.s32 $0x7;
	[sflag:s29] =	ssyncadd.s32 $0xFFFF9C00  }
0x1b0: {  	_ =	swait.ge [sflag:s30], $0x6400  }
0x1b1: {  	s2 =	rddreg [dreg:$0xb]  }
0x1b2: {  	s31 =	rddreg [dreg:$0xa];
	s2 =	sadd.s32 $0x1, s2  }
0x1b3: {  	p0 =	sne.s32 s2, s31  }
.Ltmp7:
0x1b4: {  	_ = 	snop;
	(pc) =	sbr.rel @p0 .LBB2_1-.Ltmp7, $3  }
0x1b5: {  	_ =	sdelay $0x1  }
0x1b6: {  	[sflag:s30] =	ssyncset.done $0x0  }
0x1b7: {  	[sflag:s30] =	ssyncadd.s32 $0xFFFF9C00  }
0x1b8: {  	_ =	sfence.sel $0x180000  }
0x1b9: {  	[bflag:$0x0] =	sbarrier.arrive $0xFFFF  }
0x1ba: {  	_ =	strace $0x90000047  }
0x1bb: {  	s0 =	stileid.u32;
	[bflag:$0x2] =	sbarrier.arrive $0xFFFF  }
0x1bc: {  	p0 =	sne.s32 s0, $0x0;
	s0 =	rddreg [dreg:$0x2]  }
0x1bd: {  	s0 =	sadd.s32 @!p0 $0x100000, s0  }
0x1be: {  	[sflag:s0] =	ssyncadd.tile.s32 @!p0 $0x1;
	_ =	shalt  }
.Lfunc_end2:
_tile_overlayer_lowered:
.L_overlay_start_2:
0x1bf: {  	(tag) =	ssettag $0x2  }
0x1c0: {  	s0 =	rddreg [dreg:$0x0];
	s2 =	stileid.u32  }
0x1c1: {  	s1 =	rddreg [dreg:$0x1];
	p0 =	sne.s32 s2, $0x0  }
0x1c2: {  	s3 =	rddreg [dreg:$0x2];
	[bflag:$0x3] =	sbarrier.arrive $0xFFFF;
	s2 =	simm.s32 @!p0 $0x1C08  }
0x1c3: {  	[timem:s3], [sflag:s2] =	dma.local @!p0 [hbm:s0], s1  }
0x1c4: {  	s0 =	simm.s32 @!p0 $0x8  }
0x1c5: {  	_ =	swait.ge @!p0 [sflag:s0], s1  }
0x1c6: {  	s1 =	ssub.s32 @!p0 $0x0, s1;
	[sflag:s0] =	ssyncset.done @!p0 $0x0  }
0x1c7: {  	[sflag:s0] =	ssyncadd.s32 @!p0 s1  }
0x1c8: {  	[bflag:$0x3] =	sbarrier.arrive $0xFFFF  }
0x1c9: {  	_ =	shalt  }

// kernel: sparse-core-data-format-call.cloned.1.call-start
scs
called_computation_lowered:
.L_overlay_start_0:
0x0: {  	s2 =	sld [smem:$0x3FD9]  }
0x1: {  	s3 =	sld [smem:$0x3FFE];
	_ =	sdelay $0x1  }
0x2: {  	s1 =	srdreg.scid  }
0x3: {  	s0 =	sand.u32 $0x1, s1  }
0x4: {  	s18 =	sshll.u32 s0, $0xA;
	s2 =	sadd.s32 s3, s2  }
0x5: {  	s2 =	sadd.s32 s2, s18  }
0x6: {  	[smem:$0x3FC6] =	sst s2  }
0x7: {  	_ = 	snop  }
0x8: {  	s2 =	sld [smem:$0x3FD0];
	(tm) =	ssettm $0x1  }
0x9: {  	s19 =	sld [smem:$0x3FFB];
	_ =	sdelay $0x3  }
0xa: {  	_ =	strace s19  }
0xb: {  	s3 =	sld [smem:$0x3FFC];
	_ =	sdelay $0x3  }
0xc: {  	_ =	strace s3  }
0xd: {  	s3 =	sld [smem:$0x3FFD];
	_ =	sdelay $0x3  }
0xe: {  	_ =	strace s3  }
0xf: {  	_ =	strace $0x8FFFFFFF  }
0x10: {  	s20 =	sld [smem:$0x3FDB];
	_ =	sdelay $0x1  }
0x11: {  	s4 =	simm.s32 $_scs_section_size  }
0x12: {  	s5 =	simm.s32 $_size__tile_overlayer_lowered;
	s6 =	simm.s32 $_tile_overlayer_lowered  }
0x13: {  	s23 =	simm.s32 $0x1BFF;
	s22 =	sshll.u32 s6, $0x1;
	s3 =	sadd.s32 s4, s20  }
0x14: {  	s7 =	simm.s32 $0x0;
	s21 =	sshll.u32 s5, $0x1;
	s5 =	sadd.s32 s22, s3  }
0x15: {  	[timem:s7], [sflag:s23] =	dma.local [hbm:s5], s21  }
0x16: {  	_ =	swait.ge [sflag:s23], s21  }
0x17: {  	s4 =	ssub.s32 $0x0, s21;
	[sflag:s23] =	ssyncset.done $0x0  }
0x18: {  	[sflag:s23] =	ssyncadd.s32 s4;
	_ =	sdelay $0x1  }
0x19: {  	s24 =	simm.s32 $0x1B8B  }
0x1a: {  	_ =	swait.ge [sflag:s24], $0x1  }
0x1b: {  	[sflag:s24] =	ssyncset.done $0x0  }
0x1c: {  	s26 =	simm.s32 $0x1B8E;
	s25 =	sld [smem:$0x3FFE];
	[sflag:s24] =	ssyncadd.s32 $0xFFFFFFFF  }
0x1d: {  	s27 =	simm.s32 $execute0_lowered;
	[smem:$0x3FD2] =	sst s26  }
0x1e: {  	s5 =	sshll.u32 s27, $0x1;
	_ =	strace $0x80000049;
	[dreg:$0x1] =	wrdreg $0xFFFFFFFF  }
0x1f: {  	s28 =	simm.s32 $_size_execute0_lowered;
	s3 =	sadd.s32 s3, s5;
	[dreg:$0x0] =	wrdreg $0x0  }
0x20: {  	s5 =	sshll.u32 s28, $0x1;
	[dreg:$0x2] =	wrdreg s3  }
0x21: {  	[dreg:$0x3] =	wrdreg s5  }
0x22: {  	[dreg:$0x4] =	wrdreg $0xC0  }
0x23: {  	_ =	task [dreg:s7], $0x5FFFF  }
0x24: {  	[dreg:$0x1] =	wrdreg $0xFFFFFFFF  }
0x25: {  	[dreg:$0x0] =	wrdreg $0x60  }
0x26: {  	[dreg:$0x2] =	wrdreg s25  }
0x27: {  	[dreg:$0x3] =	wrdreg s2  }
0x28: {  	[dreg:$0x4] =	wrdreg $0x9  }
0x29: {  	_ =	task.clear_ibuf [dreg:s7], $0x5FFFF;
	_ =	strace $0x90000049  }
0x2a: {  	s29 =	simm.s32 $0x9;
	_ =	strace $0x8000004B  }
0x2b: {  	_ =	swait.ge [sflag:s29], $0x1  }
0x2c: {  	[sflag:s29] =	ssyncadd.s32 $0xFFFFFFFF  }
0x2d: {  	_ =	strace $0x9000004B  }
0x2e: {  	_ =	sfence  }
0x2f: {  	s30 =	sld [smem:$0x0];
	_ =	sdelay $0x2  }
0x30: {  	s31 =	sshll.u32 s1, $0xD;
	s1 =	sshrl.u32 s1, $0x2  }
0x31: {  	s3 =	sand.u32 $0x4000, s31;
	s1 =	sadd.s32 s1, s30  }
0x32: {  	s0 =	sor.u32 s3, s0;
	s1 =	sshll.u32 s1, $0x11  }
0x33: {  	s0 =	sor.u32 s1, s0  }
0x34: {  	s0 =	sadd.s32 $0x8F2B, s0  }
0x35: {  	[sflag:s0] =	ssyncadd.remote.s32 $0x1  }
0x36: {  	_ =	sfence.sel $0xFFFF  }
0x37: {  	[dreg:$0x0] =	wrdreg $0xFFFFFFFF;
	(pc) =	sbr.abs _section_cstart, $3  }
0x38: {  	[dreg:$0x1] =	wrdreg $0xFFFFFFFF  }
0x39: {  	_ =	task.clear_ibuf [dreg:s7], $0x2FFFF;
	_ =	strace $0x9FFFFFFF  }
0x3a: {  	(tm) =	ssettm $0x7FFFFFFF  }
0x3b: {  	_ =	shalt  }
tec
execute0_lowered:
.L_overlay_start_1:
0x0: {  	(tag) =	ssettag $0x1  }
0x1: {  	s0 =	stileid.u32;
	s6 =	rddreg [dreg:$0x0]  }
0x2: {  	s2 =	rddreg [dreg:$0x1];
	s5 =	srdreg.scid  }
0x3: {  	s31 =	simm.s32 $0x2;
	s13 =	simm.s32 $0x0;
	s1 =	sshll.u32 s0, $0x7  }
0x4: {  	s14 =	simm.s32 $0x0;
	s12 =	simm.s32 $0x0;
	s3 =	sand.u32 $0x380, s1  }
0x5: {  	s5 =	sshll.u32 s5, $0x4;
	s6 =	sadd.s32 $0xF43C00, s6;
	s4 =	ssub.s32 $0x400, s3  }
0x6: {  	s1 =	rddreg [dreg:$0x2];
	_ =	strace $0x8000004A;
	s7 =	sand.u32 $0x380, s4  }
0x7: {  	s5 =	sand.u32 $0x10, s5;
	p0 =	sne.s32 s7, $0x0;
	s7 =	simm.s32 $0x1  }
.Ltmp0:
0x8: {  	s8 =	sshrl.u32 s4, $0xA;
	s7 =	simm.s32 @!p0 $0x0;
	(pc) =	sbr.rel .LBB1_1-.Ltmp0, $4  }
0x9: {  	s9 =	sor.u32 s0, s5;
	s4 =	simm.s32 $0x1;
	s30 =	sadd.s32 s7, s8  }
0xa: {  	s11 =	smov.u32 s3;
	[sflag:s4] =	ssyncpa.u1 $0x0;
	s5 =	smul.u32 $0x32, s30  }
0xb: {  	[sflag:s31] =	ssyncpa.u1 $0x0;
	p0 =	por $0x0, $0x0;
	s7 =	sshrl.u32 s9, $0x3  }
0xc: {  	s9 =	simm.s32 $0x2000;
	s10 =	smov.u32 s7;
	s8 =	sor.u32 $0x1, s5  }
.LBB1_4:
0xd: {  	s17 =	sand.u32 $0x1F80, s14;
	s13 =	sshll.u32 s13, $0xD  }
0xe: {  	[tilespmem:s16+$0x810 ss:$0x81] =	vst.msk $0xffff, v2;
	s18 =	sshrl.u32 s14, $0x3;
	s31 =	sand.u32 $0x7, s14;
	s17 =	sadd.s32 s2, s17  }
0xf: {  	[tilespmem:s16+$0x1020 ss:$0x81] =	vst.msk $0xffff, v0;
	s18 =	sand.u32 $0xF, s18;
	s14 =	sshll.u32 s31, $0x12;
	s13 =	sadd.s32 s13, s17  }
0x10: {  	[tilespmem:s16+$0x0 ss:$0x81] =	vst.msk $0xffff, v1;
	s14 =	sor.u32 $0x400, s14;
	s13 =	sadd.s32 s18, s13  }
0x11: {  	[hbm4b:s13+s14] =	stream.strided.scatter [tilespmem:s15], [sflag:$0x2], $0x2000, s9, s14, $0x20;
	[tilespmem:$0x8080] =	vst v63  }
.LBB1_5:
0x12: {  	s15 =	sadd.s32 $0x4, s10  }
0x13: {  	s13 =	sadd.s32 $0x400, s11;
	s17 =	smov.u32 s11;
	p2 =	sgt.s32 s15, $0xC7  }
0x14: {  	s17 =	smov.u32 @p2 s13  }
0x15: {  	s15 =	smov.u32 @p2 s7;
	p2 =	sgt.s32 s17, $0x3FF  }
0x16: {  	s17 =	smov.u32 @p2 s3;
	p2 =	sne.s32 s12, s8  }
.Ltmp1:
0x17: {  	p1 =	slt.u32 s12, $0x2;
	(pc) =	sbr.rel @!p2 .LBB1_6-.Ltmp1, $4  }
0x18: {  	s16 =	simm.s32 @!p1 $0x2  }
0x19: {  	s14 =	smov.u32 s11;
	p0 =	por !p0, !p0;
	_ =	swait.ge @!p1 [sflag:s16], $0x2000  }
0x1a: {  	s13 =	smov.u32 s10;
	[sflag:s16] =	ssyncset.done @!p1 $0x0;
	s10 =	smov.u32 s15  }
0x1b: {  	s12 =	sadd.s32 $0x1, s12;
	[sflag:s16] =	ssyncadd.s32 @!p1 $0xFFFFE000;
	s11 =	smov.u32 s17  }
.LBB1_1:
0x1c: {  	p1 =	sge.u32 s12, s5  }
0x1d: {  	s15 =	sand.u32 @!p1 $0x1FFFFFF, s10  }
0x1e: {  	s16 =	smulhi.u32 @!p1 $0x147AE15, s15;
	_ =	sdelay $0x1  }
0x1f: {  	s16 =	smul.u32 @!p1 $0xC8, s16  }
0x20: {  	s17 =	sxor.u32 @!p1 $0xFFFFFFFF, s12;
	s18 =	smul.u32 @!p1 $0xC80, s11  }
0x21: {  	s31 =	sadd.s32 $0xFFFFFFFF, s12;
	s17 =	sshll.u32 @!p1 s17, $0xD;
	s15 =	ssub.s32 @!p1 s15, s16  }
0x22: {  	s16 =	sand.u32 @!p1 $0x2000, s17;
	s17 =	sadd.s32 @!p1 s6, s18;
	s15 =	sshll.u32 @!p1 s15, $0x4  }
0x23: {  	s18 =	simm.s32 @!p1 $0x6400;
	s15 =	sadd.s32 @!p1 s15, s17;
	s17 =	simm.s32 @!p1 $0x40  }
0x24: {  	[tilespmem:s16], [sflag:$0x1] =	stream.strided.gather @!p1 [hbm4b:s15+s17], $0x2000, s18, s17, $0x38;
	[tilespmem:$0x8080] =	vst v63  }
0x25: {  	p1 =	sge.u32 s31, s5  }
.Ltmp2:
0x26: {  	_ = 	snop;
	(pc) =	sbr.rel @p1 .LBB1_5-.Ltmp2, $1  }
0x27: {  	_ =	sdelay $0x3  }
0x28: {  	s15 =	simm.s32 $0x1  }
0x29: {  	_ =	swait.ge [sflag:s4], $0x2000;
	s15 =	simm.s32 @!p0 $0x0  }
0x2a: {  	[sflag:s4] =	ssyncset.done $0x0;
	s16 =	sshll.u32 s15, $0xD  }
0x2b: {  	[sflag:s4] =	ssyncadd.s32 $0xFFFFE000;
	s19 =	sor.u32 $0x20, s16  }
0x2c: {  	s15 =	smul.u32 $0x8100, s15;
	v3 =	vld [tilespmem:s19+$0x10]  }
0x2d: {  	s30 =	sand.u32 $0x1, s12;
	v2 =	vld [tilespmem:s19+$0xFFFFFFF0]  }
0x2e: {  	s16 =	smul.u32 $0x8100, s30;
	s15 =	sshrl.u32 s15, $0x2;
	v0 =	vld [tilespmem:s19+$0x0]  }
0x2f: {  	v1 =	vld [tilespmem:s19+$0xFFFFFFE0];
	s17 =	sor.u32 $0x4000, s15  }
0x30: {  	s31 =	sshrl.u32 s16, $0x2;
	s16 =	sadd.s32 $0x0, s17  }
0x31: {  	s18 =	simm.s32 $0x4;
	s19 =	sadd.s32 $0x40, s19;
	s15 =	sor.u32 $0x4000, s31;
	[tilespmem:s16+$0x1830 ss:$0x81] =	vst.msk $0xffff, v3  }
.LBB1_3:
0x32: {  	v3 =	vld [tilespmem:s19+$0x10];
	p1 =	sne.s32 s18, $0x1FC;
	[tilespmem:s16+$0x810 ss:$0x81] =	vst.msk $0xffff, v2;
	s20 =	smov.u32 s18;
	s18 =	sadd.s32 $0x4, s18  }
.Ltmp3:
0x33: {  	v2 =	vld [tilespmem:s19+$0xFFFFFFF0];
	[tilespmem:s16+$0x1020 ss:$0x81] =	vst.msk $0xffff, v0;
	(pc) =	sbr.rel @p1 .LBB1_3-.Ltmp3, $4  }
0x34: {  	v0 =	vld [tilespmem:s19+$0x0];
	[tilespmem:s16+$0x0 ss:$0x81] =	vst.msk $0xffff, v1  }
0x35: {  	s16 =	sshra.s32 s20, $0x2;
	v1 =	vld [tilespmem:s19+$0xFFFFFFE0]  }
0x36: {  	s16 =	sadd.s32 s16, s17  }
0x37: {  	s19 =	sadd.s32 $0x40, s19;
	[tilespmem:s16+$0x1830 ss:$0x81] =	vst.msk $0xffff, v3  }
.Ltmp4:
0x38: {  	_ = 	snop;
	(pc) =	sbr.rel .LBB1_4-.Ltmp4, $1  }
0x39: {  	_ =	sdelay $0x3  }
.LBB1_6:
0x3a: {  	_ =	sfence.sel $0x180000  }
0x3b: {  	s2 =	simm.s32 $0x1;
	[bflag:$0x0] =	sbarrier.arrive $0xFFFF  }
0x3c: {  	s31 =	simm.s32 $0x2;
	[sflag:s2] =	ssyncpa.u1 $0x1  }
0x3d: {  	[sflag:s31] =	ssyncpa.u1 $0x1  }
0x3e: {  	p0 =	sne.s32 s0, $0x0;
	_ =	strace $0x9000004A  }
0x3f: {  	s0 =	sadd.s32 @!p0 $0x100000, s1;
	[bflag:$0x2] =	sbarrier.arrive $0xFFFF  }
0x40: {  	[sflag:s0] =	ssyncadd.tile.s32 @!p0 $0x1;
	_ =	shalt  }
.Lfunc_end1:
_tile_overlayer_lowered:
.L_overlay_start_2:
0x41: {  	(tag) =	ssettag $0x2  }
0x42: {  	s0 =	rddreg [dreg:$0x0];
	s2 =	stileid.u32  }
0x43: {  	s1 =	rddreg [dreg:$0x1];
	p0 =	sne.s32 s2, $0x0  }
0x44: {  	s3 =	rddreg [dreg:$0x2];
	[bflag:$0x3] =	sbarrier.arrive $0xFFFF;
	s2 =	simm.s32 @!p0 $0x1C01  }
0x45: {  	[timem:s3], [sflag:s2] =	dma.local @!p0 [hbm:s0], s1  }
0x46: {  	s0 =	simm.s32 @!p0 $0x1  }
0x47: {  	_ =	swait.ge @!p0 [sflag:s0], s1  }
0x48: {  	s1 =	ssub.s32 @!p0 $0x0, s1;
	[sflag:s0] =	ssyncset.done @!p0 $0x0  }
0x49: {  	[sflag:s0] =	ssyncadd.s32 @!p0 s1  }
0x4a: {  	[bflag:$0x3] =	sbarrier.arrive $0xFFFF  }
0x4b: {  	_ =	shalt  }

</sc_bundles>
